<compile_context>
chip_gen: v7x
topology: tpu7x:2x2x1
jax: 0.10.2.dev20260603
libtpu: 0.0.44.dev20260713+nightly
codegen_flags: <defaults>
</compile_context>

<pallas_src>
import functools

import jax
import jax.numpy as jnp
from jax import lax
from jax.experimental import pallas as pl
from jax.experimental.pallas import tpu as pltpu
from jax.experimental.pallas import tpu_sc as plsc

_CHUNK = 128
_IBLK = 40
_NBLK = 2


@functools.cache
def _make_spmm(N, D, E_pad):
    info = plsc.get_sparse_core_info()
    NC, NS = info.num_cores, info.num_subcores
    NW = NC * NS
    assert E_pad == NW * _NBLK * _IBLK * _CHUNK
    ZROWS = 8
    N_pad = -(-N // (ZROWS * NS)) * (ZROWS * NS)
    rows_per_tile = N_pad // NS
    n_z = rows_per_tile // ZROWS

    mesh = plsc.VectorSubcoreMesh(core_axis_name="c", subcore_axis_name="s")

    @functools.partial(
        pl.kernel,
        mesh=mesh,
        out_type=jax.ShapeDtypeStruct((NC, N_pad, D), jnp.float32),
        scratch_types=[
            pltpu.VMEM((_IBLK, _CHUNK), jnp.int32),
            pltpu.VMEM((_NBLK * _IBLK, _CHUNK), jnp.int32),
            pltpu.VMEM((2, _CHUNK, D), jnp.float32),
            pltpu.VMEM((ZROWS, D), jnp.float32),
            pltpu.VMEM_SHARED((N_pad, D), jnp.float32),
            pltpu.SemaphoreType.DMA,
            pltpu.SemaphoreType.DMA,
        ],
    )
    def spmm(x_hbm, src_hbm, dst_hbm, out_hbm, sidx, didx, rows,
             zbuf, acc, gsem, ssem):
        cid = lax.axis_index("c")
        sid = lax.axis_index("s")
        wid = sid * NC + cid

        for i in range(ZROWS):
            for j in range(D // 16):
                zbuf[i, pl.ds(j * 16, 16)] = jnp.zeros((16,), jnp.float32)

        def zdesc(k):
            return pltpu.make_async_copy(
                zbuf, acc.at[pl.ds(sid * rows_per_tile + k * ZROWS, ZROWS)], ssem)

        def zfire(k, carry):
            zdesc(k).start()
            return carry

        def zdrain(k, carry):
            zdesc(k).wait()
            return carry

        lax.fori_loop(0, n_z, zfire, 0)

        def g_start(c):
            pltpu.make_async_copy(
                x_hbm.at[sidx.at[c % _IBLK]], rows.at[c % 2], gsem).start()

        def g_wait(c):
            pltpu.make_async_copy(
                x_hbm.at[sidx.at[c % _IBLK]], rows.at[c % 2], gsem).wait()

        def s_start(c):
            pltpu.async_copy(rows.at[c % 2], acc.at[didx.at[c]], ssem, add=True)

        def s_wait(c):
            pltpu.make_async_copy(rows.at[c % 2], acc.at[didx.at[c]], ssem).wait()

        n_chunks = _NBLK * _IBLK
        pltpu.sync_copy(src_hbm.at[wid, pl.ds(0, _IBLK)], sidx)
        pltpu.sync_copy(dst_hbm.at[wid], didx)
        g_start(0)
        lax.fori_loop(0, n_z, zdrain, 0)
        plsc.subcore_barrier()

        def pipe(c, carry):
            g_wait(c)

            @pl.when(c < n_chunks - 1)
            def _prefetch():
                @pl.when(c >= 1)
                def _free():
                    s_wait(c - 1)

                @pl.when(c % _IBLK == _IBLK - 1)
                def _refill():
                    pltpu.sync_copy(
                        src_hbm.at[wid, pl.ds((c // _IBLK + 1) * _IBLK, _IBLK)],
                        sidx)

                g_start(c + 1)

            s_start(c)
            return carry

        lax.fori_loop(0, n_chunks, pipe, 0)
        s_wait(n_chunks - 2)
        s_wait(n_chunks - 1)
        plsc.subcore_barrier()

        base = sid * rows_per_tile
        pltpu.sync_copy(acc.at[pl.ds(base, rows_per_tile)],
                        out_hbm.at[cid, pl.ds(base, rows_per_tile)])

    return spmm


@functools.cache
def _make_mlp(N, D, BLK=5000):
    def body(eps_ref, x_ref, p_ref, wa_ref, ba_ref, wb_ref, bb_ref, o_ref):
        scale = 1.0 + eps_ref[0]
        hin = x_ref[:] * scale + p_ref[0] + p_ref[1]
        t = lax.dot_general(hin, wa_ref[:], (((1,), (1,)), ((), ())),
                            preferred_element_type=jnp.float32)
        t = jnp.maximum(t + ba_ref[:], 0.0)
        o = lax.dot_general(t, wb_ref[:], (((1,), (1,)), ((), ())),
                            preferred_element_type=jnp.float32)
        o_ref[:] = o + bb_ref[:]

    return pl.pallas_call(
        body,
        grid=(N // BLK,),
        in_specs=[
            pl.BlockSpec(memory_space=pltpu.SMEM),
            pl.BlockSpec((BLK, D), lambda i: (i, 0)),
            pl.BlockSpec((2, BLK, D), lambda i: (0, i, 0)),
            pl.BlockSpec((D, D), lambda i: (0, 0)),
            pl.BlockSpec((1, D), lambda i: (0, 0)),
            pl.BlockSpec((D, D), lambda i: (0, 0)),
            pl.BlockSpec((1, D), lambda i: (0, 0)),
        ],
        out_specs=pl.BlockSpec((BLK, D), lambda i: (i, 0)),
        out_shape=jax.ShapeDtypeStruct((N, D), jnp.float32),
    )


def kernel(x, edge_index, eps, W1a, b1a, W1b, b1b, W2a, b2a, W2b, b2b):
    N, D = x.shape
    E = edge_index.shape[1]
    info = plsc.get_sparse_core_info()
    NW = info.num_cores * info.num_subcores
    per_t_pad = _NBLK * _IBLK * _CHUNK
    pad = per_t_pad - E // NW
    N_pad = -(-N // (8 * info.num_subcores)) * (8 * info.num_subcores)
    pad_src = ((jnp.arange(NW, dtype=jnp.int32)[:, None] * 331
                + jnp.arange(pad, dtype=jnp.int32)[None, :] * 13) % N)
    pad_dst = N + jnp.broadcast_to(
        jnp.arange(pad, dtype=jnp.int32) % max(N_pad - N, 1), (NW, pad))
    src = jnp.concatenate(
        [edge_index[0].astype(jnp.int32).reshape(NW, E // NW), pad_src], axis=1)
    dst = jnp.concatenate(
        [edge_index[1].astype(jnp.int32).reshape(NW, E // NW), pad_dst], axis=1)
    src = src.reshape(NW, _NBLK * _IBLK, _CHUNK)
    dst = dst.reshape(NW, _NBLK * _IBLK, _CHUNK)
    E_pad = NW * per_t_pad
    eps1 = jnp.asarray(eps, jnp.float32).reshape(1)

    spmm = _make_spmm(N, D, E_pad)
    mlp = _make_mlp(N, D)

    p = spmm(x, src, dst)
    h = mlp(eps1, x, p, W1a, b1a.reshape(1, D), W1b, b1b.reshape(1, D))
    p2 = spmm(h, src, dst)
    out = mlp(eps1, h, p2, W2a, b2a.reshape(1, D), W2b, b2b.reshape(1, D))
    return out

# --- scband reference (transcript-rebuilt; emitter-appended) ---
"""Pipeline reference for scband-ginnet-66726611911376 (READ-ONLY COPY).

The authoritative reference and input builder live on the scoring server;
editing this copy changes nothing except your own understanding.
"""

import jax, jax.numpy as jnp
import numpy as np

N = 10000
E = 320000
D_IN = 128
D_HID = 128
D_OUT = 128


def setup_inputs(seed: int = 0) -> dict:
    key = jax.random.key(seed)
    ks = jax.random.split(key, 12)
    x = jax.random.normal(ks[0], (N, D_IN), dtype=jnp.float32)
    edge_index = jax.random.randint(ks[1], (2, E), 0, N, dtype=jnp.int64) if jax.config.jax_enable_x64 else jax.random.randint(ks[1], (2, E), 0, N, dtype=jnp.int32)
    eps = jnp.asarray(0.1, dtype=jnp.float32)
    s1 = 1.0 / np.sqrt(D_IN)
    s2 = 1.0 / np.sqrt(D_HID)
    W1a = jax.random.uniform(ks[2], (D_HID, D_IN), jnp.float32, -s1, s1)
    b1a = jax.random.uniform(ks[3], (D_HID,), jnp.float32, -s1, s1)
    W1b = jax.random.uniform(ks[4], (D_HID, D_HID), jnp.float32, -s2, s2)
    b1b = jax.random.uniform(ks[5], (D_HID,), jnp.float32, -s2, s2)
    W2a = jax.random.uniform(ks[6], (D_HID, D_HID), jnp.float32, -s2, s2)
    b2a = jax.random.uniform(ks[7], (D_HID,), jnp.float32, -s2, s2)
    W2b = jax.random.uniform(ks[8], (D_OUT, D_HID), jnp.float32, -s2, s2)
    b2b = jax.random.uniform(ks[9], (D_OUT,), jnp.float32, -s2, s2)
    return {"x": x, "edge_index": edge_index, "eps": eps,
            "W1a": W1a, "b1a": b1a, "W1b": W1b, "b1b": b1b,
            "W2a": W2a, "b2a": b2a, "W2b": W2b, "b2b": b2b}


def _spmm(edge_index, x):
    # sum-adjacency sparse matmul: agg[dst] += x[src]
    src = edge_index[0]
    dst = edge_index[1]
    return jnp.zeros((N, x.shape[1]), dtype=x.dtype).at[dst].add(jnp.take(x, src, axis=0))


def reference(x, edge_index, eps, W1a, b1a, W1b, b1b, W2a, b2a, W2b, b2b):
    agg = _spmm(edge_index, x)
    h = (1.0 + eps) * x + agg
    h = h @ W1a.T + b1a
    h = jax.nn.relu(h)
    h = h @ W1b.T + b1b
    agg2 = _spmm(edge_index, h)
    out = (1.0 + eps) * h + agg2
    out = out @ W2a.T + b2a
    out = jax.nn.relu(out)
    out = out @ W2b.T + b2b
    return out

if __name__ == "__main__":
    import jax
    _d = setup_inputs()
    print(jax.jit(kernel)(*tuple(_d.values())))

</pallas_src>

<mosaic_0001>
#map = affine_map<(d0, d1) -> (0, 0)>
#map1 = affine_map<(d0, d1) -> (0, 0, 0)>
module attributes {stable_mosaic.version = 14 : i64} {
  func.func @spmm(%arg0: i32, %arg1: i32, %arg2: memref<10000x128xf32, #tpu.memory_space<hbm>>, %arg3: memref<32x80x128xi32, #tpu.memory_space<hbm>>, %arg4: memref<32x80x128xi32, #tpu.memory_space<hbm>>, %arg5: memref<2x10112x128xf32, #tpu.memory_space<hbm>>, %arg6: memref<40x128xi32, #tpu.memory_space<vmem>>, %arg7: memref<80x128xi32, #tpu.memory_space<vmem>>, %arg8: memref<2x128x128xf32, #tpu.memory_space<vmem>>, %arg9: memref<8x128xf32, #tpu.memory_space<vmem>>, %arg10: memref<10112x128xf32, #tpu.memory_space<vmem_shared>>, %arg11: memref<!tpu.dma_semaphore, #tpu.memory_space<semaphore_mem>>, %arg12: memref<!tpu.dma_semaphore, #tpu.memory_space<semaphore_mem>>) attributes {dimension_semantics = [#tpu.dimension_semantics<core_parallel>, #tpu.dimension_semantics<subcore_parallel>], iteration_bounds = array<i64: 2, 16>, scalar_prefetch = 0 : i64, scratch_operands = 7 : i64, tpu.core_type = #tpu.core_type<sc_vector_subcore>, window_params = [{transform_indices = #map}, {transform_indices = #map1}, {transform_indices = #map1}, {transform_indices = #map1}]} {
    %mul3A = arith.constant 2 : i32
    %mul3A_0 = arith.muli %arg1, %mul3A : i32
    %add3A = arith.addi %mul3A_0, %arg0 : i32
    %broadcast_in_dim3A = arith.constant 0.000000e+00 : f32
    %broadcast_in_dim3A_1 = vector.broadcast %broadcast_in_dim3A : f32 to vector<16xf32>
    %swap3A = arith.constant 0 : i32
    %swap3A_2 = arith.index_cast %swap3A : i32 to index
    %swap3A_3 = arith.constant 0 : index
    %swap3A_4 = tpu.vector_load %arg9[%swap3A_2, %swap3A_3] {strides = array<i32>} : memref<8x128xf32, #tpu.memory_space<vmem>>, vector<1x16xf32>,
    %swap3A_5 = vector.shape_cast %swap3A_4 : vector<1x16xf32> to vector<16xf32>
    %swap3A_6 = vector.shape_cast %broadcast_in_dim3A_1 : vector<16xf32> to vector<1x16xf32>
    tpu.vector_store %arg9[%swap3A_2, %swap3A_3], %swap3A_6 {strides = array<i32>} : memref<8x128xf32, #tpu.memory_space<vmem>>, vector<1x16xf32>,
    %broadcast_in_dim3A_7 = arith.constant 0.000000e+00 : f32
    %broadcast_in_dim3A_8 = vector.broadcast %broadcast_in_dim3A_7 : f32 to vector<16xf32>
    %swap3A_9 = arith.constant 0 : i32
    %swap3A_10 = arith.index_cast %swap3A_9 : i32 to index
    %swap3A_11 = arith.constant 16 : index
    %swap3A_12 = tpu.vector_load %arg9[%swap3A_10, %swap3A_11] {strides = array<i32>} : memref<8x128xf32, #tpu.memory_space<vmem>>, vector<1x16xf32>,
    %swap3A_13 = vector.shape_cast %swap3A_12 : vector<1x16xf32> to vector<16xf32>
    %swap3A_14 = vector.shape_cast %broadcast_in_dim3A_8 : vector<16xf32> to vector<1x16xf32>
    tpu.vector_store %arg9[%swap3A_10, %swap3A_11], %swap3A_14 {strides = array<i32>} : memref<8x128xf32, #tpu.memory_space<vmem>>, vector<1x16xf32>,
    %broadcast_in_dim3A_15 = arith.constant 0.000000e+00 : f32
    %broadcast_in_dim3A_16 = vector.broadcast %broadcast_in_dim3A_15 : f32 to vector<16xf32>
    %swap3A_17 = arith.constant 0 : i32
    %swap3A_18 = arith.index_cast %swap3A_17 : i32 to index
    %swap3A_19 = arith.constant 32 : index
    %swap3A_20 = tpu.vector_load %arg9[%swap3A_18, %swap3A_19] {strides = array<i32>} : memref<8x128xf32, #tpu.memory_space<vmem>>, vector<1x16xf32>,
    %swap3A_21 = vector.shape_cast %swap3A_20 : vector<1x16xf32> to vector<16xf32>
    %swap3A_22 = vector.shape_cast %broadcast_in_dim3A_16 : vector<16xf32> to vector<1x16xf32>
    tpu.vector_store %arg9[%swap3A_18, %swap3A_19], %swap3A_22 {strides = array<i32>} : memref<8x128xf32, #tpu.memory_space<vmem>>, vector<1x16xf32>,
    %broadcast_in_dim3A_23 = arith.constant 0.000000e+00 : f32
    %broadcast_in_dim3A_24 = vector.broadcast %broadcast_in_dim3A_23 : f32 to vector<16xf32>
    %swap3A_25 = arith.constant 0 : i32
    %swap3A_26 = arith.index_cast %swap3A_25 : i32 to index
    %swap3A_27 = arith.constant 48 : index
    %swap3A_28 = tpu.vector_load %arg9[%swap3A_26, %swap3A_27] {strides = array<i32>} : memref<8x128xf32, #tpu.memory_space<vmem>>, vector<1x16xf32>,
    %swap3A_29 = vector.shape_cast %swap3A_28 : vector<1x16xf32> to vector<16xf32>
    %swap3A_30 = vector.shape_cast %broadcast_in_dim3A_24 : vector<16xf32> to vector<1x16xf32>
    tpu.vector_store %arg9[%swap3A_26, %swap3A_27], %swap3A_30 {strides = array<i32>} : memref<8x128xf32, #tpu.memory_space<vmem>>, vector<1x16xf32>,
    %broadcast_in_dim3A_31 = arith.constant 0.000000e+00 : f32
    %broadcast_in_dim3A_32 = vector.broadcast %broadcast_in_dim3A_31 : f32 to vector<16xf32>
    %swap3A_33 = arith.constant 0 : i32
    %swap3A_34 = arith.index_cast %swap3A_33 : i32 to index
    %swap3A_35 = arith.constant 64 : index
    %swap3A_36 = tpu.vector_load %arg9[%swap3A_34, %swap3A_35] {strides = array<i32>} : memref<8x128xf32, #tpu.memory_space<vmem>>, vector<1x16xf32>,
    %swap3A_37 = vector.shape_cast %swap3A_36 : vector<1x16xf32> to vector<16xf32>
    %swap3A_38 = vector.shape_cast %broadcast_in_dim3A_32 : vector<16xf32> to vector<1x16xf32>
    tpu.vector_store %arg9[%swap3A_34, %swap3A_35], %swap3A_38 {strides = array<i32>} : memref<8x128xf32, #tpu.memory_space<vmem>>, vector<1x16xf32>,
    %broadcast_in_dim3A_39 = arith.constant 0.000000e+00 : f32
    %broadcast_in_dim3A_40 = vector.broadcast %broadcast_in_dim3A_39 : f32 to vector<16xf32>
    %swap3A_41 = arith.constant 0 : i32
    %swap3A_42 = arith.index_cast %swap3A_41 : i32 to index
    %swap3A_43 = arith.constant 80 : index
    %swap3A_44 = tpu.vector_load %arg9[%swap3A_42, %swap3A_43] {strides = array<i32>} : memref<8x128xf32, #tpu.memory_space<vmem>>, vector<1x16xf32>,
    %swap3A_45 = vector.shape_cast %swap3A_44 : vector<1x16xf32> to vector<16xf32>
    %swap3A_46 = vector.shape_cast %broadcast_in_dim3A_40 : vector<16xf32> to vector<1x16xf32>
    tpu.vector_store %arg9[%swap3A_42, %swap3A_43], %swap3A_46 {strides = array<i32>} : memref<8x128xf32, #tpu.memory_space<vmem>>, vector<1x16xf32>,
    %broadcast_in_dim3A_47 = arith.constant 0.000000e+00 : f32
    %broadcast_in_dim3A_48 = vector.broadcast %broadcast_in_dim3A_47 : f32 to vector<16xf32>
    %swap3A_49 = arith.constant 0 : i32
    %swap3A_50 = arith.index_cast %swap3A_49 : i32 to index
    %swap3A_51 = arith.constant 96 : index
    %swap3A_52 = tpu.vector_load %arg9[%swap3A_50, %swap3A_51] {strides = array<i32>} : memref<8x128xf32, #tpu.memory_space<vmem>>, vector<1x16xf32>,
    %swap3A_53 = vector.shape_cast %swap3A_52 : vector<1x16xf32> to vector<16xf32>
    %swap3A_54 = vector.shape_cast %broadcast_in_dim3A_48 : vector<16xf32> to vector<1x16xf32>
    tpu.vector_store %arg9[%swap3A_50, %swap3A_51], %swap3A_54 {strides = array<i32>} : memref<8x128xf32, #tpu.memory_space<vmem>>, vector<1x16xf32>,
    %broadcast_in_dim3A_55 = arith.constant 0.000000e+00 : f32
    %broadcast_in_dim3A_56 = vector.broadcast %broadcast_in_dim3A_55 : f32 to vector<16xf32>
    %swap3A_57 = arith.constant 0 : i32
    %swap3A_58 = arith.index_cast %swap3A_57 : i32 to index
    %swap3A_59 = arith.constant 112 : index
    %swap3A_60 = tpu.vector_load %arg9[%swap3A_58, %swap3A_59] {strides = array<i32>} : memref<8x128xf32, #tpu.memory_space<vmem>>, vector<1x16xf32>,
    %swap3A_61 = vector.shape_cast %swap3A_60 : vector<1x16xf32> to vector<16xf32>
    %swap3A_62 = vector.shape_cast %broadcast_in_dim3A_56 : vector<16xf32> to vector<1x16xf32>
    tpu.vector_store %arg9[%swap3A_58, %swap3A_59], %swap3A_62 {strides = array<i32>} : memref<8x128xf32, #tpu.memory_space<vmem>>, vector<1x16xf32>,
    %broadcast_in_dim3A_63 = arith.constant 0.000000e+00 : f32
    %broadcast_in_dim3A_64 = vector.broadcast %broadcast_in_dim3A_63 : f32 to vector<16xf32>
    %swap3A_65 = arith.constant 1 : i32
    %swap3A_66 = arith.index_cast %swap3A_65 : i32 to index
    %swap3A_67 = arith.constant 0 : index
    %swap3A_68 = tpu.vector_load %arg9[%swap3A_66, %swap3A_67] {strides = array<i32>} : memref<8x128xf32, #tpu.memory_space<vmem>>, vector<1x16xf32>,
    %swap3A_69 = vector.shape_cast %swap3A_68 : vector<1x16xf32> to vector<16xf32>
    %swap3A_70 = vector.shape_cast %broadcast_in_dim3A_64 : vector<16xf32> to vector<1x16xf32>
    tpu.vector_store %arg9[%swap3A_66, %swap3A_67], %swap3A_70 {strides = array<i32>} : memref<8x128xf32, #tpu.memory_space<vmem>>, vector<1x16xf32>,
    %broadcast_in_dim3A_71 = arith.constant 0.000000e+00 : f32
    %broadcast_in_dim3A_72 = vector.broadcast %broadcast_in_dim3A_71 : f32 to vector<16xf32>
    %swap3A_73 = arith.constant 1 : i32
    %swap3A_74 = arith.index_cast %swap3A_73 : i32 to index
    %swap3A_75 = arith.constant 16 : index
    %swap3A_76 = tpu.vector_load %arg9[%swap3A_74, %swap3A_75] {strides = array<i32>} : memref<8x128xf32, #tpu.memory_space<vmem>>, vector<1x16xf32>,
    %swap3A_77 = vector.shape_cast %swap3A_76 : vector<1x16xf32> to vector<16xf32>
    %swap3A_78 = vector.shape_cast %broadcast_in_dim3A_72 : vector<16xf32> to vector<1x16xf32>
    tpu.vector_store %arg9[%swap3A_74, %swap3A_75], %swap3A_78 {strides = array<i32>} : memref<8x128xf32, #tpu.memory_space<vmem>>, vector<1x16xf32>,
    %broadcast_in_dim3A_79 = arith.constant 0.000000e+00 : f32
    %broadcast_in_dim3A_80 = vector.broadcast %broadcast_in_dim3A_79 : f32 to vector<16xf32>
    %swap3A_81 = arith.constant 1 : i32
    %swap3A_82 = arith.index_cast %swap3A_81 : i32 to index
    %swap3A_83 = arith.constant 32 : index
    %swap3A_84 = tpu.vector_load %arg9[%swap3A_82, %swap3A_83] {strides = array<i32>} : memref<8x128xf32, #tpu.memory_space<vmem>>, vector<1x16xf32>,
    %swap3A_85 = vector.shape_cast %swap3A_84 : vector<1x16xf32> to vector<16xf32>
    %swap3A_86 = vector.shape_cast %broadcast_in_dim3A_80 : vector<16xf32> to vector<1x16xf32>
    tpu.vector_store %arg9[%swap3A_82, %swap3A_83], %swap3A_86 {strides = array<i32>} : memref<8x128xf32, #tpu.memory_space<vmem>>, vector<1x16xf32>,
    %broadcast_in_dim3A_87 = arith.constant 0.000000e+00 : f32
    %broadcast_in_dim3A_88 = vector.broadcast %broadcast_in_dim3A_87 : f32 to vector<16xf32>
    %swap3A_89 = arith.constant 1 : i32
    %swap3A_90 = arith.index_cast %swap3A_89 : i32 to index
    %swap3A_91 = arith.constant 48 : index
    %swap3A_92 = tpu.vector_load %arg9[%swap3A_90, %swap3A_91] {strides = array<i32>} : memref<8x128xf32, #tpu.memory_space<vmem>>, vector<1x16xf32>,
    %swap3A_93 = vector.shape_cast %swap3A_92 : vector<1x16xf32> to vector<16xf32>
    %swap3A_94 = vector.shape_cast %broadcast_in_dim3A_88 : vector<16xf32> to vector<1x16xf32>
    tpu.vector_store %arg9[%swap3A_90, %swap3A_91], %swap3A_94 {strides = array<i32>} : memref<8x128xf32, #tpu.memory_space<vmem>>, vector<1x16xf32>,
    %broadcast_in_dim3A_95 = arith.constant 0.000000e+00 : f32
    %broadcast_in_dim3A_96 = vector.broadcast %broadcast_in_dim3A_95 : f32 to vector<16xf32>
    %swap3A_97 = arith.constant 1 : i32
    %swap3A_98 = arith.index_cast %swap3A_97 : i32 to index
    %swap3A_99 = arith.constant 64 : index
    %swap3A_100 = tpu.vector_load %arg9[%swap3A_98, %swap3A_99] {strides = array<i32>} : memref<8x128xf32, #tpu.memory_space<vmem>>, vector<1x16xf32>,
    %swap3A_101 = vector.shape_cast %swap3A_100 : vector<1x16xf32> to vector<16xf32>
    %swap3A_102 = vector.shape_cast %broadcast_in_dim3A_96 : vector<16xf32> to vector<1x16xf32>
    tpu.vector_store %arg9[%swap3A_98, %swap3A_99], %swap3A_102 {strides = array<i32>} : memref<8x128xf32, #tpu.memory_space<vmem>>, vector<1x16xf32>,
    %broadcast_in_dim3A_103 = arith.constant 0.000000e+00 : f32
    %broadcast_in_dim3A_104 = vector.broadcast %broadcast_in_dim3A_103 : f32 to vector<16xf32>
    %swap3A_105 = arith.constant 1 : i32
    %swap3A_106 = arith.index_cast %swap3A_105 : i32 to index
    %swap3A_107 = arith.constant 80 : index
    %swap3A_108 = tpu.vector_load %arg9[%swap3A_106, %swap3A_107] {strides = array<i32>} : memref<8x128xf32, #tpu.memory_space<vmem>>, vector<1x16xf32>,
    %swap3A_109 = vector.shape_cast %swap3A_108 : vector<1x16xf32> to vector<16xf32>
    %swap3A_110 = vector.shape_cast %broadcast_in_dim3A_104 : vector<16xf32> to vector<1x16xf32>
    tpu.vector_store %arg9[%swap3A_106, %swap3A_107], %swap3A_110 {strides = array<i32>} : memref<8x128xf32, #tpu.memory_space<vmem>>, vector<1x16xf32>,
    %broadcast_in_dim3A_111 = arith.constant 0.000000e+00 : f32
    %broadcast_in_dim3A_112 = vector.broadcast %broadcast_in_dim3A_111 : f32 to vector<16xf32>
    %swap3A_113 = arith.constant 1 : i32
    %swap3A_114 = arith.index_cast %swap3A_113 : i32 to index
    %swap3A_115 = arith.constant 96 : index
    %swap3A_116 = tpu.vector_load %arg9[%swap3A_114, %swap3A_115] {strides = array<i32>} : memref<8x128xf32, #tpu.memory_space<vmem>>, vector<1x16xf32>,
    %swap3A_117 = vector.shape_cast %swap3A_116 : vector<1x16xf32> to vector<16xf32>
    %swap3A_118 = vector.shape_cast %broadcast_in_dim3A_112 : vector<16xf32> to vector<1x16xf32>
    tpu.vector_store %arg9[%swap3A_114, %swap3A_115], %swap3A_118 {strides = array<i32>} : memref<8x128xf32, #tpu.memory_space<vmem>>, vector<1x16xf32>,
    %broadcast_in_dim3A_119 = arith.constant 0.000000e+00 : f32
    %broadcast_in_dim3A_120 = vector.broadcast %broadcast_in_dim3A_119 : f32 to vector<16xf32>
    %swap3A_121 = arith.constant 1 : i32
    %swap3A_122 = arith.index_cast %swap3A_121 : i32 to index
    %swap3A_123 = arith.constant 112 : index
    %swap3A_124 = tpu.vector_load %arg9[%swap3A_122, %swap3A_123] {strides = array<i32>} : memref<8x128xf32, #tpu.memory_space<vmem>>, vector<1x16xf32>,
    %swap3A_125 = vector.shape_cast %swap3A_124 : vector<1x16xf32> to vector<16xf32>
    %swap3A_126 = vector.shape_cast %broadcast_in_dim3A_120 : vector<16xf32> to vector<1x16xf32>
    tpu.vector_store %arg9[%swap3A_122, %swap3A_123], %swap3A_126 {strides = array<i32>} : memref<8x128xf32, #tpu.memory_space<vmem>>, vector<1x16xf32>,
    %broadcast_in_dim3A_127 = arith.constant 0.000000e+00 : f32
    %broadcast_in_dim3A_128 = vector.broadcast %broadcast_in_dim3A_127 : f32 to vector<16xf32>
    %swap3A_129 = arith.constant 2 : i32
    %swap3A_130 = arith.index_cast %swap3A_129 : i32 to index
    %swap3A_131 = arith.constant 0 : index
    %swap3A_132 = tpu.vector_load %arg9[%swap3A_130, %swap3A_131] {strides = array<i32>} : memref<8x128xf32, #tpu.memory_space<vmem>>, vector<1x16xf32>,
    %swap3A_133 = vector.shape_cast %swap3A_132 : vector<1x16xf32> to vector<16xf32>
    %swap3A_134 = vector.shape_cast %broadcast_in_dim3A_128 : vector<16xf32> to vector<1x16xf32>
    tpu.vector_store %arg9[%swap3A_130, %swap3A_131], %swap3A_134 {strides = array<i32>} : memref<8x128xf32, #tpu.memory_space<vmem>>, vector<1x16xf32>,
    %broadcast_in_dim3A_135 = arith.constant 0.000000e+00 : f32
    %broadcast_in_dim3A_136 = vector.broadcast %broadcast_in_dim3A_135 : f32 to vector<16xf32>
    %swap3A_137 = arith.constant 2 : i32
    %swap3A_138 = arith.index_cast %swap3A_137 : i32 to index
    %swap3A_139 = arith.constant 16 : index
    %swap3A_140 = tpu.vector_load %arg9[%swap3A_138, %swap3A_139] {strides = array<i32>} : memref<8x128xf32, #tpu.memory_space<vmem>>, vector<1x16xf32>,
    %swap3A_141 = vector.shape_cast %swap3A_140 : vector<1x16xf32> to vector<16xf32>
    %swap3A_142 = vector.shape_cast %broadcast_in_dim3A_136 : vector<16xf32> to vector<1x16xf32>
    tpu.vector_store %arg9[%swap3A_138, %swap3A_139], %swap3A_142 {strides = array<i32>} : memref<8x128xf32, #tpu.memory_space<vmem>>, vector<1x16xf32>,
    %broadcast_in_dim3A_143 = arith.constant 0.000000e+00 : f32
    %broadcast_in_dim3A_144 = vector.broadcast %broadcast_in_dim3A_143 : f32 to vector<16xf32>
    %swap3A_145 = arith.constant 2 : i32
    %swap3A_146 = arith.index_cast %swap3A_145 : i32 to index
    %swap3A_147 = arith.constant 32 : index
    %swap3A_148 = tpu.vector_load %arg9[%swap3A_146, %swap3A_147] {strides = array<i32>} : memref<8x128xf32, #tpu.memory_space<vmem>>, vector<1x16xf32>,
    %swap3A_149 = vector.shape_cast %swap3A_148 : vector<1x16xf32> to vector<16xf32>
    %swap3A_150 = vector.shape_cast %broadcast_in_dim3A_144 : vector<16xf32> to vector<1x16xf32>
    tpu.vector_store %arg9[%swap3A_146, %swap3A_147], %swap3A_150 {strides = array<i32>} : memref<8x128xf32, #tpu.memory_space<vmem>>, vector<1x16xf32>,
    %broadcast_in_dim3A_151 = arith.constant 0.000000e+00 : f32
    %broadcast_in_dim3A_152 = vector.broadcast %broadcast_in_dim3A_151 : f32 to vector<16xf32>
    %swap3A_153 = arith.constant 2 : i32
    %swap3A_154 = arith.index_cast %swap3A_153 : i32 to index
    %swap3A_155 = arith.constant 48 : index
    %swap3A_156 = tpu.vector_load %arg9[%swap3A_154, %swap3A_155] {strides = array<i32>} : memref<8x128xf32, #tpu.memory_space<vmem>>, vector<1x16xf32>,
    %swap3A_157 = vector.shape_cast %swap3A_156 : vector<1x16xf32> to vector<16xf32>
    %swap3A_158 = vector.shape_cast %broadcast_in_dim3A_152 : vector<16xf32> to vector<1x16xf32>
    tpu.vector_store %arg9[%swap3A_154, %swap3A_155], %swap3A_158 {strides = array<i32>} : memref<8x128xf32, #tpu.memory_space<vmem>>, vector<1x16xf32>,
    %broadcast_in_dim3A_159 = arith.constant 0.000000e+00 : f32
    %broadcast_in_dim3A_160 = vector.broadcast %broadcast_in_dim3A_159 : f32 to vector<16xf32>
    %swap3A_161 = arith.constant 2 : i32
    %swap3A_162 = arith.index_cast %swap3A_161 : i32 to index
    %swap3A_163 = arith.constant 64 : index
    %swap3A_164 = tpu.vector_load %arg9[%swap3A_162, %swap3A_163] {strides = array<i32>} : memref<8x128xf32, #tpu.memory_space<vmem>>, vector<1x16xf32>,
    %swap3A_165 = vector.shape_cast %swap3A_164 : vector<1x16xf32> to vector<16xf32>
    %swap3A_166 = vector.shape_cast %broadcast_in_dim3A_160 : vector<16xf32> to vector<1x16xf32>
    tpu.vector_store %arg9[%swap3A_162, %swap3A_163], %swap3A_166 {strides = array<i32>} : memref<8x128xf32, #tpu.memory_space<vmem>>, vector<1x16xf32>,
    %broadcast_in_dim3A_167 = arith.constant 0.000000e+00 : f32
    %broadcast_in_dim3A_168 = vector.broadcast %broadcast_in_dim3A_167 : f32 to vector<16xf32>
    %swap3A_169 = arith.constant 2 : i32
    %swap3A_170 = arith.index_cast %swap3A_169 : i32 to index
    %swap3A_171 = arith.constant 80 : index
    %swap3A_172 = tpu.vector_load %arg9[%swap3A_170, %swap3A_171] {strides = array<i32>} : memref<8x128xf32, #tpu.memory_space<vmem>>, vector<1x16xf32>,
    %swap3A_173 = vector.shape_cast %swap3A_172 : vector<1x16xf32> to vector<16xf32>
    %swap3A_174 = vector.shape_cast %broadcast_in_dim3A_168 : vector<16xf32> to vector<1x16xf32>
    tpu.vector_store %arg9[%swap3A_170, %swap3A_171], %swap3A_174 {strides = array<i32>} : memref<8x128xf32, #tpu.memory_space<vmem>>, vector<1x16xf32>,
    %broadcast_in_dim3A_175 = arith.constant 0.000000e+00 : f32
    %broadcast_in_dim3A_176 = vector.broadcast %broadcast_in_dim3A_175 : f32 to vector<16xf32>
    %swap3A_177 = arith.constant 2 : i32
    %swap3A_178 = arith.index_cast %swap3A_177 : i32 to index
    %swap3A_179 = arith.constant 96 : index
    %swap3A_180 = tpu.vector_load %arg9[%swap3A_178, %swap3A_179] {strides = array<i32>} : memref<8x128xf32, #tpu.memory_space<vmem>>, vector<1x16xf32>,
    %swap3A_181 = vector.shape_cast %swap3A_180 : vector<1x16xf32> to vector<16xf32>
    %swap3A_182 = vector.shape_cast %broadcast_in_dim3A_176 : vector<16xf32> to vector<1x16xf32>
    tpu.vector_store %arg9[%swap3A_178, %swap3A_179], %swap3A_182 {strides = array<i32>} : memref<8x128xf32, #tpu.memory_space<vmem>>, vector<1x16xf32>,
    %broadcast_in_dim3A_183 = arith.constant 0.000000e+00 : f32
    %broadcast_in_dim3A_184 = vector.broadcast %broadcast_in_dim3A_183 : f32 to vector<16xf32>
    %swap3A_185 = arith.constant 2 : i32
    %swap3A_186 = arith.index_cast %swap3A_185 : i32 to index
    %swap3A_187 = arith.constant 112 : index
    %swap3A_188 = tpu.vector_load %arg9[%swap3A_186, %swap3A_187] {strides = array<i32>} : memref<8x128xf32, #tpu.memory_space<vmem>>, vector<1x16xf32>,
    %swap3A_189 = vector.shape_cast %swap3A_188 : vector<1x16xf32> to vector<16xf32>
    %swap3A_190 = vector.shape_cast %broadcast_in_dim3A_184 : vector<16xf32> to vector<1x16xf32>
    tpu.vector_store %arg9[%swap3A_186, %swap3A_187], %swap3A_190 {strides = array<i32>} : memref<8x128xf32, #tpu.memory_space<vmem>>, vector<1x16xf32>,
    %broadcast_in_dim3A_191 = arith.constant 0.000000e+00 : f32
    %broadcast_in_dim3A_192 = vector.broadcast %broadcast_in_dim3A_191 : f32 to vector<16xf32>
    %swap3A_193 = arith.constant 3 : i32
    %swap3A_194 = arith.index_cast %swap3A_193 : i32 to index
    %swap3A_195 = arith.constant 0 : index
    %swap3A_196 = tpu.vector_load %arg9[%swap3A_194, %swap3A_195] {strides = array<i32>} : memref<8x128xf32, #tpu.memory_space<vmem>>, vector<1x16xf32>,
    %swap3A_197 = vector.shape_cast %swap3A_196 : vector<1x16xf32> to vector<16xf32>
    %swap3A_198 = vector.shape_cast %broadcast_in_dim3A_192 : vector<16xf32> to vector<1x16xf32>
    tpu.vector_store %arg9[%swap3A_194, %swap3A_195], %swap3A_198 {strides = array<i32>} : memref<8x128xf32, #tpu.memory_space<vmem>>, vector<1x16xf32>,
    %broadcast_in_dim3A_199 = arith.constant 0.000000e+00 : f32
    %broadcast_in_dim3A_200 = vector.broadcast %broadcast_in_dim3A_199 : f32 to vector<16xf32>
    %swap3A_201 = arith.constant 3 : i32
    %swap3A_202 = arith.index_cast %swap3A_201 : i32 to index
    %swap3A_203 = arith.constant 16 : index
    %swap3A_204 = tpu.vector_load %arg9[%swap3A_202, %swap3A_203] {strides = array<i32>} : memref<8x128xf32, #tpu.memory_space<vmem>>, vector<1x16xf32>,
    %swap3A_205 = vector.shape_cast %swap3A_204 : vector<1x16xf32> to vector<16xf32>
    %swap3A_206 = vector.shape_cast %broadcast_in_dim3A_200 : vector<16xf32> to vector<1x16xf32>
    tpu.vector_store %arg9[%swap3A_202, %swap3A_203], %swap3A_206 {strides = array<i32>} : memref<8x128xf32, #tpu.memory_space<vmem>>, vector<1x16xf32>,
    %broadcast_in_dim3A_207 = arith.constant 0.000000e+00 : f32
    %broadcast_in_dim3A_208 = vector.broadcast %broadcast_in_dim3A_207 : f32 to vector<16xf32>
    %swap3A_209 = arith.constant 3 : i32
    %swap3A_210 = arith.index_cast %swap3A_209 : i32 to index
    %swap3A_211 = arith.constant 32 : index
    %swap3A_212 = tpu.vector_load %arg9[%swap3A_210, %swap3A_211] {strides = array<i32>} : memref<8x128xf32, #tpu.memory_space<vmem>>, vector<1x16xf32>,
    %swap3A_213 = vector.shape_cast %swap3A_212 : vector<1x16xf32> to vector<16xf32>
    %swap3A_214 = vector.shape_cast %broadcast_in_dim3A_208 : vector<16xf32> to vector<1x16xf32>
    tpu.vector_store %arg9[%swap3A_210, %swap3A_211], %swap3A_214 {strides = array<i32>} : memref<8x128xf32, #tpu.memory_space<vmem>>, vector<1x16xf32>,
    %broadcast_in_dim3A_215 = arith.constant 0.000000e+00 : f32
    %broadcast_in_dim3A_216 = vector.broadcast %broadcast_in_dim3A_215 : f32 to vector<16xf32>
    %swap3A_217 = arith.constant 3 : i32
    %swap3A_218 = arith.index_cast %swap3A_217 : i32 to index
    %swap3A_219 = arith.constant 48 : index
    %swap3A_220 = tpu.vector_load %arg9[%swap3A_218, %swap3A_219] {strides = array<i32>} : memref<8x128xf32, #tpu.memory_space<vmem>>, vector<1x16xf32>,
    %swap3A_221 = vector.shape_cast %swap3A_220 : vector<1x16xf32> to vector<16xf32>
    %swap3A_222 = vector.shape_cast %broadcast_in_dim3A_216 : vector<16xf32> to vector<1x16xf32>
    tpu.vector_store %arg9[%swap3A_218, %swap3A_219], %swap3A_222 {strides = array<i32>} : memref<8x128xf32, #tpu.memory_space<vmem>>, vector<1x16xf32>,
    %broadcast_in_dim3A_223 = arith.constant 0.000000e+00 : f32
    %broadcast_in_dim3A_224 = vector.broadcast %broadcast_in_dim3A_223 : f32 to vector<16xf32>
    %swap3A_225 = arith.constant 3 : i32
    %swap3A_226 = arith.index_cast %swap3A_225 : i32 to index
    %swap3A_227 = arith.constant 64 : index
    %swap3A_228 = tpu.vector_load %arg9[%swap3A_226, %swap3A_227] {strides = array<i32>} : memref<8x128xf32, #tpu.memory_space<vmem>>, vector<1x16xf32>,
    %swap3A_229 = vector.shape_cast %swap3A_228 : vector<1x16xf32> to vector<16xf32>
    %swap3A_230 = vector.shape_cast %broadcast_in_dim3A_224 : vector<16xf32> to vector<1x16xf32>
    tpu.vector_store %arg9[%swap3A_226, %swap3A_227], %swap3A_230 {strides = array<i32>} : memref<8x128xf32, #tpu.memory_space<vmem>>, vector<1x16xf32>,
    %broadcast_in_dim3A_231 = arith.constant 0.000000e+00 : f32
    %broadcast_in_dim3A_232 = vector.broadcast %broadcast_in_dim3A_231 : f32 to vector<16xf32>
    %swap3A_233 = arith.constant 3 : i32
    %swap3A_234 = arith.index_cast %swap3A_233 : i32 to index
    %swap3A_235 = arith.constant 80 : index
    %swap3A_236 = tpu.vector_load %arg9[%swap3A_234, %swap3A_235] {strides = array<i32>} : memref<8x128xf32, #tpu.memory_space<vmem>>, vector<1x16xf32>,
    %swap3A_237 = vector.shape_cast %swap3A_236 : vector<1x16xf32> to vector<16xf32>
    %swap3A_238 = vector.shape_cast %broadcast_in_dim3A_232 : vector<16xf32> to vector<1x16xf32>
    tpu.vector_store %arg9[%swap3A_234, %swap3A_235], %swap3A_238 {strides = array<i32>} : memref<8x128xf32, #tpu.memory_space<vmem>>, vector<1x16xf32>,
    %broadcast_in_dim3A_239 = arith.constant 0.000000e+00 : f32
    %broadcast_in_dim3A_240 = vector.broadcast %broadcast_in_dim3A_239 : f32 to vector<16xf32>
    %swap3A_241 = arith.constant 3 : i32
    %swap3A_242 = arith.index_cast %swap3A_241 : i32 to index
    %swap3A_243 = arith.constant 96 : index
    %swap3A_244 = tpu.vector_load %arg9[%swap3A_242, %swap3A_243] {strides = array<i32>} : memref<8x128xf32, #tpu.memory_space<vmem>>, vector<1x16xf32>,
    %swap3A_245 = vector.shape_cast %swap3A_244 : vector<1x16xf32> to vector<16xf32>
    %swap3A_246 = vector.shape_cast %broadcast_in_dim3A_240 : vector<16xf32> to vector<1x16xf32>
    tpu.vector_store %arg9[%swap3A_242, %swap3A_243], %swap3A_246 {strides = array<i32>} : memref<8x128xf32, #tpu.memory_space<vmem>>, vector<1x16xf32>,
    %broadcast_in_dim3A_247 = arith.constant 0.000000e+00 : f32
    %broadcast_in_dim3A_248 = vector.broadcast %broadcast_in_dim3A_247 : f32 to vector<16xf32>
    %swap3A_249 = arith.constant 3 : i32
    %swap3A_250 = arith.index_cast %swap3A_249 : i32 to index
    %swap3A_251 = arith.constant 112 : index
    %swap3A_252 = tpu.vector_load %arg9[%swap3A_250, %swap3A_251] {strides = array<i32>} : memref<8x128xf32, #tpu.memory_space<vmem>>, vector<1x16xf32>,
    %swap3A_253 = vector.shape_cast %swap3A_252 : vector<1x16xf32> to vector<16xf32>
    %swap3A_254 = vector.shape_cast %broadcast_in_dim3A_248 : vector<16xf32> to vector<1x16xf32>
    tpu.vector_store %arg9[%swap3A_250, %swap3A_251], %swap3A_254 {strides = array<i32>} : memref<8x128xf32, #tpu.memory_space<vmem>>, vector<1x16xf32>,
    %broadcast_in_dim3A_255 = arith.constant 0.000000e+00 : f32
    %broadcast_in_dim3A_256 = vector.broadcast %broadcast_in_dim3A_255 : f32 to vector<16xf32>
    %swap3A_257 = arith.constant 4 : i32
    %swap3A_258 = arith.index_cast %swap3A_257 : i32 to index
    %swap3A_259 = arith.constant 0 : index
    %swap3A_260 = tpu.vector_load %arg9[%swap3A_258, %swap3A_259] {strides = array<i32>} : memref<8x128xf32, #tpu.memory_space<vmem>>, vector<1x16xf32>,
    %swap3A_261 = vector.shape_cast %swap3A_260 : vector<1x16xf32> to vector<16xf32>
    %swap3A_262 = vector.shape_cast %broadcast_in_dim3A_256 : vector<16xf32> to vector<1x16xf32>
    tpu.vector_store %arg9[%swap3A_258, %swap3A_259], %swap3A_262 {strides = array<i32>} : memref<8x128xf32, #tpu.memory_space<vmem>>, vector<1x16xf32>,
    %broadcast_in_dim3A_263 = arith.constant 0.000000e+00 : f32
    %broadcast_in_dim3A_264 = vector.broadcast %broadcast_in_dim3A_263 : f32 to vector<16xf32>
    %swap3A_265 = arith.constant 4 : i32
    %swap3A_266 = arith.index_cast %swap3A_265 : i32 to index
    %swap3A_267 = arith.constant 16 : index
    %swap3A_268 = tpu.vector_load %arg9[%swap3A_266, %swap3A_267] {strides = array<i32>} : memref<8x128xf32, #tpu.memory_space<vmem>>, vector<1x16xf32>,
    %swap3A_269 = vector.shape_cast %swap3A_268 : vector<1x16xf32> to vector<16xf32>
    %swap3A_270 = vector.shape_cast %broadcast_in_dim3A_264 : vector<16xf32> to vector<1x16xf32>
    tpu.vector_store %arg9[%swap3A_266, %swap3A_267], %swap3A_270 {strides = array<i32>} : memref<8x128xf32, #tpu.memory_space<vmem>>, vector<1x16xf32>,
    %broadcast_in_dim3A_271 = arith.constant 0.000000e+00 : f32
    %broadcast_in_dim3A_272 = vector.broadcast %broadcast_in_dim3A_271 : f32 to vector<16xf32>
    %swap3A_273 = arith.constant 4 : i32
    %swap3A_274 = arith.index_cast %swap3A_273 : i32 to index
    %swap3A_275 = arith.constant 32 : index
    %swap3A_276 = tpu.vector_load %arg9[%swap3A_274, %swap3A_275] {strides = array<i32>} : memref<8x128xf32, #tpu.memory_space<vmem>>, vector<1x16xf32>,
    %swap3A_277 = vector.shape_cast %swap3A_276 : vector<1x16xf32> to vector<16xf32>
    %swap3A_278 = vector.shape_cast %broadcast_in_dim3A_272 : vector<16xf32> to vector<1x16xf32>
    tpu.vector_store %arg9[%swap3A_274, %swap3A_275], %swap3A_278 {strides = array<i32>} : memref<8x128xf32, #tpu.memory_space<vmem>>, vector<1x16xf32>,
    %broadcast_in_dim3A_279 = arith.constant 0.000000e+00 : f32
    %broadcast_in_dim3A_280 = vector.broadcast %broadcast_in_dim3A_279 : f32 to vector<16xf32>
    %swap3A_281 = arith.constant 4 : i32
    %swap3A_282 = arith.index_cast %swap3A_281 : i32 to index
    %swap3A_283 = arith.constant 48 : index
    %swap3A_284 = tpu.vector_load %arg9[%swap3A_282, %swap3A_283] {strides = array<i32>} : memref<8x128xf32, #tpu.memory_space<vmem>>, vector<1x16xf32>,
    %swap3A_285 = vector.shape_cast %swap3A_284 : vector<1x16xf32> to vector<16xf32>
    %swap3A_286 = vector.shape_cast %broadcast_in_dim3A_280 : vector<16xf32> to vector<1x16xf32>
    tpu.vector_store %arg9[%swap3A_282, %swap3A_283], %swap3A_286 {strides = array<i32>} : memref<8x128xf32, #tpu.memory_space<vmem>>, vector<1x16xf32>,
    %broadcast_in_dim3A_287 = arith.constant 0.000000e+00 : f32
    %broadcast_in_dim3A_288 = vector.broadcast %broadcast_in_dim3A_287 : f32 to vector<16xf32>
    %swap3A_289 = arith.constant 4 : i32
    %swap3A_290 = arith.index_cast %swap3A_289 : i32 to index
    %swap3A_291 = arith.constant 64 : index
    %swap3A_292 = tpu.vector_load %arg9[%swap3A_290, %swap3A_291] {strides = array<i32>} : memref<8x128xf32, #tpu.memory_space<vmem>>, vector<1x16xf32>,
    %swap3A_293 = vector.shape_cast %swap3A_292 : vector<1x16xf32> to vector<16xf32>
    %swap3A_294 = vector.shape_cast %broadcast_in_dim3A_288 : vector<16xf32> to vector<1x16xf32>
    tpu.vector_store %arg9[%swap3A_290, %swap3A_291], %swap3A_294 {strides = array<i32>} : memref<8x128xf32, #tpu.memory_space<vmem>>, vector<1x16xf32>,
    %broadcast_in_dim3A_295 = arith.constant 0.000000e+00 : f32
    %broadcast_in_dim3A_296 = vector.broadcast %broadcast_in_dim3A_295 : f32 to vector<16xf32>
    %swap3A_297 = arith.constant 4 : i32
    %swap3A_298 = arith.index_cast %swap3A_297 : i32 to index
    %swap3A_299 = arith.constant 80 : index
    %swap3A_300 = tpu.vector_load %arg9[%swap3A_298, %swap3A_299] {strides = array<i32>} : memref<8x128xf32, #tpu.memory_space<vmem>>, vector<1x16xf32>,
    %swap3A_301 = vector.shape_cast %swap3A_300 : vector<1x16xf32> to vector<16xf32>
    %swap3A_302 = vector.shape_cast %broadcast_in_dim3A_296 : vector<16xf32> to vector<1x16xf32>
    tpu.vector_store %arg9[%swap3A_298, %swap3A_299], %swap3A_302 {strides = array<i32>} : memref<8x128xf32, #tpu.memory_space<vmem>>, vector<1x16xf32>,
    %broadcast_in_dim3A_303 = arith.constant 0.000000e+00 : f32
    %broadcast_in_dim3A_304 = vector.broadcast %broadcast_in_dim3A_303 : f32 to vector<16xf32>
    %swap3A_305 = arith.constant 4 : i32
    %swap3A_306 = arith.index_cast %swap3A_305 : i32 to index
    %swap3A_307 = arith.constant 96 : index
    %swap3A_308 = tpu.vector_load %arg9[%swap3A_306, %swap3A_307] {strides = array<i32>} : memref<8x128xf32, #tpu.memory_space<vmem>>, vector<1x16xf32>,
    %swap3A_309 = vector.shape_cast %swap3A_308 : vector<1x16xf32> to vector<16xf32>
    %swap3A_310 = vector.shape_cast %broadcast_in_dim3A_304 : vector<16xf32> to vector<1x16xf32>
    tpu.vector_store %arg9[%swap3A_306, %swap3A_307], %swap3A_310 {strides = array<i32>} : memref<8x128xf32, #tpu.memory_space<vmem>>, vector<1x16xf32>,
    %broadcast_in_dim3A_311 = arith.constant 0.000000e+00 : f32
    %broadcast_in_dim3A_312 = vector.broadcast %broadcast_in_dim3A_311 : f32 to vector<16xf32>
    %swap3A_313 = arith.constant 4 : i32
    %swap3A_314 = arith.index_cast %swap3A_313 : i32 to index
    %swap3A_315 = arith.constant 112 : index
    %swap3A_316 = tpu.vector_load %arg9[%swap3A_314, %swap3A_315] {strides = array<i32>} : memref<8x128xf32, #tpu.memory_space<vmem>>, vector<1x16xf32>,
    %swap3A_317 = vector.shape_cast %swap3A_316 : vector<1x16xf32> to vector<16xf32>
    %swap3A_318 = vector.shape_cast %broadcast_in_dim3A_312 : vector<16xf32> to vector<1x16xf32>
    tpu.vector_store %arg9[%swap3A_314, %swap3A_315], %swap3A_318 {strides = array<i32>} : memref<8x128xf32, #tpu.memory_space<vmem>>, vector<1x16xf32>,
    %broadcast_in_dim3A_319 = arith.constant 0.000000e+00 : f32
    %broadcast_in_dim3A_320 = vector.broadcast %broadcast_in_dim3A_319 : f32 to vector<16xf32>
    %swap3A_321 = arith.constant 5 : i32
    %swap3A_322 = arith.index_cast %swap3A_321 : i32 to index
    %swap3A_323 = arith.constant 0 : index
    %swap3A_324 = tpu.vector_load %arg9[%swap3A_322, %swap3A_323] {strides = array<i32>} : memref<8x128xf32, #tpu.memory_space<vmem>>, vector<1x16xf32>,
    %swap3A_325 = vector.shape_cast %swap3A_324 : vector<1x16xf32> to vector<16xf32>
    %swap3A_326 = vector.shape_cast %broadcast_in_dim3A_320 : vector<16xf32> to vector<1x16xf32>
    tpu.vector_store %arg9[%swap3A_322, %swap3A_323], %swap3A_326 {strides = array<i32>} : memref<8x128xf32, #tpu.memory_space<vmem>>, vector<1x16xf32>,
    %broadcast_in_dim3A_327 = arith.constant 0.000000e+00 : f32
    %broadcast_in_dim3A_328 = vector.broadcast %broadcast_in_dim3A_327 : f32 to vector<16xf32>
    %swap3A_329 = arith.constant 5 : i32
    %swap3A_330 = arith.index_cast %swap3A_329 : i32 to index
    %swap3A_331 = arith.constant 16 : index
    %swap3A_332 = tpu.vector_load %arg9[%swap3A_330, %swap3A_331] {strides = array<i32>} : memref<8x128xf32, #tpu.memory_space<vmem>>, vector<1x16xf32>,
    %swap3A_333 = vector.shape_cast %swap3A_332 : vector<1x16xf32> to vector<16xf32>
    %swap3A_334 = vector.shape_cast %broadcast_in_dim3A_328 : vector<16xf32> to vector<1x16xf32>
    tpu.vector_store %arg9[%swap3A_330, %swap3A_331], %swap3A_334 {strides = array<i32>} : memref<8x128xf32, #tpu.memory_space<vmem>>, vector<1x16xf32>,
    %broadcast_in_dim3A_335 = arith.constant 0.000000e+00 : f32
    %broadcast_in_dim3A_336 = vector.broadcast %broadcast_in_dim3A_335 : f32 to vector<16xf32>
    %swap3A_337 = arith.constant 5 : i32
    %swap3A_338 = arith.index_cast %swap3A_337 : i32 to index
    %swap3A_339 = arith.constant 32 : index
    %swap3A_340 = tpu.vector_load %arg9[%swap3A_338, %swap3A_339] {strides = array<i32>} : memref<8x128xf32, #tpu.memory_space<vmem>>, vector<1x16xf32>,
    %swap3A_341 = vector.shape_cast %swap3A_340 : vector<1x16xf32> to vector<16xf32>
    %swap3A_342 = vector.shape_cast %broadcast_in_dim3A_336 : vector<16xf32> to vector<1x16xf32>
    tpu.vector_store %arg9[%swap3A_338, %swap3A_339], %swap3A_342 {strides = array<i32>} : memref<8x128xf32, #tpu.memory_space<vmem>>, vector<1x16xf32>,
    %broadcast_in_dim3A_343 = arith.constant 0.000000e+00 : f32
    %broadcast_in_dim3A_344 = vector.broadcast %broadcast_in_dim3A_343 : f32 to vector<16xf32>
    %swap3A_345 = arith.constant 5 : i32
    %swap3A_346 = arith.index_cast %swap3A_345 : i32 to index
    %swap3A_347 = arith.constant 48 : index
    %swap3A_348 = tpu.vector_load %arg9[%swap3A_346, %swap3A_347] {strides = array<i32>} : memref<8x128xf32, #tpu.memory_space<vmem>>, vector<1x16xf32>,
    %swap3A_349 = vector.shape_cast %swap3A_348 : vector<1x16xf32> to vector<16xf32>
    %swap3A_350 = vector.shape_cast %broadcast_in_dim3A_344 : vector<16xf32> to vector<1x16xf32>
    tpu.vector_store %arg9[%swap3A_346, %swap3A_347], %swap3A_350 {strides = array<i32>} : memref<8x128xf32, #tpu.memory_space<vmem>>, vector<1x16xf32>,
    %broadcast_in_dim3A_351 = arith.constant 0.000000e+00 : f32
    %broadcast_in_dim3A_352 = vector.broadcast %broadcast_in_dim3A_351 : f32 to vector<16xf32>
    %swap3A_353 = arith.constant 5 : i32
    %swap3A_354 = arith.index_cast %swap3A_353 : i32 to index
    %swap3A_355 = arith.constant 64 : index
    %swap3A_356 = tpu.vector_load %arg9[%swap3A_354, %swap3A_355] {strides = array<i32>} : memref<8x128xf32, #tpu.memory_space<vmem>>, vector<1x16xf32>,
    %swap3A_357 = vector.shape_cast %swap3A_356 : vector<1x16xf32> to vector<16xf32>
    %swap3A_358 = vector.shape_cast %broadcast_in_dim3A_352 : vector<16xf32> to vector<1x16xf32>
    tpu.vector_store %arg9[%swap3A_354, %swap3A_355], %swap3A_358 {strides = array<i32>} : memref<8x128xf32, #tpu.memory_space<vmem>>, vector<1x16xf32>,
    %broadcast_in_dim3A_359 = arith.constant 0.000000e+00 : f32
    %broadcast_in_dim3A_360 = vector.broadcast %broadcast_in_dim3A_359 : f32 to vector<16xf32>
    %swap3A_361 = arith.constant 5 : i32
    %swap3A_362 = arith.index_cast %swap3A_361 : i32 to index
    %swap3A_363 = arith.constant 80 : index
    %swap3A_364 = tpu.vector_load %arg9[%swap3A_362, %swap3A_363] {strides = array<i32>} : memref<8x128xf32, #tpu.memory_space<vmem>>, vector<1x16xf32>,
    %swap3A_365 = vector.shape_cast %swap3A_364 : vector<1x16xf32> to vector<16xf32>
    %swap3A_366 = vector.shape_cast %broadcast_in_dim3A_360 : vector<16xf32> to vector<1x16xf32>
    tpu.vector_store %arg9[%swap3A_362, %swap3A_363], %swap3A_366 {strides = array<i32>} : memref<8x128xf32, #tpu.memory_space<vmem>>, vector<1x16xf32>,
    %broadcast_in_dim3A_367 = arith.constant 0.000000e+00 : f32
    %broadcast_in_dim3A_368 = vector.broadcast %broadcast_in_dim3A_367 : f32 to vector<16xf32>
    %swap3A_369 = arith.constant 5 : i32
    %swap3A_370 = arith.index_cast %swap3A_369 : i32 to index
    %swap3A_371 = arith.constant 96 : index
    %swap3A_372 = tpu.vector_load %arg9[%swap3A_370, %swap3A_371] {strides = array<i32>} : memref<8x128xf32, #tpu.memory_space<vmem>>, vector<1x16xf32>,
    %swap3A_373 = vector.shape_cast %swap3A_372 : vector<1x16xf32> to vector<16xf32>
    %swap3A_374 = vector.shape_cast %broadcast_in_dim3A_368 : vector<16xf32> to vector<1x16xf32>
    tpu.vector_store %arg9[%swap3A_370, %swap3A_371], %swap3A_374 {strides = array<i32>} : memref<8x128xf32, #tpu.memory_space<vmem>>, vector<1x16xf32>,
    %broadcast_in_dim3A_375 = arith.constant 0.000000e+00 : f32
    %broadcast_in_dim3A_376 = vector.broadcast %broadcast_in_dim3A_375 : f32 to vector<16xf32>
    %swap3A_377 = arith.constant 5 : i32
    %swap3A_378 = arith.index_cast %swap3A_377 : i32 to index
    %swap3A_379 = arith.constant 112 : index
    %swap3A_380 = tpu.vector_load %arg9[%swap3A_378, %swap3A_379] {strides = array<i32>} : memref<8x128xf32, #tpu.memory_space<vmem>>, vector<1x16xf32>,
    %swap3A_381 = vector.shape_cast %swap3A_380 : vector<1x16xf32> to vector<16xf32>
    %swap3A_382 = vector.shape_cast %broadcast_in_dim3A_376 : vector<16xf32> to vector<1x16xf32>
    tpu.vector_store %arg9[%swap3A_378, %swap3A_379], %swap3A_382 {strides = array<i32>} : memref<8x128xf32, #tpu.memory_space<vmem>>, vector<1x16xf32>,
    %broadcast_in_dim3A_383 = arith.constant 0.000000e+00 : f32
    %broadcast_in_dim3A_384 = vector.broadcast %broadcast_in_dim3A_383 : f32 to vector<16xf32>
    %swap3A_385 = arith.constant 6 : i32
    %swap3A_386 = arith.index_cast %swap3A_385 : i32 to index
    %swap3A_387 = arith.constant 0 : index
    %swap3A_388 = tpu.vector_load %arg9[%swap3A_386, %swap3A_387] {strides = array<i32>} : memref<8x128xf32, #tpu.memory_space<vmem>>, vector<1x16xf32>,
    %swap3A_389 = vector.shape_cast %swap3A_388 : vector<1x16xf32> to vector<16xf32>
    %swap3A_390 = vector.shape_cast %broadcast_in_dim3A_384 : vector<16xf32> to vector<1x16xf32>
    tpu.vector_store %arg9[%swap3A_386, %swap3A_387], %swap3A_390 {strides = array<i32>} : memref<8x128xf32, #tpu.memory_space<vmem>>, vector<1x16xf32>,
    %broadcast_in_dim3A_391 = arith.constant 0.000000e+00 : f32
    %broadcast_in_dim3A_392 = vector.broadcast %broadcast_in_dim3A_391 : f32 to vector<16xf32>
    %swap3A_393 = arith.constant 6 : i32
    %swap3A_394 = arith.index_cast %swap3A_393 : i32 to index
    %swap3A_395 = arith.constant 16 : index
    %swap3A_396 = tpu.vector_load %arg9[%swap3A_394, %swap3A_395] {strides = array<i32>} : memref<8x128xf32, #tpu.memory_space<vmem>>, vector<1x16xf32>,
    %swap3A_397 = vector.shape_cast %swap3A_396 : vector<1x16xf32> to vector<16xf32>
    %swap3A_398 = vector.shape_cast %broadcast_in_dim3A_392 : vector<16xf32> to vector<1x16xf32>
    tpu.vector_store %arg9[%swap3A_394, %swap3A_395], %swap3A_398 {strides = array<i32>} : memref<8x128xf32, #tpu.memory_space<vmem>>, vector<1x16xf32>,
    %broadcast_in_dim3A_399 = arith.constant 0.000000e+00 : f32
    %broadcast_in_dim3A_400 = vector.broadcast %broadcast_in_dim3A_399 : f32 to vector<16xf32>
    %swap3A_401 = arith.constant 6 : i32
    %swap3A_402 = arith.index_cast %swap3A_401 : i32 to index
    %swap3A_403 = arith.constant 32 : index
    %swap3A_404 = tpu.vector_load %arg9[%swap3A_402, %swap3A_403] {strides = array<i32>} : memref<8x128xf32, #tpu.memory_space<vmem>>, vector<1x16xf32>,
    %swap3A_405 = vector.shape_cast %swap3A_404 : vector<1x16xf32> to vector<16xf32>
    %swap3A_406 = vector.shape_cast %broadcast_in_dim3A_400 : vector<16xf32> to vector<1x16xf32>
    tpu.vector_store %arg9[%swap3A_402, %swap3A_403], %swap3A_406 {strides = array<i32>} : memref<8x128xf32, #tpu.memory_space<vmem>>, vector<1x16xf32>,
    %broadcast_in_dim3A_407 = arith.constant 0.000000e+00 : f32
    %broadcast_in_dim3A_408 = vector.broadcast %broadcast_in_dim3A_407 : f32 to vector<16xf32>
    %swap3A_409 = arith.constant 6 : i32
    %swap3A_410 = arith.index_cast %swap3A_409 : i32 to index
    %swap3A_411 = arith.constant 48 : index
    %swap3A_412 = tpu.vector_load %arg9[%swap3A_410, %swap3A_411] {strides = array<i32>} : memref<8x128xf32, #tpu.memory_space<vmem>>, vector<1x16xf32>,
    %swap3A_413 = vector.shape_cast %swap3A_412 : vector<1x16xf32> to vector<16xf32>
    %swap3A_414 = vector.shape_cast %broadcast_in_dim3A_408 : vector<16xf32> to vector<1x16xf32>
    tpu.vector_store %arg9[%swap3A_410, %swap3A_411], %swap3A_414 {strides = array<i32>} : memref<8x128xf32, #tpu.memory_space<vmem>>, vector<1x16xf32>,
    %broadcast_in_dim3A_415 = arith.constant 0.000000e+00 : f32
    %broadcast_in_dim3A_416 = vector.broadcast %broadcast_in_dim3A_415 : f32 to vector<16xf32>
    %swap3A_417 = arith.constant 6 : i32
    %swap3A_418 = arith.index_cast %swap3A_417 : i32 to index
    %swap3A_419 = arith.constant 64 : index
    %swap3A_420 = tpu.vector_load %arg9[%swap3A_418, %swap3A_419] {strides = array<i32>} : memref<8x128xf32, #tpu.memory_space<vmem>>, vector<1x16xf32>,
    %swap3A_421 = vector.shape_cast %swap3A_420 : vector<1x16xf32> to vector<16xf32>
    %swap3A_422 = vector.shape_cast %broadcast_in_dim3A_416 : vector<16xf32> to vector<1x16xf32>
    tpu.vector_store %arg9[%swap3A_418, %swap3A_419], %swap3A_422 {strides = array<i32>} : memref<8x128xf32, #tpu.memory_space<vmem>>, vector<1x16xf32>,
    %broadcast_in_dim3A_423 = arith.constant 0.000000e+00 : f32
    %broadcast_in_dim3A_424 = vector.broadcast %broadcast_in_dim3A_423 : f32 to vector<16xf32>
    %swap3A_425 = arith.constant 6 : i32
    %swap3A_426 = arith.index_cast %swap3A_425 : i32 to index
    %swap3A_427 = arith.constant 80 : index
    %swap3A_428 = tpu.vector_load %arg9[%swap3A_426, %swap3A_427] {strides = array<i32>} : memref<8x128xf32, #tpu.memory_space<vmem>>, vector<1x16xf32>,
    %swap3A_429 = vector.shape_cast %swap3A_428 : vector<1x16xf32> to vector<16xf32>
    %swap3A_430 = vector.shape_cast %broadcast_in_dim3A_424 : vector<16xf32> to vector<1x16xf32>
    tpu.vector_store %arg9[%swap3A_426, %swap3A_427], %swap3A_430 {strides = array<i32>} : memref<8x128xf32, #tpu.memory_space<vmem>>, vector<1x16xf32>,
    %broadcast_in_dim3A_431 = arith.constant 0.000000e+00 : f32
    %broadcast_in_dim3A_432 = vector.broadcast %broadcast_in_dim3A_431 : f32 to vector<16xf32>
    %swap3A_433 = arith.constant 6 : i32
    %swap3A_434 = arith.index_cast %swap3A_433 : i32 to index
    %swap3A_435 = arith.constant 96 : index
    %swap3A_436 = tpu.vector_load %arg9[%swap3A_434, %swap3A_435] {strides = array<i32>} : memref<8x128xf32, #tpu.memory_space<vmem>>, vector<1x16xf32>,
    %swap3A_437 = vector.shape_cast %swap3A_436 : vector<1x16xf32> to vector<16xf32>
    %swap3A_438 = vector.shape_cast %broadcast_in_dim3A_432 : vector<16xf32> to vector<1x16xf32>
    tpu.vector_store %arg9[%swap3A_434, %swap3A_435], %swap3A_438 {strides = array<i32>} : memref<8x128xf32, #tpu.memory_space<vmem>>, vector<1x16xf32>,
    %broadcast_in_dim3A_439 = arith.constant 0.000000e+00 : f32
    %broadcast_in_dim3A_440 = vector.broadcast %broadcast_in_dim3A_439 : f32 to vector<16xf32>
    %swap3A_441 = arith.constant 6 : i32
    %swap3A_442 = arith.index_cast %swap3A_441 : i32 to index
    %swap3A_443 = arith.constant 112 : index
    %swap3A_444 = tpu.vector_load %arg9[%swap3A_442, %swap3A_443] {strides = array<i32>} : memref<8x128xf32, #tpu.memory_space<vmem>>, vector<1x16xf32>,
    %swap3A_445 = vector.shape_cast %swap3A_444 : vector<1x16xf32> to vector<16xf32>
    %swap3A_446 = vector.shape_cast %broadcast_in_dim3A_440 : vector<16xf32> to vector<1x16xf32>
    tpu.vector_store %arg9[%swap3A_442, %swap3A_443], %swap3A_446 {strides = array<i32>} : memref<8x128xf32, #tpu.memory_space<vmem>>, vector<1x16xf32>,
    %broadcast_in_dim3A_447 = arith.constant 0.000000e+00 : f32
    %broadcast_in_dim3A_448 = vector.broadcast %broadcast_in_dim3A_447 : f32 to vector<16xf32>
    %swap3A_449 = arith.constant 7 : i32
    %swap3A_450 = arith.index_cast %swap3A_449 : i32 to index
    %swap3A_451 = arith.constant 0 : index
    %swap3A_452 = tpu.vector_load %arg9[%swap3A_450, %swap3A_451] {strides = array<i32>} : memref<8x128xf32, #tpu.memory_space<vmem>>, vector<1x16xf32>,
    %swap3A_453 = vector.shape_cast %swap3A_452 : vector<1x16xf32> to vector<16xf32>
    %swap3A_454 = vector.shape_cast %broadcast_in_dim3A_448 : vector<16xf32> to vector<1x16xf32>
    tpu.vector_store %arg9[%swap3A_450, %swap3A_451], %swap3A_454 {strides = array<i32>} : memref<8x128xf32, #tpu.memory_space<vmem>>, vector<1x16xf32>,
    %broadcast_in_dim3A_455 = arith.constant 0.000000e+00 : f32
    %broadcast_in_dim3A_456 = vector.broadcast %broadcast_in_dim3A_455 : f32 to vector<16xf32>
    %swap3A_457 = arith.constant 7 : i32
    %swap3A_458 = arith.index_cast %swap3A_457 : i32 to index
    %swap3A_459 = arith.constant 16 : index
    %swap3A_460 = tpu.vector_load %arg9[%swap3A_458, %swap3A_459] {strides = array<i32>} : memref<8x128xf32, #tpu.memory_space<vmem>>, vector<1x16xf32>,
    %swap3A_461 = vector.shape_cast %swap3A_460 : vector<1x16xf32> to vector<16xf32>
    %swap3A_462 = vector.shape_cast %broadcast_in_dim3A_456 : vector<16xf32> to vector<1x16xf32>
    tpu.vector_store %arg9[%swap3A_458, %swap3A_459], %swap3A_462 {strides = array<i32>} : memref<8x128xf32, #tpu.memory_space<vmem>>, vector<1x16xf32>,
    %broadcast_in_dim3A_463 = arith.constant 0.000000e+00 : f32
    %broadcast_in_dim3A_464 = vector.broadcast %broadcast_in_dim3A_463 : f32 to vector<16xf32>
    %swap3A_465 = arith.constant 7 : i32
    %swap3A_466 = arith.index_cast %swap3A_465 : i32 to index
    %swap3A_467 = arith.constant 32 : index
    %swap3A_468 = tpu.vector_load %arg9[%swap3A_466, %swap3A_467] {strides = array<i32>} : memref<8x128xf32, #tpu.memory_space<vmem>>, vector<1x16xf32>,
    %swap3A_469 = vector.shape_cast %swap3A_468 : vector<1x16xf32> to vector<16xf32>
    %swap3A_470 = vector.shape_cast %broadcast_in_dim3A_464 : vector<16xf32> to vector<1x16xf32>
    tpu.vector_store %arg9[%swap3A_466, %swap3A_467], %swap3A_470 {strides = array<i32>} : memref<8x128xf32, #tpu.memory_space<vmem>>, vector<1x16xf32>,
    %broadcast_in_dim3A_471 = arith.constant 0.000000e+00 : f32
    %broadcast_in_dim3A_472 = vector.broadcast %broadcast_in_dim3A_471 : f32 to vector<16xf32>
    %swap3A_473 = arith.constant 7 : i32
    %swap3A_474 = arith.index_cast %swap3A_473 : i32 to index
    %swap3A_475 = arith.constant 48 : index
    %swap3A_476 = tpu.vector_load %arg9[%swap3A_474, %swap3A_475] {strides = array<i32>} : memref<8x128xf32, #tpu.memory_space<vmem>>, vector<1x16xf32>,
    %swap3A_477 = vector.shape_cast %swap3A_476 : vector<1x16xf32> to vector<16xf32>
    %swap3A_478 = vector.shape_cast %broadcast_in_dim3A_472 : vector<16xf32> to vector<1x16xf32>
    tpu.vector_store %arg9[%swap3A_474, %swap3A_475], %swap3A_478 {strides = array<i32>} : memref<8x128xf32, #tpu.memory_space<vmem>>, vector<1x16xf32>,
    %broadcast_in_dim3A_479 = arith.constant 0.000000e+00 : f32
    %broadcast_in_dim3A_480 = vector.broadcast %broadcast_in_dim3A_479 : f32 to vector<16xf32>
    %swap3A_481 = arith.constant 7 : i32
    %swap3A_482 = arith.index_cast %swap3A_481 : i32 to index
    %swap3A_483 = arith.constant 64 : index
    %swap3A_484 = tpu.vector_load %arg9[%swap3A_482, %swap3A_483] {strides = array<i32>} : memref<8x128xf32, #tpu.memory_space<vmem>>, vector<1x16xf32>,
    %swap3A_485 = vector.shape_cast %swap3A_484 : vector<1x16xf32> to vector<16xf32>
    %swap3A_486 = vector.shape_cast %broadcast_in_dim3A_480 : vector<16xf32> to vector<1x16xf32>
    tpu.vector_store %arg9[%swap3A_482, %swap3A_483], %swap3A_486 {strides = array<i32>} : memref<8x128xf32, #tpu.memory_space<vmem>>, vector<1x16xf32>,
    %broadcast_in_dim3A_487 = arith.constant 0.000000e+00 : f32
    %broadcast_in_dim3A_488 = vector.broadcast %broadcast_in_dim3A_487 : f32 to vector<16xf32>
    %swap3A_489 = arith.constant 7 : i32
    %swap3A_490 = arith.index_cast %swap3A_489 : i32 to index
    %swap3A_491 = arith.constant 80 : index
    %swap3A_492 = tpu.vector_load %arg9[%swap3A_490, %swap3A_491] {strides = array<i32>} : memref<8x128xf32, #tpu.memory_space<vmem>>, vector<1x16xf32>,
    %swap3A_493 = vector.shape_cast %swap3A_492 : vector<1x16xf32> to vector<16xf32>
    %swap3A_494 = vector.shape_cast %broadcast_in_dim3A_488 : vector<16xf32> to vector<1x16xf32>
    tpu.vector_store %arg9[%swap3A_490, %swap3A_491], %swap3A_494 {strides = array<i32>} : memref<8x128xf32, #tpu.memory_space<vmem>>, vector<1x16xf32>,
    %broadcast_in_dim3A_495 = arith.constant 0.000000e+00 : f32
    %broadcast_in_dim3A_496 = vector.broadcast %broadcast_in_dim3A_495 : f32 to vector<16xf32>
    %swap3A_497 = arith.constant 7 : i32
    %swap3A_498 = arith.index_cast %swap3A_497 : i32 to index
    %swap3A_499 = arith.constant 96 : index
    %swap3A_500 = tpu.vector_load %arg9[%swap3A_498, %swap3A_499] {strides = array<i32>} : memref<8x128xf32, #tpu.memory_space<vmem>>, vector<1x16xf32>,
    %swap3A_501 = vector.shape_cast %swap3A_500 : vector<1x16xf32> to vector<16xf32>
    %swap3A_502 = vector.shape_cast %broadcast_in_dim3A_496 : vector<16xf32> to vector<1x16xf32>
    tpu.vector_store %arg9[%swap3A_498, %swap3A_499], %swap3A_502 {strides = array<i32>} : memref<8x128xf32, #tpu.memory_space<vmem>>, vector<1x16xf32>,
    %broadcast_in_dim3A_503 = arith.constant 0.000000e+00 : f32
    %broadcast_in_dim3A_504 = vector.broadcast %broadcast_in_dim3A_503 : f32 to vector<16xf32>
    %swap3A_505 = arith.constant 7 : i32
    %swap3A_506 = arith.index_cast %swap3A_505 : i32 to index
    %swap3A_507 = arith.constant 112 : index
    %swap3A_508 = tpu.vector_load %arg9[%swap3A_506, %swap3A_507] {strides = array<i32>} : memref<8x128xf32, #tpu.memory_space<vmem>>, vector<1x16xf32>,
    %swap3A_509 = vector.shape_cast %swap3A_508 : vector<1x16xf32> to vector<16xf32>
    %swap3A_510 = vector.shape_cast %broadcast_in_dim3A_504 : vector<16xf32> to vector<1x16xf32>
    tpu.vector_store %arg9[%swap3A_506, %swap3A_507], %swap3A_510 {strides = array<i32>} : memref<8x128xf32, #tpu.memory_space<vmem>>, vector<1x16xf32>,
    %scan3A = arith.constant 0 : i32
    %scan3A_511 = arith.constant 0 : i32
    %scan3A_512 = arith.constant 79 : i32
    %scan3A_513 = arith.addi %scan3A_511, %scan3A_512 : i32
    %scan3A_514 = arith.constant 1 : i32
    scf.for %scan3A_565 = %scan3A_511 to %scan3A_513 step %scan3A_514  : i32 {
      %mul3A_566 = arith.constant 632 : i32
      %mul3A_567 = arith.muli %arg1, %mul3A_566 : i32
      %mul3A_568 = arith.constant 8 : i32
      %mul3A_569 = arith.muli %scan3A_565, %mul3A_568 : i32
      %add3A_570 = arith.addi %mul3A_567, %mul3A_569 : i32
      %dma_start3A_571 = arith.constant 0 : i32
      %dma_start3A_572 = tpu.memref_slice %arg10[%add3A_570, %dma_start3A_571] : memref<10112x128xf32, #tpu.memory_space<vmem_shared>> -> memref<8x128xf32, #tpu.memory_space<vmem_shared>>
      %dma_start3A_573 = arith.constant 0 : i32
      %dma_start3A_574 = tpu.memref_slice %arg10[%add3A_570, %dma_start3A_573] : memref<10112x128xf32, #tpu.memory_space<vmem_shared>> -> memref<8x128xf32, #tpu.memory_space<vmem_shared>>
      tpu.enqueue_dma source(%arg9 : memref<8x128xf32, #tpu.memory_space<vmem>>) target(%dma_start3A_574 : memref<8x128xf32, #tpu.memory_space<vmem_shared>>) target_semaphore(%arg12 : memref<!tpu.dma_semaphore, #tpu.memory_space<semaphore_mem>>)
    }
    %scan3A_515 = arith.constant 79 : i32
    "tpu.region"() ({
      %run_scoped3A = tpu.sem_alloc : memref<!tpu.dma_semaphore, #tpu.memory_space<semaphore_mem>>
      %dma_start3A_565 = arith.constant 0 : i32
      %dma_start3A_566 = arith.constant 0 : i32
      %dma_start3A_567 = tpu.memref_slice %arg3[%add3A, %dma_start3A_565, %dma_start3A_566] : memref<32x80x128xi32, #tpu.memory_space<hbm>> -> memref<1x40x128xi32, #tpu.memory_space<hbm>>
      %dma_start3A_568 = tpu.memref_squeeze %dma_start3A_567 : memref<1x40x128xi32, #tpu.memory_space<hbm>> -> memref<40x128xi32, #tpu.memory_space<hbm>>
      %dma_start3A_569 = arith.constant 0 : i32
      %dma_start3A_570 = arith.constant 0 : i32
      %dma_start3A_571 = tpu.memref_slice %arg3[%add3A, %dma_start3A_569, %dma_start3A_570] : memref<32x80x128xi32, #tpu.memory_space<hbm>> -> memref<1x40x128xi32, #tpu.memory_space<hbm>>
      %dma_start3A_572 = tpu.memref_squeeze %dma_start3A_571 : memref<1x40x128xi32, #tpu.memory_space<hbm>> -> memref<40x128xi32, #tpu.memory_space<hbm>>
      tpu.enqueue_dma source(%dma_start3A_572 : memref<40x128xi32, #tpu.memory_space<hbm>>) target(%arg6 : memref<40x128xi32, #tpu.memory_space<vmem>>) target_semaphore(%run_scoped3A : memref<!tpu.dma_semaphore, #tpu.memory_space<semaphore_mem>>)
      %dma_wait3A_573 = arith.constant 0 : i32
      %dma_wait3A_574 = arith.constant 0 : i32
      %dma_wait3A_575 = tpu.memref_slice %arg3[%add3A, %dma_wait3A_573, %dma_wait3A_574] : memref<32x80x128xi32, #tpu.memory_space<hbm>> -> memref<1x40x128xi32, #tpu.memory_space<hbm>>
      %dma_wait3A_576 = tpu.memref_squeeze %dma_wait3A_575 : memref<1x40x128xi32, #tpu.memory_space<hbm>> -> memref<40x128xi32, #tpu.memory_space<hbm>>
      %dma_wait3A_577 = arith.constant 0 : i32
      %dma_wait3A_578 = arith.constant 0 : i32
      %dma_wait3A_579 = tpu.memref_slice %arg3[%add3A, %dma_wait3A_577, %dma_wait3A_578] : memref<32x80x128xi32, #tpu.memory_space<hbm>> -> memref<1x40x128xi32, #tpu.memory_space<hbm>>
      %dma_wait3A_580 = tpu.memref_squeeze %dma_wait3A_579 : memref<1x40x128xi32, #tpu.memory_space<hbm>> -> memref<40x128xi32, #tpu.memory_space<hbm>>
      tpu.wait_dma2 semaphore(%run_scoped3A : memref<!tpu.dma_semaphore, #tpu.memory_space<semaphore_mem>>) src(%dma_wait3A_580 : memref<40x128xi32, #tpu.memory_space<hbm>>) dst(%arg6 : memref<40x128xi32, #tpu.memory_space<vmem>>)
      tpu.yield
    }) : () -> ()
    "tpu.region"() ({
      %run_scoped3A = tpu.sem_alloc : memref<!tpu.dma_semaphore, #tpu.memory_space<semaphore_mem>>
      %dma_start3A_565 = arith.constant 0 : i32
      %dma_start3A_566 = arith.constant 0 : i32
      %dma_start3A_567 = tpu.memref_slice %arg4[%add3A, %dma_start3A_565, %dma_start3A_566] : memref<32x80x128xi32, #tpu.memory_space<hbm>> -> memref<1x80x128xi32, #tpu.memory_space<hbm>>
      %dma_start3A_568 = tpu.memref_squeeze %dma_start3A_567 : memref<1x80x128xi32, #tpu.memory_space<hbm>> -> memref<80x128xi32, #tpu.memory_space<hbm>>
      %dma_start3A_569 = arith.constant 0 : i32
      %dma_start3A_570 = arith.constant 0 : i32
      %dma_start3A_571 = tpu.memref_slice %arg4[%add3A, %dma_start3A_569, %dma_start3A_570] : memref<32x80x128xi32, #tpu.memory_space<hbm>> -> memref<1x80x128xi32, #tpu.memory_space<hbm>>
      %dma_start3A_572 = tpu.memref_squeeze %dma_start3A_571 : memref<1x80x128xi32, #tpu.memory_space<hbm>> -> memref<80x128xi32, #tpu.memory_space<hbm>>
      tpu.enqueue_dma source(%dma_start3A_572 : memref<80x128xi32, #tpu.memory_space<hbm>>) target(%arg7 : memref<80x128xi32, #tpu.memory_space<vmem>>) target_semaphore(%run_scoped3A : memref<!tpu.dma_semaphore, #tpu.memory_space<semaphore_mem>>)
      %dma_wait3A_573 = arith.constant 0 : i32
      %dma_wait3A_574 = arith.constant 0 : i32
      %dma_wait3A_575 = tpu.memref_slice %arg4[%add3A, %dma_wait3A_573, %dma_wait3A_574] : memref<32x80x128xi32, #tpu.memory_space<hbm>> -> memref<1x80x128xi32, #tpu.memory_space<hbm>>
      %dma_wait3A_576 = tpu.memref_squeeze %dma_wait3A_575 : memref<1x80x128xi32, #tpu.memory_space<hbm>> -> memref<80x128xi32, #tpu.memory_space<hbm>>
      %dma_wait3A_577 = arith.constant 0 : i32
      %dma_wait3A_578 = arith.constant 0 : i32
      %dma_wait3A_579 = tpu.memref_slice %arg4[%add3A, %dma_wait3A_577, %dma_wait3A_578] : memref<32x80x128xi32, #tpu.memory_space<hbm>> -> memref<1x80x128xi32, #tpu.memory_space<hbm>>
      %dma_wait3A_580 = tpu.memref_squeeze %dma_wait3A_579 : memref<1x80x128xi32, #tpu.memory_space<hbm>> -> memref<80x128xi32, #tpu.memory_space<hbm>>
      tpu.wait_dma2 semaphore(%run_scoped3A : memref<!tpu.dma_semaphore, #tpu.memory_space<semaphore_mem>>) src(%dma_wait3A_580 : memref<80x128xi32, #tpu.memory_space<hbm>>) dst(%arg7 : memref<80x128xi32, #tpu.memory_space<vmem>>)
      tpu.yield
    }) : () -> ()
    %dma_start3A = arith.constant 0 : i32
    %dma_start3A_516 = arith.constant 0 : i32
    %dma_start3A_517 = arith.constant 0 : i32
    %dma_start3A_518 = arith.constant 0 : i32
    %dma_start3A_519 = tpu.memref_slice %arg8[%dma_start3A_516, %dma_start3A_517, %dma_start3A_518] : memref<2x128x128xf32, #tpu.memory_space<vmem>> -> memref<1x128x128xf32, #tpu.memory_space<vmem>>
    %dma_start3A_520 = tpu.memref_squeeze %dma_start3A_519 : memref<1x128x128xf32, #tpu.memory_space<vmem>> -> memref<128x128xf32, #tpu.memory_space<vmem>>
    %dma_start3A_521 = arith.constant 0 : i32
    %dma_start3A_522 = tpu.memref_slice %arg6[%dma_start3A, %dma_start3A_521] : memref<40x128xi32, #tpu.memory_space<vmem>> -> memref<1x128xi32, #tpu.memory_space<vmem>>
    %dma_start3A_523 = tpu.memref_squeeze %dma_start3A_522 : memref<1x128xi32, #tpu.memory_space<vmem>> -> memref<128xi32, #tpu.memory_space<vmem>>
    %dma_start3A_524 = arith.constant 0 : i32
    %dma_start3A_525 = arith.constant 0 : i32
    %dma_start3A_526 = tpu.memref_slice %arg2[%dma_start3A_524, %dma_start3A_525] : memref<10000x128xf32, #tpu.memory_space<hbm>> -> memref<10000x128xf32, #tpu.memory_space<hbm>>
    tpu.enqueue_indirect_dma source(%dma_start3A_526 : memref<10000x128xf32, #tpu.memory_space<hbm>>) target(%dma_start3A_520 : memref<128x128xf32, #tpu.memory_space<vmem>>) offsets(%dma_start3A_523 : memref<128xi32, #tpu.memory_space<vmem>>) semaphore(%arg11 : memref<!tpu.dma_semaphore, #tpu.memory_space<semaphore_mem>>)
    %scan3A_527 = arith.constant 0 : i32
    %scan3A_528 = arith.constant 0 : i32
    %scan3A_529 = arith.constant 79 : i32
    %scan3A_530 = arith.addi %scan3A_528, %scan3A_529 : i32
    %scan3A_531 = arith.constant 1 : i32
    scf.for %scan3A_565 = %scan3A_528 to %scan3A_530 step %scan3A_531  : i32 {
      %mul3A_566 = arith.constant 632 : i32
      %mul3A_567 = arith.muli %arg1, %mul3A_566 : i32
      %mul3A_568 = arith.constant 8 : i32
      %mul3A_569 = arith.muli %scan3A_565, %mul3A_568 : i32
      %add3A_570 = arith.addi %mul3A_567, %mul3A_569 : i32
      %dma_wait3A_571 = arith.constant 0 : i32
      %dma_wait3A_572 = tpu.memref_slice %arg10[%add3A_570, %dma_wait3A_571] : memref<10112x128xf32, #tpu.memory_space<vmem_shared>> -> memref<8x128xf32, #tpu.memory_space<vmem_shared>>
      %dma_wait3A_573 = arith.constant 0 : i32
      %dma_wait3A_574 = tpu.memref_slice %arg10[%add3A_570, %dma_wait3A_573] : memref<10112x128xf32, #tpu.memory_space<vmem_shared>> -> memref<8x128xf32, #tpu.memory_space<vmem_shared>>
      tpu.wait_dma2 semaphore(%arg12 : memref<!tpu.dma_semaphore, #tpu.memory_space<semaphore_mem>>) src(%arg9 : memref<8x128xf32, #tpu.memory_space<vmem>>) dst(%dma_wait3A_574 : memref<8x128xf32, #tpu.memory_space<vmem_shared>>)
    }
    %scan3A_532 = arith.constant 79 : i32
    %barrier3A = arith.constant 0 : index
    tpu.barrier barrier_id(%barrier3A)
    %scan3A_533 = arith.constant 0 : i32
    %scan3A_534 = arith.constant 0 : i32
    %scan3A_535 = arith.constant 80 : i32
    %scan3A_536 = arith.addi %scan3A_534, %scan3A_535 : i32
    %scan3A_537 = arith.constant 1 : i32
    scf.for %scan3A_565 = %scan3A_534 to %scan3A_536 step %scan3A_537  : i32 {
      %jit3A = arith.constant 40 : i32
      %eq3A = arith.constant 0 : i32
      %eq3A_566 = arith.cmpi eq, %jit3A, %eq3A : i32
      %jit3A_567 = arith.constant 1 : i32
      %select_n3A = arith.select %eq3A_566, %jit3A_567, %jit3A : i32
      %rem3A = arith.remsi %scan3A_565, %select_n3A : i32
      %ne3A = arith.constant 0 : i32
      %ne3A_568 = arith.cmpi ne, %rem3A, %ne3A : i32
      %lt3A = arith.constant 0 : i32
      %lt3A_569 = arith.cmpi slt, %rem3A, %lt3A : i32
      %lt3A_570 = arith.constant 0 : i32
      %lt3A_571 = arith.cmpi slt, %select_n3A, %lt3A_570 : i32
      %ne3A_572 = arith.xori %lt3A_569, %lt3A_571 : i1
      %and3A = arith.andi %ne3A_572, %ne3A_568 : i1
      %add3A_573 = arith.addi %rem3A, %select_n3A : i32
      %select_n3A_574 = arith.select %and3A, %add3A_573, %rem3A : i32
      %jit3A_575 = arith.constant 2 : i32
      %eq3A_576 = arith.constant 0 : i32
      %eq3A_577 = arith.cmpi eq, %jit3A_575, %eq3A_576 : i32
      %jit3A_578 = arith.constant 1 : i32
      %select_n3A_579 = arith.select %eq3A_577, %jit3A_578, %jit3A_575 : i32
      %rem3A_580 = arith.remsi %scan3A_565, %select_n3A_579 : i32
      %ne3A_581 = arith.constant 0 : i32
      %ne3A_582 = arith.cmpi ne, %rem3A_580, %ne3A_581 : i32
      %lt3A_583 = arith.constant 0 : i32
      %lt3A_584 = arith.cmpi slt, %rem3A_580, %lt3A_583 : i32
      %lt3A_585 = arith.constant 0 : i32
      %lt3A_586 = arith.cmpi slt, %select_n3A_579, %lt3A_585 : i32
      %ne3A_587 = arith.xori %lt3A_584, %lt3A_586 : i1
      %and3A_588 = arith.andi %ne3A_587, %ne3A_582 : i1
      %add3A_589 = arith.addi %rem3A_580, %select_n3A_579 : i32
      %select_n3A_590 = arith.select %and3A_588, %add3A_589, %rem3A_580 : i32
      %dma_wait3A_591 = arith.constant 0 : i32
      %dma_wait3A_592 = arith.constant 0 : i32
      %dma_wait3A_593 = tpu.memref_slice %arg8[%select_n3A_590, %dma_wait3A_591, %dma_wait3A_592] : memref<2x128x128xf32, #tpu.memory_space<vmem>> -> memref<1x128x128xf32, #tpu.memory_space<vmem>>
      %dma_wait3A_594 = tpu.memref_squeeze %dma_wait3A_593 : memref<1x128x128xf32, #tpu.memory_space<vmem>> -> memref<128x128xf32, #tpu.memory_space<vmem>>
      %dma_wait3A_595 = arith.constant 0 : i32
      %dma_wait3A_596 = tpu.memref_slice %arg6[%select_n3A_574, %dma_wait3A_595] : memref<40x128xi32, #tpu.memory_space<vmem>> -> memref<1x128xi32, #tpu.memory_space<vmem>>
      %dma_wait3A_597 = tpu.memref_squeeze %dma_wait3A_596 : memref<1x128xi32, #tpu.memory_space<vmem>> -> memref<128xi32, #tpu.memory_space<vmem>>
      %dma_wait3A_598 = arith.constant 0 : i32
      %dma_wait3A_599 = arith.constant 0 : i32
      %dma_wait3A_600 = tpu.memref_slice %arg2[%dma_wait3A_598, %dma_wait3A_599] : memref<10000x128xf32, #tpu.memory_space<hbm>> -> memref<10000x128xf32, #tpu.memory_space<hbm>>
      tpu.wait_indirect_dma semaphore(%arg11 : memref<!tpu.dma_semaphore, #tpu.memory_space<semaphore_mem>>) src(%dma_wait3A_600 : memref<10000x128xf32, #tpu.memory_space<hbm>>) dst(%dma_wait3A_594 : memref<128x128xf32, #tpu.memory_space<vmem>>)
      %lt3A_601 = arith.constant 79 : i32
      %lt3A_602 = arith.cmpi slt, %scan3A_565, %lt3A_601 : i32
      %convert_element_type3A = arith.extui %lt3A_602 : i1 to i32
      %cond3A = arith.constant 0 : i32
      %cond3A_603 = arith.cmpi ne, %convert_element_type3A, %cond3A : i32
      scf.if %cond3A_603 {
        %ge3A = arith.constant 1 : i32
        %ge3A_630 = arith.cmpi sge, %scan3A_565, %ge3A : i32
        %convert_element_type3A_631 = arith.extui %ge3A_630 : i1 to i32
        %cond3A_632 = arith.constant 0 : i32
        %cond3A_633 = arith.cmpi ne, %convert_element_type3A_631, %cond3A_632 : i32
        scf.if %cond3A_633 {
          %sub3A = arith.constant 1 : i32
          %sub3A_699 = arith.subi %scan3A_565, %sub3A : i32
          %jit3A_700 = arith.constant 2 : i32
          %eq3A_701 = arith.constant 0 : i32
          %eq3A_702 = arith.cmpi eq, %jit3A_700, %eq3A_701 : i32
          %jit3A_703 = arith.constant 1 : i32
          %select_n3A_704 = arith.select %eq3A_702, %jit3A_703, %jit3A_700 : i32
          %rem3A_705 = arith.remsi %sub3A_699, %select_n3A_704 : i32
          %ne3A_706 = arith.constant 0 : i32
          %ne3A_707 = arith.cmpi ne, %rem3A_705, %ne3A_706 : i32
          %lt3A_708 = arith.constant 0 : i32
          %lt3A_709 = arith.cmpi slt, %rem3A_705, %lt3A_708 : i32
          %lt3A_710 = arith.constant 0 : i32
          %lt3A_711 = arith.cmpi slt, %select_n3A_704, %lt3A_710 : i32
          %ne3A_712 = arith.xori %lt3A_709, %lt3A_711 : i1
          %and3A_713 = arith.andi %ne3A_712, %ne3A_707 : i1
          %add3A_714 = arith.addi %rem3A_705, %select_n3A_704 : i32
          %select_n3A_715 = arith.select %and3A_713, %add3A_714, %rem3A_705 : i32
          %dma_wait3A_716 = arith.constant 0 : i32
          %dma_wait3A_717 = arith.constant 0 : i32
          %dma_wait3A_718 = tpu.memref_slice %arg8[%select_n3A_715, %dma_wait3A_716, %dma_wait3A_717] : memref<2x128x128xf32, #tpu.memory_space<vmem>> -> memref<1x128x128xf32, #tpu.memory_space<vmem>>
          %dma_wait3A_719 = tpu.memref_squeeze %dma_wait3A_718 : memref<1x128x128xf32, #tpu.memory_space<vmem>> -> memref<128x128xf32, #tpu.memory_space<vmem>>
          %dma_wait3A_720 = arith.constant 0 : i32
          %dma_wait3A_721 = tpu.memref_slice %arg7[%sub3A_699, %dma_wait3A_720] : memref<80x128xi32, #tpu.memory_space<vmem>> -> memref<1x128xi32, #tpu.memory_space<vmem>>
          %dma_wait3A_722 = tpu.memref_squeeze %dma_wait3A_721 : memref<1x128xi32, #tpu.memory_space<vmem>> -> memref<128xi32, #tpu.memory_space<vmem>>
          %dma_wait3A_723 = arith.constant 0 : i32
          %dma_wait3A_724 = arith.constant 0 : i32
          %dma_wait3A_725 = tpu.memref_slice %arg10[%dma_wait3A_723, %dma_wait3A_724] : memref<10112x128xf32, #tpu.memory_space<vmem_shared>> -> memref<10112x128xf32, #tpu.memory_space<vmem_shared>>
          tpu.wait_indirect_dma semaphore(%arg12 : memref<!tpu.dma_semaphore, #tpu.memory_space<semaphore_mem>>) src(%dma_wait3A_719 : memref<128x128xf32, #tpu.memory_space<vmem>>) dst(%dma_wait3A_725 : memref<10112x128xf32, #tpu.memory_space<vmem_shared>>)
        } else {
        }
        %jit3A_634 = arith.constant 40 : i32
        %eq3A_635 = arith.constant 0 : i32
        %eq3A_636 = arith.cmpi eq, %jit3A_634, %eq3A_635 : i32
        %jit3A_637 = arith.constant 1 : i32
        %select_n3A_638 = arith.select %eq3A_636, %jit3A_637, %jit3A_634 : i32
        %rem3A_639 = arith.remsi %scan3A_565, %select_n3A_638 : i32
        %ne3A_640 = arith.constant 0 : i32
        %ne3A_641 = arith.cmpi ne, %rem3A_639, %ne3A_640 : i32
        %lt3A_642 = arith.constant 0 : i32
        %lt3A_643 = arith.cmpi slt, %rem3A_639, %lt3A_642 : i32
        %lt3A_644 = arith.constant 0 : i32
        %lt3A_645 = arith.cmpi slt, %select_n3A_638, %lt3A_644 : i32
        %ne3A_646 = arith.xori %lt3A_643, %lt3A_645 : i1
        %and3A_647 = arith.andi %ne3A_646, %ne3A_641 : i1
        %add3A_648 = arith.addi %rem3A_639, %select_n3A_638 : i32
        %select_n3A_649 = arith.select %and3A_647, %add3A_648, %rem3A_639 : i32
        %eq3A_650 = arith.constant 39 : i32
        %eq3A_651 = arith.cmpi eq, %select_n3A_649, %eq3A_650 : i32
        %convert_element_type3A_652 = arith.extui %eq3A_651 : i1 to i32
        %cond3A_653 = arith.constant 0 : i32
        %cond3A_654 = arith.cmpi ne, %convert_element_type3A_652, %cond3A_653 : i32
        scf.if %cond3A_654 {
          %jit3A_699 = arith.constant 40 : i32
          %div3A = arith.divsi %scan3A_565, %jit3A_699 : i32
          %sign3A = arith.constant 0 : i32
          %sign3A_700 = arith.cmpi sgt, %scan3A_565, %sign3A : i32
          %sign3A_701 = arith.extui %sign3A_700 : i1 to i32
          %sign3A_702 = arith.constant 0 : i32
          %sign3A_703 = arith.cmpi slt, %scan3A_565, %sign3A_702 : i32
          %sign3A_704 = arith.extui %sign3A_703 : i1 to i32
          %sign3A_705 = arith.subi %sign3A_701, %sign3A_704 : i32
          %sign3A_706 = arith.constant 0 : i32
          %sign3A_707 = arith.cmpi sgt, %jit3A_699, %sign3A_706 : i32
          %sign3A_708 = arith.extui %sign3A_707 : i1 to i32
          %sign3A_709 = arith.constant 0 : i32
          %sign3A_710 = arith.cmpi slt, %jit3A_699, %sign3A_709 : i32
          %sign3A_711 = arith.extui %sign3A_710 : i1 to i32
          %sign3A_712 = arith.subi %sign3A_708, %sign3A_711 : i32
          %ne3A_713 = arith.cmpi ne, %sign3A_705, %sign3A_712 : i32
          %rem3A_714 = arith.remsi %scan3A_565, %jit3A_699 : i32
          %ne3A_715 = arith.constant 0 : i32
          %ne3A_716 = arith.cmpi ne, %rem3A_714, %ne3A_715 : i32
          %and3A_717 = arith.andi %ne3A_713, %ne3A_716 : i1
          %sub3A = arith.constant 1 : i32
          %sub3A_718 = arith.subi %div3A, %sub3A : i32
          %select_n3A_719 = arith.select %and3A_717, %sub3A_718, %div3A : i32
          %add3A_720 = arith.constant 1 : i32
          %add3A_721 = arith.addi %select_n3A_719, %add3A_720 : i32
          %mul3A_722 = arith.constant 40 : i32
          %mul3A_723 = arith.muli %add3A_721, %mul3A_722 : i32
          "tpu.region"() ({
            %run_scoped3A = tpu.sem_alloc : memref<!tpu.dma_semaphore, #tpu.memory_space<semaphore_mem>>
            %dma_start3A_724 = arith.constant 0 : i32
            %dma_start3A_725 = tpu.memref_slice %arg3[%add3A, %mul3A_723, %dma_start3A_724] : memref<32x80x128xi32, #tpu.memory_space<hbm>> -> memref<1x40x128xi32, #tpu.memory_space<hbm>>
            %dma_start3A_726 = tpu.memref_squeeze %dma_start3A_725 : memref<1x40x128xi32, #tpu.memory_space<hbm>> -> memref<40x128xi32, #tpu.memory_space<hbm>>
            %dma_start3A_727 = arith.constant 0 : i32
            %dma_start3A_728 = tpu.memref_slice %arg3[%add3A, %mul3A_723, %dma_start3A_727] : memref<32x80x128xi32, #tpu.memory_space<hbm>> -> memref<1x40x128xi32, #tpu.memory_space<hbm>>
            %dma_start3A_729 = tpu.memref_squeeze %dma_start3A_728 : memref<1x40x128xi32, #tpu.memory_space<hbm>> -> memref<40x128xi32, #tpu.memory_space<hbm>>
            tpu.enqueue_dma source(%dma_start3A_729 : memref<40x128xi32, #tpu.memory_space<hbm>>) target(%arg6 : memref<40x128xi32, #tpu.memory_space<vmem>>) target_semaphore(%run_scoped3A : memref<!tpu.dma_semaphore, #tpu.memory_space<semaphore_mem>>)
            %dma_wait3A_730 = arith.constant 0 : i32
            %dma_wait3A_731 = tpu.memref_slice %arg3[%add3A, %mul3A_723, %dma_wait3A_730] : memref<32x80x128xi32, #tpu.memory_space<hbm>> -> memref<1x40x128xi32, #tpu.memory_space<hbm>>
            %dma_wait3A_732 = tpu.memref_squeeze %dma_wait3A_731 : memref<1x40x128xi32, #tpu.memory_space<hbm>> -> memref<40x128xi32, #tpu.memory_space<hbm>>
            %dma_wait3A_733 = arith.constant 0 : i32
            %dma_wait3A_734 = tpu.memref_slice %arg3[%add3A, %mul3A_723, %dma_wait3A_733] : memref<32x80x128xi32, #tpu.memory_space<hbm>> -> memref<1x40x128xi32, #tpu.memory_space<hbm>>
            %dma_wait3A_735 = tpu.memref_squeeze %dma_wait3A_734 : memref<1x40x128xi32, #tpu.memory_space<hbm>> -> memref<40x128xi32, #tpu.memory_space<hbm>>
            tpu.wait_dma2 semaphore(%run_scoped3A : memref<!tpu.dma_semaphore, #tpu.memory_space<semaphore_mem>>) src(%dma_wait3A_735 : memref<40x128xi32, #tpu.memory_space<hbm>>) dst(%arg6 : memref<40x128xi32, #tpu.memory_space<vmem>>)
            tpu.yield
          }) : () -> ()
        } else {
        }
        %add3A_655 = arith.constant 1 : i32
        %add3A_656 = arith.addi %scan3A_565, %add3A_655 : i32
        %jit3A_657 = arith.constant 40 : i32
        %eq3A_658 = arith.constant 0 : i32
        %eq3A_659 = arith.cmpi eq, %jit3A_657, %eq3A_658 : i32
        %jit3A_660 = arith.constant 1 : i32
        %select_n3A_661 = arith.select %eq3A_659, %jit3A_660, %jit3A_657 : i32
        %rem3A_662 = arith.remsi %add3A_656, %select_n3A_661 : i32
        %ne3A_663 = arith.constant 0 : i32
        %ne3A_664 = arith.cmpi ne, %rem3A_662, %ne3A_663 : i32
        %lt3A_665 = arith.constant 0 : i32
        %lt3A_666 = arith.cmpi slt, %rem3A_662, %lt3A_665 : i32
        %lt3A_667 = arith.constant 0 : i32
        %lt3A_668 = arith.cmpi slt, %select_n3A_661, %lt3A_667 : i32
        %ne3A_669 = arith.xori %lt3A_666, %lt3A_668 : i1
        %and3A_670 = arith.andi %ne3A_669, %ne3A_664 : i1
        %add3A_671 = arith.addi %rem3A_662, %select_n3A_661 : i32
        %select_n3A_672 = arith.select %and3A_670, %add3A_671, %rem3A_662 : i32
        %jit3A_673 = arith.constant 2 : i32
        %eq3A_674 = arith.constant 0 : i32
        %eq3A_675 = arith.cmpi eq, %jit3A_673, %eq3A_674 : i32
        %jit3A_676 = arith.constant 1 : i32
        %select_n3A_677 = arith.select %eq3A_675, %jit3A_676, %jit3A_673 : i32
        %rem3A_678 = arith.remsi %add3A_656, %select_n3A_677 : i32
        %ne3A_679 = arith.constant 0 : i32
        %ne3A_680 = arith.cmpi ne, %rem3A_678, %ne3A_679 : i32
        %lt3A_681 = arith.constant 0 : i32
        %lt3A_682 = arith.cmpi slt, %rem3A_678, %lt3A_681 : i32
        %lt3A_683 = arith.constant 0 : i32
        %lt3A_684 = arith.cmpi slt, %select_n3A_677, %lt3A_683 : i32
        %ne3A_685 = arith.xori %lt3A_682, %lt3A_684 : i1
        %and3A_686 = arith.andi %ne3A_685, %ne3A_680 : i1
        %add3A_687 = arith.addi %rem3A_678, %select_n3A_677 : i32
        %select_n3A_688 = arith.select %and3A_686, %add3A_687, %rem3A_678 : i32
        %dma_start3A_689 = arith.constant 0 : i32
        %dma_start3A_690 = arith.constant 0 : i32
        %dma_start3A_691 = tpu.memref_slice %arg8[%select_n3A_688, %dma_start3A_689, %dma_start3A_690] : memref<2x128x128xf32, #tpu.memory_space<vmem>> -> memref<1x128x128xf32, #tpu.memory_space<vmem>>
        %dma_start3A_692 = tpu.memref_squeeze %dma_start3A_691 : memref<1x128x128xf32, #tpu.memory_space<vmem>> -> memref<128x128xf32, #tpu.memory_space<vmem>>
        %dma_start3A_693 = arith.constant 0 : i32
        %dma_start3A_694 = tpu.memref_slice %arg6[%select_n3A_672, %dma_start3A_693] : memref<40x128xi32, #tpu.memory_space<vmem>> -> memref<1x128xi32, #tpu.memory_space<vmem>>
        %dma_start3A_695 = tpu.memref_squeeze %dma_start3A_694 : memref<1x128xi32, #tpu.memory_space<vmem>> -> memref<128xi32, #tpu.memory_space<vmem>>
        %dma_start3A_696 = arith.constant 0 : i32
        %dma_start3A_697 = arith.constant 0 : i32
        %dma_start3A_698 = tpu.memref_slice %arg2[%dma_start3A_696, %dma_start3A_697] : memref<10000x128xf32, #tpu.memory_space<hbm>> -> memref<10000x128xf32, #tpu.memory_space<hbm>>
        tpu.enqueue_indirect_dma source(%dma_start3A_698 : memref<10000x128xf32, #tpu.memory_space<hbm>>) target(%dma_start3A_692 : memref<128x128xf32, #tpu.memory_space<vmem>>) offsets(%dma_start3A_695 : memref<128xi32, #tpu.memory_space<vmem>>) semaphore(%arg11 : memref<!tpu.dma_semaphore, #tpu.memory_space<semaphore_mem>>)
      } else {
      }
      %jit3A_604 = arith.constant 2 : i32
      %eq3A_605 = arith.constant 0 : i32
      %eq3A_606 = arith.cmpi eq, %jit3A_604, %eq3A_605 : i32
      %jit3A_607 = arith.constant 1 : i32
      %select_n3A_608 = arith.select %eq3A_606, %jit3A_607, %jit3A_604 : i32
      %rem3A_609 = arith.remsi %scan3A_565, %select_n3A_608 : i32
      %ne3A_610 = arith.constant 0 : i32
      %ne3A_611 = arith.cmpi ne, %rem3A_609, %ne3A_610 : i32
      %lt3A_612 = arith.constant 0 : i32
      %lt3A_613 = arith.cmpi slt, %rem3A_609, %lt3A_612 : i32
      %lt3A_614 = arith.constant 0 : i32
      %lt3A_615 = arith.cmpi slt, %select_n3A_608, %lt3A_614 : i32
      %ne3A_616 = arith.xori %lt3A_613, %lt3A_615 : i1
      %and3A_617 = arith.andi %ne3A_616, %ne3A_611 : i1
      %add3A_618 = arith.addi %rem3A_609, %select_n3A_608 : i32
      %select_n3A_619 = arith.select %and3A_617, %add3A_618, %rem3A_609 : i32
      %dma_start3A_620 = arith.constant 0 : i32
      %dma_start3A_621 = arith.constant 0 : i32
      %dma_start3A_622 = tpu.memref_slice %arg8[%select_n3A_619, %dma_start3A_620, %dma_start3A_621] : memref<2x128x128xf32, #tpu.memory_space<vmem>> -> memref<1x128x128xf32, #tpu.memory_space<vmem>>
      %dma_start3A_623 = tpu.memref_squeeze %dma_start3A_622 : memref<1x128x128xf32, #tpu.memory_space<vmem>> -> memref<128x128xf32, #tpu.memory_space<vmem>>
      %dma_start3A_624 = arith.constant 0 : i32
      %dma_start3A_625 = tpu.memref_slice %arg7[%scan3A_565, %dma_start3A_624] : memref<80x128xi32, #tpu.memory_space<vmem>> -> memref<1x128xi32, #tpu.memory_space<vmem>>
      %dma_start3A_626 = tpu.memref_squeeze %dma_start3A_625 : memref<1x128xi32, #tpu.memory_space<vmem>> -> memref<128xi32, #tpu.memory_space<vmem>>
      %dma_start3A_627 = arith.constant 0 : i32
      %dma_start3A_628 = arith.constant 0 : i32
      %dma_start3A_629 = tpu.memref_slice %arg10[%dma_start3A_627, %dma_start3A_628] : memref<10112x128xf32, #tpu.memory_space<vmem_shared>> -> memref<10112x128xf32, #tpu.memory_space<vmem_shared>>
      tpu.enqueue_indirect_dma source(%dma_start3A_623 : memref<128x128xf32, #tpu.memory_space<vmem>>) target(%dma_start3A_629 : memref<10112x128xf32, #tpu.memory_space<vmem_shared>>) offsets(%dma_start3A_626 : memref<128xi32, #tpu.memory_space<vmem>>) semaphore(%arg12 : memref<!tpu.dma_semaphore, #tpu.memory_space<semaphore_mem>>) {add = true}
    }
    %scan3A_538 = arith.constant 80 : i32
    %dma_wait3A = arith.constant 0 : i32
    %dma_wait3A_539 = arith.constant 78 : i32
    %dma_wait3A_540 = arith.constant 0 : i32
    %dma_wait3A_541 = arith.constant 0 : i32
    %dma_wait3A_542 = tpu.memref_slice %arg8[%dma_wait3A, %dma_wait3A_540, %dma_wait3A_541] : memref<2x128x128xf32, #tpu.memory_space<vmem>> -> memref<1x128x128xf32, #tpu.memory_space<vmem>>
    %dma_wait3A_543 = tpu.memref_squeeze %dma_wait3A_542 : memref<1x128x128xf32, #tpu.memory_space<vmem>> -> memref<128x128xf32, #tpu.memory_space<vmem>>
    %dma_wait3A_544 = arith.constant 0 : i32
    %dma_wait3A_545 = tpu.memref_slice %arg7[%dma_wait3A_539, %dma_wait3A_544] : memref<80x128xi32, #tpu.memory_space<vmem>> -> memref<1x128xi32, #tpu.memory_space<vmem>>
    %dma_wait3A_546 = tpu.memref_squeeze %dma_wait3A_545 : memref<1x128xi32, #tpu.memory_space<vmem>> -> memref<128xi32, #tpu.memory_space<vmem>>
    %dma_wait3A_547 = arith.constant 0 : i32
    %dma_wait3A_548 = arith.constant 0 : i32
    %dma_wait3A_549 = tpu.memref_slice %arg10[%dma_wait3A_547, %dma_wait3A_548] : memref<10112x128xf32, #tpu.memory_space<vmem_shared>> -> memref<10112x128xf32, #tpu.memory_space<vmem_shared>>
    tpu.wait_indirect_dma semaphore(%arg12 : memref<!tpu.dma_semaphore, #tpu.memory_space<semaphore_mem>>) src(%dma_wait3A_543 : memref<128x128xf32, #tpu.memory_space<vmem>>) dst(%dma_wait3A_549 : memref<10112x128xf32, #tpu.memory_space<vmem_shared>>)
    %dma_wait3A_550 = arith.constant 1 : i32
    %dma_wait3A_551 = arith.constant 79 : i32
    %dma_wait3A_552 = arith.constant 0 : i32
    %dma_wait3A_553 = arith.constant 0 : i32
    %dma_wait3A_554 = tpu.memref_slice %arg8[%dma_wait3A_550, %dma_wait3A_552, %dma_wait3A_553] : memref<2x128x128xf32, #tpu.memory_space<vmem>> -> memref<1x128x128xf32, #tpu.memory_space<vmem>>
    %dma_wait3A_555 = tpu.memref_squeeze %dma_wait3A_554 : memref<1x128x128xf32, #tpu.memory_space<vmem>> -> memref<128x128xf32, #tpu.memory_space<vmem>>
    %dma_wait3A_556 = arith.constant 0 : i32
    %dma_wait3A_557 = tpu.memref_slice %arg7[%dma_wait3A_551, %dma_wait3A_556] : memref<80x128xi32, #tpu.memory_space<vmem>> -> memref<1x128xi32, #tpu.memory_space<vmem>>
    %dma_wait3A_558 = tpu.memref_squeeze %dma_wait3A_557 : memref<1x128xi32, #tpu.memory_space<vmem>> -> memref<128xi32, #tpu.memory_space<vmem>>
    %dma_wait3A_559 = arith.constant 0 : i32
    %dma_wait3A_560 = arith.constant 0 : i32
    %dma_wait3A_561 = tpu.memref_slice %arg10[%dma_wait3A_559, %dma_wait3A_560] : memref<10112x128xf32, #tpu.memory_space<vmem_shared>> -> memref<10112x128xf32, #tpu.memory_space<vmem_shared>>
    tpu.wait_indirect_dma semaphore(%arg12 : memref<!tpu.dma_semaphore, #tpu.memory_space<semaphore_mem>>) src(%dma_wait3A_555 : memref<128x128xf32, #tpu.memory_space<vmem>>) dst(%dma_wait3A_561 : memref<10112x128xf32, #tpu.memory_space<vmem_shared>>)
    %barrier3A_562 = arith.constant 0 : index
    tpu.barrier barrier_id(%barrier3A_562)
    %mul3A_563 = arith.constant 632 : i32
    %mul3A_564 = arith.muli %arg1, %mul3A_563 : i32
    "tpu.region"() ({
      %run_scoped3A = tpu.sem_alloc : memref<!tpu.dma_semaphore, #tpu.memory_space<semaphore_mem>>
      %dma_start3A_565 = arith.constant 0 : i32
      %dma_start3A_566 = tpu.memref_slice %arg5[%arg0, %mul3A_564, %dma_start3A_565] : memref<2x10112x128xf32, #tpu.memory_space<hbm>> -> memref<1x632x128xf32, #tpu.memory_space<hbm>>
      %dma_start3A_567 = tpu.memref_squeeze %dma_start3A_566 : memref<1x632x128xf32, #tpu.memory_space<hbm>> -> memref<632x128xf32, #tpu.memory_space<hbm>>
      %dma_start3A_568 = arith.constant 0 : i32
      %dma_start3A_569 = tpu.memref_slice %arg10[%mul3A_564, %dma_start3A_568] : memref<10112x128xf32, #tpu.memory_space<vmem_shared>> -> memref<632x128xf32, #tpu.memory_space<vmem_shared>>
      tpu.enqueue_dma source(%dma_start3A_569 : memref<632x128xf32, #tpu.memory_space<vmem_shared>>) target(%dma_start3A_567 : memref<632x128xf32, #tpu.memory_space<hbm>>) target_semaphore(%run_scoped3A : memref<!tpu.dma_semaphore, #tpu.memory_space<semaphore_mem>>)
      %dma_wait3A_570 = arith.constant 0 : i32
      %dma_wait3A_571 = tpu.memref_slice %arg5[%arg0, %mul3A_564, %dma_wait3A_570] : memref<2x10112x128xf32, #tpu.memory_space<hbm>> -> memref<1x632x128xf32, #tpu.memory_space<hbm>>
      %dma_wait3A_572 = tpu.memref_squeeze %dma_wait3A_571 : memref<1x632x128xf32, #tpu.memory_space<hbm>> -> memref<632x128xf32, #tpu.memory_space<hbm>>
      %dma_wait3A_573 = arith.constant 0 : i32
      %dma_wait3A_574 = tpu.memref_slice %arg10[%mul3A_564, %dma_wait3A_573] : memref<10112x128xf32, #tpu.memory_space<vmem_shared>> -> memref<632x128xf32, #tpu.memory_space<vmem_shared>>
      tpu.wait_dma2 semaphore(%run_scoped3A : memref<!tpu.dma_semaphore, #tpu.memory_space<semaphore_mem>>) src(%dma_wait3A_574 : memref<632x128xf32, #tpu.memory_space<vmem_shared>>) dst(%dma_wait3A_572 : memref<632x128xf32, #tpu.memory_space<hbm>>)
      tpu.yield
    }) : () -> ()
    return
  }
}

#map = affine_map<(d0, d1) -> (0, 0)>
#map1 = affine_map<(d0, d1) -> (0, 0, 0)>
module attributes {stable_mosaic.version = 14 : i64} {
  func.func @spmm(%arg0: i32, %arg1: i32, %arg2: memref<10000x128xf32, #tpu.memory_space<hbm>>, %arg3: memref<32x80x128xi32, #tpu.memory_space<hbm>>, %arg4: memref<32x80x128xi32, #tpu.memory_space<hbm>>, %arg5: memref<2x10112x128xf32, #tpu.memory_space<hbm>>, %arg6: memref<40x128xi32, #tpu.memory_space<vmem>>, %arg7: memref<80x128xi32, #tpu.memory_space<vmem>>, %arg8: memref<2x128x128xf32, #tpu.memory_space<vmem>>, %arg9: memref<8x128xf32, #tpu.memory_space<vmem>>, %arg10: memref<10112x128xf32, #tpu.memory_space<vmem_shared>>, %arg11: memref<!tpu.dma_semaphore, #tpu.memory_space<semaphore_mem>>, %arg12: memref<!tpu.dma_semaphore, #tpu.memory_space<semaphore_mem>>) attributes {dimension_semantics = [#tpu.dimension_semantics<core_parallel>, #tpu.dimension_semantics<subcore_parallel>], iteration_bounds = array<i64: 2, 16>, scalar_prefetch = 0 : i64, scratch_operands = 7 : i64, tpu.core_type = #tpu.core_type<sc_vector_subcore>, window_params = [{transform_indices = #map}, {transform_indices = #map1}, {transform_indices = #map1}, {transform_indices = #map1}]} {
    %mul3A = arith.constant 2 : i32
    %mul3A_0 = arith.muli %arg1, %mul3A : i32
    %add3A = arith.addi %mul3A_0, %arg0 : i32
    %broadcast_in_dim3A = arith.constant 0.000000e+00 : f32
    %broadcast_in_dim3A_1 = vector.broadcast %broadcast_in_dim3A : f32 to vector<16xf32>
    %swap3A = arith.constant 0 : i32
    %swap3A_2 = arith.index_cast %swap3A : i32 to index
    %swap3A_3 = arith.constant 0 : index
    %swap3A_4 = tpu.vector_load %arg9[%swap3A_2, %swap3A_3] {strides = array<i32>} : memref<8x128xf32, #tpu.memory_space<vmem>>, vector<1x16xf32>,
    %swap3A_5 = vector.shape_cast %swap3A_4 : vector<1x16xf32> to vector<16xf32>
    %swap3A_6 = vector.shape_cast %broadcast_in_dim3A_1 : vector<16xf32> to vector<1x16xf32>
    tpu.vector_store %arg9[%swap3A_2, %swap3A_3], %swap3A_6 {strides = array<i32>} : memref<8x128xf32, #tpu.memory_space<vmem>>, vector<1x16xf32>,
    %broadcast_in_dim3A_7 = arith.constant 0.000000e+00 : f32
    %broadcast_in_dim3A_8 = vector.broadcast %broadcast_in_dim3A_7 : f32 to vector<16xf32>
    %swap3A_9 = arith.constant 0 : i32
    %swap3A_10 = arith.index_cast %swap3A_9 : i32 to index
    %swap3A_11 = arith.constant 16 : index
    %swap3A_12 = tpu.vector_load %arg9[%swap3A_10, %swap3A_11] {strides = array<i32>} : memref<8x128xf32, #tpu.memory_space<vmem>>, vector<1x16xf32>,
    %swap3A_13 = vector.shape_cast %swap3A_12 : vector<1x16xf32> to vector<16xf32>
    %swap3A_14 = vector.shape_cast %broadcast_in_dim3A_8 : vector<16xf32> to vector<1x16xf32>
    tpu.vector_store %arg9[%swap3A_10, %swap3A_11], %swap3A_14 {strides = array<i32>} : memref<8x128xf32, #tpu.memory_space<vmem>>, vector<1x16xf32>,
    %broadcast_in_dim3A_15 = arith.constant 0.000000e+00 : f32
    %broadcast_in_dim3A_16 = vector.broadcast %broadcast_in_dim3A_15 : f32 to vector<16xf32>
    %swap3A_17 = arith.constant 0 : i32
    %swap3A_18 = arith.index_cast %swap3A_17 : i32 to index
    %swap3A_19 = arith.constant 32 : index
    %swap3A_20 = tpu.vector_load %arg9[%swap3A_18, %swap3A_19] {strides = array<i32>} : memref<8x128xf32, #tpu.memory_space<vmem>>, vector<1x16xf32>,
    %swap3A_21 = vector.shape_cast %swap3A_20 : vector<1x16xf32> to vector<16xf32>
    %swap3A_22 = vector.shape_cast %broadcast_in_dim3A_16 : vector<16xf32> to vector<1x16xf32>
    tpu.vector_store %arg9[%swap3A_18, %swap3A_19], %swap3A_22 {strides = array<i32>} : memref<8x128xf32, #tpu.memory_space<vmem>>, vector<1x16xf32>,
    %broadcast_in_dim3A_23 = arith.constant 0.000000e+00 : f32
    %broadcast_in_dim3A_24 = vector.broadcast %broadcast_in_dim3A_23 : f32 to vector<16xf32>
    %swap3A_25 = arith.constant 0 : i32
    %swap3A_26 = arith.index_cast %swap3A_25 : i32 to index
    %swap3A_27 = arith.constant 48 : index
    %swap3A_28 = tpu.vector_load %arg9[%swap3A_26, %swap3A_27] {strides = array<i32>} : memref<8x128xf32, #tpu.memory_space<vmem>>, vector<1x16xf32>,
    %swap3A_29 = vector.shape_cast %swap3A_28 : vector<1x16xf32> to vector<16xf32>
    %swap3A_30 = vector.shape_cast %broadcast_in_dim3A_24 : vector<16xf32> to vector<1x16xf32>
    tpu.vector_store %arg9[%swap3A_26, %swap3A_27], %swap3A_30 {strides = array<i32>} : memref<8x128xf32, #tpu.memory_space<vmem>>, vector<1x16xf32>,
    %broadcast_in_dim3A_31 = arith.constant 0.000000e+00 : f32
    %broadcast_in_dim3A_32 = vector.broadcast %broadcast_in_dim3A_31 : f32 to vector<16xf32>
    %swap3A_33 = arith.constant 0 : i32
    %swap3A_34 = arith.index_cast %swap3A_33 : i32 to index
    %swap3A_35 = arith.constant 64 : index
    %swap3A_36 = tpu.vector_load %arg9[%swap3A_34, %swap3A_35] {strides = array<i32>} : memref<8x128xf32, #tpu.memory_space<vmem>>, vector<1x16xf32>,
    %swap3A_37 = vector.shape_cast %swap3A_36 : vector<1x16xf32> to vector<16xf32>
    %swap3A_38 = vector.shape_cast %broadcast_in_dim3A_32 : vector<16xf32> to vector<1x16xf32>
    tpu.vector_store %arg9[%swap3A_34, %swap3A_35], %swap3A_38 {strides = array<i32>} : memref<8x128xf32, #tpu.memory_space<vmem>>, vector<1x16xf32>,
    %broadcast_in_dim3A_39 = arith.constant 0.000000e+00 : f32
    %broadcast_in_dim3A_40 = vector.broadcast %broadcast_in_dim3A_39 : f32 to vector<16xf32>
    %swap3A_41 = arith.constant 0 : i32
    %swap3A_42 = arith.index_cast %swap3A_41 : i32 to index
    %swap3A_43 = arith.constant 80 : index
    %swap3A_44 = tpu.vector_load %arg9[%swap3A_42, %swap3A_43] {strides = array<i32>} : memref<8x128xf32, #tpu.memory_space<vmem>>, vector<1x16xf32>,
    %swap3A_45 = vector.shape_cast %swap3A_44 : vector<1x16xf32> to vector<16xf32>
    %swap3A_46 = vector.shape_cast %broadcast_in_dim3A_40 : vector<16xf32> to vector<1x16xf32>
    tpu.vector_store %arg9[%swap3A_42, %swap3A_43], %swap3A_46 {strides = array<i32>} : memref<8x128xf32, #tpu.memory_space<vmem>>, vector<1x16xf32>,
    %broadcast_in_dim3A_47 = arith.constant 0.000000e+00 : f32
    %broadcast_in_dim3A_48 = vector.broadcast %broadcast_in_dim3A_47 : f32 to vector<16xf32>
    %swap3A_49 = arith.constant 0 : i32
    %swap3A_50 = arith.index_cast %swap3A_49 : i32 to index
    %swap3A_51 = arith.constant 96 : index
    %swap3A_52 = tpu.vector_load %arg9[%swap3A_50, %swap3A_51] {strides = array<i32>} : memref<8x128xf32, #tpu.memory_space<vmem>>, vector<1x16xf32>,
    %swap3A_53 = vector.shape_cast %swap3A_52 : vector<1x16xf32> to vector<16xf32>
    %swap3A_54 = vector.shape_cast %broadcast_in_dim3A_48 : vector<16xf32> to vector<1x16xf32>
    tpu.vector_store %arg9[%swap3A_50, %swap3A_51], %swap3A_54 {strides = array<i32>} : memref<8x128xf32, #tpu.memory_space<vmem>>, vector<1x16xf32>,
    %broadcast_in_dim3A_55 = arith.constant 0.000000e+00 : f32
    %broadcast_in_dim3A_56 = vector.broadcast %broadcast_in_dim3A_55 : f32 to vector<16xf32>
    %swap3A_57 = arith.constant 0 : i32
    %swap3A_58 = arith.index_cast %swap3A_57 : i32 to index
    %swap3A_59 = arith.constant 112 : index
    %swap3A_60 = tpu.vector_load %arg9[%swap3A_58, %swap3A_59] {strides = array<i32>} : memref<8x128xf32, #tpu.memory_space<vmem>>, vector<1x16xf32>,
    %swap3A_61 = vector.shape_cast %swap3A_60 : vector<1x16xf32> to vector<16xf32>
    %swap3A_62 = vector.shape_cast %broadcast_in_dim3A_56 : vector<16xf32> to vector<1x16xf32>
    tpu.vector_store %arg9[%swap3A_58, %swap3A_59], %swap3A_62 {strides = array<i32>} : memref<8x128xf32, #tpu.memory_space<vmem>>, vector<1x16xf32>,
    %broadcast_in_dim3A_63 = arith.constant 0.000000e+00 : f32
    %broadcast_in_dim3A_64 = vector.broadcast %broadcast_in_dim3A_63 : f32 to vector<16xf32>
    %swap3A_65 = arith.constant 1 : i32
    %swap3A_66 = arith.index_cast %swap3A_65 : i32 to index
    %swap3A_67 = arith.constant 0 : index
    %swap3A_68 = tpu.vector_load %arg9[%swap3A_66, %swap3A_67] {strides = array<i32>} : memref<8x128xf32, #tpu.memory_space<vmem>>, vector<1x16xf32>,
    %swap3A_69 = vector.shape_cast %swap3A_68 : vector<1x16xf32> to vector<16xf32>
    %swap3A_70 = vector.shape_cast %broadcast_in_dim3A_64 : vector<16xf32> to vector<1x16xf32>
    tpu.vector_store %arg9[%swap3A_66, %swap3A_67], %swap3A_70 {strides = array<i32>} : memref<8x128xf32, #tpu.memory_space<vmem>>, vector<1x16xf32>,
    %broadcast_in_dim3A_71 = arith.constant 0.000000e+00 : f32
    %broadcast_in_dim3A_72 = vector.broadcast %broadcast_in_dim3A_71 : f32 to vector<16xf32>
    %swap3A_73 = arith.constant 1 : i32
    %swap3A_74 = arith.index_cast %swap3A_73 : i32 to index
    %swap3A_75 = arith.constant 16 : index
    %swap3A_76 = tpu.vector_load %arg9[%swap3A_74, %swap3A_75] {strides = array<i32>} : memref<8x128xf32, #tpu.memory_space<vmem>>, vector<1x16xf32>,
    %swap3A_77 = vector.shape_cast %swap3A_76 : vector<1x16xf32> to vector<16xf32>
    %swap3A_78 = vector.shape_cast %broadcast_in_dim3A_72 : vector<16xf32> to vector<1x16xf32>
    tpu.vector_store %arg9[%swap3A_74, %swap3A_75], %swap3A_78 {strides = array<i32>} : memref<8x128xf32, #tpu.memory_space<vmem>>, vector<1x16xf32>,
    %broadcast_in_dim3A_79 = arith.constant 0.000000e+00 : f32
    %broadcast_in_dim3A_80 = vector.broadcast %broadcast_in_dim3A_79 : f32 to vector<16xf32>
    %swap3A_81 = arith.constant 1 : i32
    %swap3A_82 = arith.index_cast %swap3A_81 : i32 to index
    %swap3A_83 = arith.constant 32 : index
    %swap3A_84 = tpu.vector_load %arg9[%swap3A_82, %swap3A_83] {strides = array<i32>} : memref<8x128xf32, #tpu.memory_space<vmem>>, vector<1x16xf32>,
    %swap3A_85 = vector.shape_cast %swap3A_84 : vector<1x16xf32> to vector<16xf32>
    %swap3A_86 = vector.shape_cast %broadcast_in_dim3A_80 : vector<16xf32> to vector<1x16xf32>
    tpu.vector_store %arg9[%swap3A_82, %swap3A_83], %swap3A_86 {strides = array<i32>} : memref<8x128xf32, #tpu.memory_space<vmem>>, vector<1x16xf32>,
    %broadcast_in_dim3A_87 = arith.constant 0.000000e+00 : f32
    %broadcast_in_dim3A_88 = vector.broadcast %broadcast_in_dim3A_87 : f32 to vector<16xf32>
    %swap3A_89 = arith.constant 1 : i32
    %swap3A_90 = arith.index_cast %swap3A_89 : i32 to index
    %swap3A_91 = arith.constant 48 : index
    %swap3A_92 = tpu.vector_load %arg9[%swap3A_90, %swap3A_91] {strides = array<i32>} : memref<8x128xf32, #tpu.memory_space<vmem>>, vector<1x16xf32>,
    %swap3A_93 = vector.shape_cast %swap3A_92 : vector<1x16xf32> to vector<16xf32>
    %swap3A_94 = vector.shape_cast %broadcast_in_dim3A_88 : vector<16xf32> to vector<1x16xf32>
    tpu.vector_store %arg9[%swap3A_90, %swap3A_91], %swap3A_94 {strides = array<i32>} : memref<8x128xf32, #tpu.memory_space<vmem>>, vector<1x16xf32>,
    %broadcast_in_dim3A_95 = arith.constant 0.000000e+00 : f32
    %broadcast_in_dim3A_96 = vector.broadcast %broadcast_in_dim3A_95 : f32 to vector<16xf32>
    %swap3A_97 = arith.constant 1 : i32
    %swap3A_98 = arith.index_cast %swap3A_97 : i32 to index
    %swap3A_99 = arith.constant 64 : index
    %swap3A_100 = tpu.vector_load %arg9[%swap3A_98, %swap3A_99] {strides = array<i32>} : memref<8x128xf32, #tpu.memory_space<vmem>>, vector<1x16xf32>,
    %swap3A_101 = vector.shape_cast %swap3A_100 : vector<1x16xf32> to vector<16xf32>
    %swap3A_102 = vector.shape_cast %broadcast_in_dim3A_96 : vector<16xf32> to vector<1x16xf32>
    tpu.vector_store %arg9[%swap3A_98, %swap3A_99], %swap3A_102 {strides = array<i32>} : memref<8x128xf32, #tpu.memory_space<vmem>>, vector<1x16xf32>,
    %broadcast_in_dim3A_103 = arith.constant 0.000000e+00 : f32
    %broadcast_in_dim3A_104 = vector.broadcast %broadcast_in_dim3A_103 : f32 to vector<16xf32>
    %swap3A_105 = arith.constant 1 : i32
    %swap3A_106 = arith.index_cast %swap3A_105 : i32 to index
    %swap3A_107 = arith.constant 80 : index
    %swap3A_108 = tpu.vector_load %arg9[%swap3A_106, %swap3A_107] {strides = array<i32>} : memref<8x128xf32, #tpu.memory_space<vmem>>, vector<1x16xf32>,
    %swap3A_109 = vector.shape_cast %swap3A_108 : vector<1x16xf32> to vector<16xf32>
    %swap3A_110 = vector.shape_cast %broadcast_in_dim3A_104 : vector<16xf32> to vector<1x16xf32>
    tpu.vector_store %arg9[%swap3A_106, %swap3A_107], %swap3A_110 {strides = array<i32>} : memref<8x128xf32, #tpu.memory_space<vmem>>, vector<1x16xf32>,
    %broadcast_in_dim3A_111 = arith.constant 0.000000e+00 : f32
    %broadcast_in_dim3A_112 = vector.broadcast %broadcast_in_dim3A_111 : f32 to vector<16xf32>
    %swap3A_113 = arith.constant 1 : i32
    %swap3A_114 = arith.index_cast %swap3A_113 : i32 to index
    %swap3A_115 = arith.constant 96 : index
    %swap3A_116 = tpu.vector_load %arg9[%swap3A_114, %swap3A_115] {strides = array<i32>} : memref<8x128xf32, #tpu.memory_space<vmem>>, vector<1x16xf32>,
    %swap3A_117 = vector.shape_cast %swap3A_116 : vector<1x16xf32> to vector<16xf32>
    %swap3A_118 = vector.shape_cast %broadcast_in_dim3A_112 : vector<16xf32> to vector<1x16xf32>
    tpu.vector_store %arg9[%swap3A_114, %swap3A_115], %swap3A_118 {strides = array<i32>} : memref<8x128xf32, #tpu.memory_space<vmem>>, vector<1x16xf32>,
    %broadcast_in_dim3A_119 = arith.constant 0.000000e+00 : f32
    %broadcast_in_dim3A_120 = vector.broadcast %broadcast_in_dim3A_119 : f32 to vector<16xf32>
    %swap3A_121 = arith.constant 1 : i32
    %swap3A_122 = arith.index_cast %swap3A_121 : i32 to index
    %swap3A_123 = arith.constant 112 : index
    %swap3A_124 = tpu.vector_load %arg9[%swap3A_122, %swap3A_123] {strides = array<i32>} : memref<8x128xf32, #tpu.memory_space<vmem>>, vector<1x16xf32>,
    %swap3A_125 = vector.shape_cast %swap3A_124 : vector<1x16xf32> to vector<16xf32>
    %swap3A_126 = vector.shape_cast %broadcast_in_dim3A_120 : vector<16xf32> to vector<1x16xf32>
    tpu.vector_store %arg9[%swap3A_122, %swap3A_123], %swap3A_126 {strides = array<i32>} : memref<8x128xf32, #tpu.memory_space<vmem>>, vector<1x16xf32>,
    %broadcast_in_dim3A_127 = arith.constant 0.000000e+00 : f32
    %broadcast_in_dim3A_128 = vector.broadcast %broadcast_in_dim3A_127 : f32 to vector<16xf32>
    %swap3A_129 = arith.constant 2 : i32
    %swap3A_130 = arith.index_cast %swap3A_129 : i32 to index
    %swap3A_131 = arith.constant 0 : index
    %swap3A_132 = tpu.vector_load %arg9[%swap3A_130, %swap3A_131] {strides = array<i32>} : memref<8x128xf32, #tpu.memory_space<vmem>>, vector<1x16xf32>,
    %swap3A_133 = vector.shape_cast %swap3A_132 : vector<1x16xf32> to vector<16xf32>
    %swap3A_134 = vector.shape_cast %broadcast_in_dim3A_128 : vector<16xf32> to vector<1x16xf32>
    tpu.vector_store %arg9[%swap3A_130, %swap3A_131], %swap3A_134 {strides = array<i32>} : memref<8x128xf32, #tpu.memory_space<vmem>>, vector<1x16xf32>,
    %broadcast_in_dim3A_135 = arith.constant 0.000000e+00 : f32
    %broadcast_in_dim3A_136 = vector.broadcast %broadcast_in_dim3A_135 : f32 to vector<16xf32>
    %swap3A_137 = arith.constant 2 : i32
    %swap3A_138 = arith.index_cast %swap3A_137 : i32 to index
    %swap3A_139 = arith.constant 16 : index
    %swap3A_140 = tpu.vector_load %arg9[%swap3A_138, %swap3A_139] {strides = array<i32>} : memref<8x128xf32, #tpu.memory_space<vmem>>, vector<1x16xf32>,
    %swap3A_141 = vector.shape_cast %swap3A_140 : vector<1x16xf32> to vector<16xf32>
    %swap3A_142 = vector.shape_cast %broadcast_in_dim3A_136 : vector<16xf32> to vector<1x16xf32>
    tpu.vector_store %arg9[%swap3A_138, %swap3A_139], %swap3A_142 {strides = array<i32>} : memref<8x128xf32, #tpu.memory_space<vmem>>, vector<1x16xf32>,
    %broadcast_in_dim3A_143 = arith.constant 0.000000e+00 : f32
    %broadcast_in_dim3A_144 = vector.broadcast %broadcast_in_dim3A_143 : f32 to vector<16xf32>
    %swap3A_145 = arith.constant 2 : i32
    %swap3A_146 = arith.index_cast %swap3A_145 : i32 to index
    %swap3A_147 = arith.constant 32 : index
    %swap3A_148 = tpu.vector_load %arg9[%swap3A_146, %swap3A_147] {strides = array<i32>} : memref<8x128xf32, #tpu.memory_space<vmem>>, vector<1x16xf32>,
    %swap3A_149 = vector.shape_cast %swap3A_148 : vector<1x16xf32> to vector<16xf32>
    %swap3A_150 = vector.shape_cast %broadcast_in_dim3A_144 : vector<16xf32> to vector<1x16xf32>
    tpu.vector_store %arg9[%swap3A_146, %swap3A_147], %swap3A_150 {strides = array<i32>} : memref<8x128xf32, #tpu.memory_space<vmem>>, vector<1x16xf32>,
    %broadcast_in_dim3A_151 = arith.constant 0.000000e+00 : f32
    %broadcast_in_dim3A_152 = vector.broadcast %broadcast_in_dim3A_151 : f32 to vector<16xf32>
    %swap3A_153 = arith.constant 2 : i32
    %swap3A_154 = arith.index_cast %swap3A_153 : i32 to index
    %swap3A_155 = arith.constant 48 : index
    %swap3A_156 = tpu.vector_load %arg9[%swap3A_154, %swap3A_155] {strides = array<i32>} : memref<8x128xf32, #tpu.memory_space<vmem>>, vector<1x16xf32>,
    %swap3A_157 = vector.shape_cast %swap3A_156 : vector<1x16xf32> to vector<16xf32>
    %swap3A_158 = vector.shape_cast %broadcast_in_dim3A_152 : vector<16xf32> to vector<1x16xf32>
    tpu.vector_store %arg9[%swap3A_154, %swap3A_155], %swap3A_158 {strides = array<i32>} : memref<8x128xf32, #tpu.memory_space<vmem>>, vector<1x16xf32>,
    %broadcast_in_dim3A_159 = arith.constant 0.000000e+00 : f32
    %broadcast_in_dim3A_160 = vector.broadcast %broadcast_in_dim3A_159 : f32 to vector<16xf32>
    %swap3A_161 = arith.constant 2 : i32
    %swap3A_162 = arith.index_cast %swap3A_161 : i32 to index
    %swap3A_163 = arith.constant 64 : index
    %swap3A_164 = tpu.vector_load %arg9[%swap3A_162, %swap3A_163] {strides = array<i32>} : memref<8x128xf32, #tpu.memory_space<vmem>>, vector<1x16xf32>,
    %swap3A_165 = vector.shape_cast %swap3A_164 : vector<1x16xf32> to vector<16xf32>
    %swap3A_166 = vector.shape_cast %broadcast_in_dim3A_160 : vector<16xf32> to vector<1x16xf32>
    tpu.vector_store %arg9[%swap3A_162, %swap3A_163], %swap3A_166 {strides = array<i32>} : memref<8x128xf32, #tpu.memory_space<vmem>>, vector<1x16xf32>,
    %broadcast_in_dim3A_167 = arith.constant 0.000000e+00 : f32
    %broadcast_in_dim3A_168 = vector.broadcast %broadcast_in_dim3A_167 : f32 to vector<16xf32>
    %swap3A_169 = arith.constant 2 : i32
    %swap3A_170 = arith.index_cast %swap3A_169 : i32 to index
    %swap3A_171 = arith.constant 80 : index
    %swap3A_172 = tpu.vector_load %arg9[%swap3A_170, %swap3A_171] {strides = array<i32>} : memref<8x128xf32, #tpu.memory_space<vmem>>, vector<1x16xf32>,
    %swap3A_173 = vector.shape_cast %swap3A_172 : vector<1x16xf32> to vector<16xf32>
    %swap3A_174 = vector.shape_cast %broadcast_in_dim3A_168 : vector<16xf32> to vector<1x16xf32>
    tpu.vector_store %arg9[%swap3A_170, %swap3A_171], %swap3A_174 {strides = array<i32>} : memref<8x128xf32, #tpu.memory_space<vmem>>, vector<1x16xf32>,
    %broadcast_in_dim3A_175 = arith.constant 0.000000e+00 : f32
    %broadcast_in_dim3A_176 = vector.broadcast %broadcast_in_dim3A_175 : f32 to vector<16xf32>
    %swap3A_177 = arith.constant 2 : i32
    %swap3A_178 = arith.index_cast %swap3A_177 : i32 to index
    %swap3A_179 = arith.constant 96 : index
    %swap3A_180 = tpu.vector_load %arg9[%swap3A_178, %swap3A_179] {strides = array<i32>} : memref<8x128xf32, #tpu.memory_space<vmem>>, vector<1x16xf32>,
    %swap3A_181 = vector.shape_cast %swap3A_180 : vector<1x16xf32> to vector<16xf32>
    %swap3A_182 = vector.shape_cast %broadcast_in_dim3A_176 : vector<16xf32> to vector<1x16xf32>
    tpu.vector_store %arg9[%swap3A_178, %swap3A_179], %swap3A_182 {strides = array<i32>} : memref<8x128xf32, #tpu.memory_space<vmem>>, vector<1x16xf32>,
    %broadcast_in_dim3A_183 = arith.constant 0.000000e+00 : f32
    %broadcast_in_dim3A_184 = vector.broadcast %broadcast_in_dim3A_183 : f32 to vector<16xf32>
    %swap3A_185 = arith.constant 2 : i32
    %swap3A_186 = arith.index_cast %swap3A_185 : i32 to index
    %swap3A_187 = arith.constant 112 : index
    %swap3A_188 = tpu.vector_load %arg9[%swap3A_186, %swap3A_187] {strides = array<i32>} : memref<8x128xf32, #tpu.memory_space<vmem>>, vector<1x16xf32>,
    %swap3A_189 = vector.shape_cast %swap3A_188 : vector<1x16xf32> to vector<16xf32>
    %swap3A_190 = vector.shape_cast %broadcast_in_dim3A_184 : vector<16xf32> to vector<1x16xf32>
    tpu.vector_store %arg9[%swap3A_186, %swap3A_187], %swap3A_190 {strides = array<i32>} : memref<8x128xf32, #tpu.memory_space<vmem>>, vector<1x16xf32>,
    %broadcast_in_dim3A_191 = arith.constant 0.000000e+00 : f32
    %broadcast_in_dim3A_192 = vector.broadcast %broadcast_in_dim3A_191 : f32 to vector<16xf32>
    %swap3A_193 = arith.constant 3 : i32
    %swap3A_194 = arith.index_cast %swap3A_193 : i32 to index
    %swap3A_195 = arith.constant 0 : index
    %swap3A_196 = tpu.vector_load %arg9[%swap3A_194, %swap3A_195] {strides = array<i32>} : memref<8x128xf32, #tpu.memory_space<vmem>>, vector<1x16xf32>,
    %swap3A_197 = vector.shape_cast %swap3A_196 : vector<1x16xf32> to vector<16xf32>
    %swap3A_198 = vector.shape_cast %broadcast_in_dim3A_192 : vector<16xf32> to vector<1x16xf32>
    tpu.vector_store %arg9[%swap3A_194, %swap3A_195], %swap3A_198 {strides = array<i32>} : memref<8x128xf32, #tpu.memory_space<vmem>>, vector<1x16xf32>,
    %broadcast_in_dim3A_199 = arith.constant 0.000000e+00 : f32
    %broadcast_in_dim3A_200 = vector.broadcast %broadcast_in_dim3A_199 : f32 to vector<16xf32>
    %swap3A_201 = arith.constant 3 : i32
    %swap3A_202 = arith.index_cast %swap3A_201 : i32 to index
    %swap3A_203 = arith.constant 16 : index
    %swap3A_204 = tpu.vector_load %arg9[%swap3A_202, %swap3A_203] {strides = array<i32>} : memref<8x128xf32, #tpu.memory_space<vmem>>, vector<1x16xf32>,
    %swap3A_205 = vector.shape_cast %swap3A_204 : vector<1x16xf32> to vector<16xf32>
    %swap3A_206 = vector.shape_cast %broadcast_in_dim3A_200 : vector<16xf32> to vector<1x16xf32>
    tpu.vector_store %arg9[%swap3A_202, %swap3A_203], %swap3A_206 {strides = array<i32>} : memref<8x128xf32, #tpu.memory_space<vmem>>, vector<1x16xf32>,
    %broadcast_in_dim3A_207 = arith.constant 0.000000e+00 : f32
    %broadcast_in_dim3A_208 = vector.broadcast %broadcast_in_dim3A_207 : f32 to vector<16xf32>
    %swap3A_209 = arith.constant 3 : i32
    %swap3A_210 = arith.index_cast %swap3A_209 : i32 to index
    %swap3A_211 = arith.constant 32 : index
    %swap3A_212 = tpu.vector_load %arg9[%swap3A_210, %swap3A_211] {strides = array<i32>} : memref<8x128xf32, #tpu.memory_space<vmem>>, vector<1x16xf32>,
    %swap3A_213 = vector.shape_cast %swap3A_212 : vector<1x16xf32> to vector<16xf32>
    %swap3A_214 = vector.shape_cast %broadcast_in_dim3A_208 : vector<16xf32> to vector<1x16xf32>
    tpu.vector_store %arg9[%swap3A_210, %swap3A_211], %swap3A_214 {strides = array<i32>} : memref<8x128xf32, #tpu.memory_space<vmem>>, vector<1x16xf32>,
    %broadcast_in_dim3A_215 = arith.constant 0.000000e+00 : f32
    %broadcast_in_dim3A_216 = vector.broadcast %broadcast_in_dim3A_215 : f32 to vector<16xf32>
    %swap3A_217 = arith.constant 3 : i32
    %swap3A_218 = arith.index_cast %swap3A_217 : i32 to index
    %swap3A_219 = arith.constant 48 : index
    %swap3A_220 = tpu.vector_load %arg9[%swap3A_218, %swap3A_219] {strides = array<i32>} : memref<8x128xf32, #tpu.memory_space<vmem>>, vector<1x16xf32>,
    %swap3A_221 = vector.shape_cast %swap3A_220 : vector<1x16xf32> to vector<16xf32>
    %swap3A_222 = vector.shape_cast %broadcast_in_dim3A_216 : vector<16xf32> to vector<1x16xf32>
    tpu.vector_store %arg9[%swap3A_218, %swap3A_219], %swap3A_222 {strides = array<i32>} : memref<8x128xf32, #tpu.memory_space<vmem>>, vector<1x16xf32>,
    %broadcast_in_dim3A_223 = arith.constant 0.000000e+00 : f32
    %broadcast_in_dim3A_224 = vector.broadcast %broadcast_in_dim3A_223 : f32 to vector<16xf32>
    %swap3A_225 = arith.constant 3 : i32
    %swap3A_226 = arith.index_cast %swap3A_225 : i32 to index
    %swap3A_227 = arith.constant 64 : index
    %swap3A_228 = tpu.vector_load %arg9[%swap3A_226, %swap3A_227] {strides = array<i32>} : memref<8x128xf32, #tpu.memory_space<vmem>>, vector<1x16xf32>,
    %swap3A_229 = vector.shape_cast %swap3A_228 : vector<1x16xf32> to vector<16xf32>
    %swap3A_230 = vector.shape_cast %broadcast_in_dim3A_224 : vector<16xf32> to vector<1x16xf32>
    tpu.vector_store %arg9[%swap3A_226, %swap3A_227], %swap3A_230 {strides = array<i32>} : memref<8x128xf32, #tpu.memory_space<vmem>>, vector<1x16xf32>,
    %broadcast_in_dim3A_231 = arith.constant 0.000000e+00 : f32
    %broadcast_in_dim3A_232 = vector.broadcast %broadcast_in_dim3A_231 : f32 to vector<16xf32>
    %swap3A_233 = arith.constant 3 : i32
    %swap3A_234 = arith.index_cast %swap3A_233 : i32 to index
    %swap3A_235 = arith.constant 80 : index
    %swap3A_236 = tpu.vector_load %arg9[%swap3A_234, %swap3A_235] {strides = array<i32>} : memref<8x128xf32, #tpu.memory_space<vmem>>, vector<1x16xf32>,
    %swap3A_237 = vector.shape_cast %swap3A_236 : vector<1x16xf32> to vector<16xf32>
    %swap3A_238 = vector.shape_cast %broadcast_in_dim3A_232 : vector<16xf32> to vector<1x16xf32>
    tpu.vector_store %arg9[%swap3A_234, %swap3A_235], %swap3A_238 {strides = array<i32>} : memref<8x128xf32, #tpu.memory_space<vmem>>, vector<1x16xf32>,
    %broadcast_in_dim3A_239 = arith.constant 0.000000e+00 : f32
    %broadcast_in_dim3A_240 = vector.broadcast %broadcast_in_dim3A_239 : f32 to vector<16xf32>
    %swap3A_241 = arith.constant 3 : i32
    %swap3A_242 = arith.index_cast %swap3A_241 : i32 to index
    %swap3A_243 = arith.constant 96 : index
    %swap3A_244 = tpu.vector_load %arg9[%swap3A_242, %swap3A_243] {strides = array<i32>} : memref<8x128xf32, #tpu.memory_space<vmem>>, vector<1x16xf32>,
    %swap3A_245 = vector.shape_cast %swap3A_244 : vector<1x16xf32> to vector<16xf32>
    %swap3A_246 = vector.shape_cast %broadcast_in_dim3A_240 : vector<16xf32> to vector<1x16xf32>
    tpu.vector_store %arg9[%swap3A_242, %swap3A_243], %swap3A_246 {strides = array<i32>} : memref<8x128xf32, #tpu.memory_space<vmem>>, vector<1x16xf32>,
    %broadcast_in_dim3A_247 = arith.constant 0.000000e+00 : f32
    %broadcast_in_dim3A_248 = vector.broadcast %broadcast_in_dim3A_247 : f32 to vector<16xf32>
    %swap3A_249 = arith.constant 3 : i32
    %swap3A_250 = arith.index_cast %swap3A_249 : i32 to index
    %swap3A_251 = arith.constant 112 : index
    %swap3A_252 = tpu.vector_load %arg9[%swap3A_250, %swap3A_251] {strides = array<i32>} : memref<8x128xf32, #tpu.memory_space<vmem>>, vector<1x16xf32>,
    %swap3A_253 = vector.shape_cast %swap3A_252 : vector<1x16xf32> to vector<16xf32>
    %swap3A_254 = vector.shape_cast %broadcast_in_dim3A_248 : vector<16xf32> to vector<1x16xf32>
    tpu.vector_store %arg9[%swap3A_250, %swap3A_251], %swap3A_254 {strides = array<i32>} : memref<8x128xf32, #tpu.memory_space<vmem>>, vector<1x16xf32>,
    %broadcast_in_dim3A_255 = arith.constant 0.000000e+00 : f32
    %broadcast_in_dim3A_256 = vector.broadcast %broadcast_in_dim3A_255 : f32 to vector<16xf32>
    %swap3A_257 = arith.constant 4 : i32
    %swap3A_258 = arith.index_cast %swap3A_257 : i32 to index
    %swap3A_259 = arith.constant 0 : index
    %swap3A_260 = tpu.vector_load %arg9[%swap3A_258, %swap3A_259] {strides = array<i32>} : memref<8x128xf32, #tpu.memory_space<vmem>>, vector<1x16xf32>,
    %swap3A_261 = vector.shape_cast %swap3A_260 : vector<1x16xf32> to vector<16xf32>
    %swap3A_262 = vector.shape_cast %broadcast_in_dim3A_256 : vector<16xf32> to vector<1x16xf32>
    tpu.vector_store %arg9[%swap3A_258, %swap3A_259], %swap3A_262 {strides = array<i32>} : memref<8x128xf32, #tpu.memory_space<vmem>>, vector<1x16xf32>,
    %broadcast_in_dim3A_263 = arith.constant 0.000000e+00 : f32
    %broadcast_in_dim3A_264 = vector.broadcast %broadcast_in_dim3A_263 : f32 to vector<16xf32>
    %swap3A_265 = arith.constant 4 : i32
    %swap3A_266 = arith.index_cast %swap3A_265 : i32 to index
    %swap3A_267 = arith.constant 16 : index
    %swap3A_268 = tpu.vector_load %arg9[%swap3A_266, %swap3A_267] {strides = array<i32>} : memref<8x128xf32, #tpu.memory_space<vmem>>, vector<1x16xf32>,
    %swap3A_269 = vector.shape_cast %swap3A_268 : vector<1x16xf32> to vector<16xf32>
    %swap3A_270 = vector.shape_cast %broadcast_in_dim3A_264 : vector<16xf32> to vector<1x16xf32>
    tpu.vector_store %arg9[%swap3A_266, %swap3A_267], %swap3A_270 {strides = array<i32>} : memref<8x128xf32, #tpu.memory_space<vmem>>, vector<1x16xf32>,
    %broadcast_in_dim3A_271 = arith.constant 0.000000e+00 : f32
    %broadcast_in_dim3A_272 = vector.broadcast %broadcast_in_dim3A_271 : f32 to vector<16xf32>
    %swap3A_273 = arith.constant 4 : i32
    %swap3A_274 = arith.index_cast %swap3A_273 : i32 to index
    %swap3A_275 = arith.constant 32 : index
    %swap3A_276 = tpu.vector_load %arg9[%swap3A_274, %swap3A_275] {strides = array<i32>} : memref<8x128xf32, #tpu.memory_space<vmem>>, vector<1x16xf32>,
    %swap3A_277 = vector.shape_cast %swap3A_276 : vector<1x16xf32> to vector<16xf32>
    %swap3A_278 = vector.shape_cast %broadcast_in_dim3A_272 : vector<16xf32> to vector<1x16xf32>
    tpu.vector_store %arg9[%swap3A_274, %swap3A_275], %swap3A_278 {strides = array<i32>} : memref<8x128xf32, #tpu.memory_space<vmem>>, vector<1x16xf32>,
    %broadcast_in_dim3A_279 = arith.constant 0.000000e+00 : f32
    %broadcast_in_dim3A_280 = vector.broadcast %broadcast_in_dim3A_279 : f32 to vector<16xf32>
    %swap3A_281 = arith.constant 4 : i32
    %swap3A_282 = arith.index_cast %swap3A_281 : i32 to index
    %swap3A_283 = arith.constant 48 : index
    %swap3A_284 = tpu.vector_load %arg9[%swap3A_282, %swap3A_283] {strides = array<i32>} : memref<8x128xf32, #tpu.memory_space<vmem>>, vector<1x16xf32>,
    %swap3A_285 = vector.shape_cast %swap3A_284 : vector<1x16xf32> to vector<16xf32>
    %swap3A_286 = vector.shape_cast %broadcast_in_dim3A_280 : vector<16xf32> to vector<1x16xf32>
    tpu.vector_store %arg9[%swap3A_282, %swap3A_283], %swap3A_286 {strides = array<i32>} : memref<8x128xf32, #tpu.memory_space<vmem>>, vector<1x16xf32>,
    %broadcast_in_dim3A_287 = arith.constant 0.000000e+00 : f32
    %broadcast_in_dim3A_288 = vector.broadcast %broadcast_in_dim3A_287 : f32 to vector<16xf32>
    %swap3A_289 = arith.constant 4 : i32
    %swap3A_290 = arith.index_cast %swap3A_289 : i32 to index
    %swap3A_291 = arith.constant 64 : index
    %swap3A_292 = tpu.vector_load %arg9[%swap3A_290, %swap3A_291] {strides = array<i32>} : memref<8x128xf32, #tpu.memory_space<vmem>>, vector<1x16xf32>,
    %swap3A_293 = vector.shape_cast %swap3A_292 : vector<1x16xf32> to vector<16xf32>
    %swap3A_294 = vector.shape_cast %broadcast_in_dim3A_288 : vector<16xf32> to vector<1x16xf32>
    tpu.vector_store %arg9[%swap3A_290, %swap3A_291], %swap3A_294 {strides = array<i32>} : memref<8x128xf32, #tpu.memory_space<vmem>>, vector<1x16xf32>,
    %broadcast_in_dim3A_295 = arith.constant 0.000000e+00 : f32
    %broadcast_in_dim3A_296 = vector.broadcast %broadcast_in_dim3A_295 : f32 to vector<16xf32>
    %swap3A_297 = arith.constant 4 : i32
    %swap3A_298 = arith.index_cast %swap3A_297 : i32 to index
    %swap3A_299 = arith.constant 80 : index
    %swap3A_300 = tpu.vector_load %arg9[%swap3A_298, %swap3A_299] {strides = array<i32>} : memref<8x128xf32, #tpu.memory_space<vmem>>, vector<1x16xf32>,
    %swap3A_301 = vector.shape_cast %swap3A_300 : vector<1x16xf32> to vector<16xf32>
    %swap3A_302 = vector.shape_cast %broadcast_in_dim3A_296 : vector<16xf32> to vector<1x16xf32>
    tpu.vector_store %arg9[%swap3A_298, %swap3A_299], %swap3A_302 {strides = array<i32>} : memref<8x128xf32, #tpu.memory_space<vmem>>, vector<1x16xf32>,
    %broadcast_in_dim3A_303 = arith.constant 0.000000e+00 : f32
    %broadcast_in_dim3A_304 = vector.broadcast %broadcast_in_dim3A_303 : f32 to vector<16xf32>
    %swap3A_305 = arith.constant 4 : i32
    %swap3A_306 = arith.index_cast %swap3A_305 : i32 to index
    %swap3A_307 = arith.constant 96 : index
    %swap3A_308 = tpu.vector_load %arg9[%swap3A_306, %swap3A_307] {strides = array<i32>} : memref<8x128xf32, #tpu.memory_space<vmem>>, vector<1x16xf32>,
    %swap3A_309 = vector.shape_cast %swap3A_308 : vector<1x16xf32> to vector<16xf32>
    %swap3A_310 = vector.shape_cast %broadcast_in_dim3A_304 : vector<16xf32> to vector<1x16xf32>
    tpu.vector_store %arg9[%swap3A_306, %swap3A_307], %swap3A_310 {strides = array<i32>} : memref<8x128xf32, #tpu.memory_space<vmem>>, vector<1x16xf32>,
    %broadcast_in_dim3A_311 = arith.constant 0.000000e+00 : f32
    %broadcast_in_dim3A_312 = vector.broadcast %broadcast_in_dim3A_311 : f32 to vector<16xf32>
    %swap3A_313 = arith.constant 4 : i32
    %swap3A_314 = arith.index_cast %swap3A_313 : i32 to index
    %swap3A_315 = arith.constant 112 : index
    %swap3A_316 = tpu.vector_load %arg9[%swap3A_314, %swap3A_315] {strides = array<i32>} : memref<8x128xf32, #tpu.memory_space<vmem>>, vector<1x16xf32>,
    %swap3A_317 = vector.shape_cast %swap3A_316 : vector<1x16xf32> to vector<16xf32>
    %swap3A_318 = vector.shape_cast %broadcast_in_dim3A_312 : vector<16xf32> to vector<1x16xf32>
    tpu.vector_store %arg9[%swap3A_314, %swap3A_315], %swap3A_318 {strides = array<i32>} : memref<8x128xf32, #tpu.memory_space<vmem>>, vector<1x16xf32>,
    %broadcast_in_dim3A_319 = arith.constant 0.000000e+00 : f32
    %broadcast_in_dim3A_320 = vector.broadcast %broadcast_in_dim3A_319 : f32 to vector<16xf32>
    %swap3A_321 = arith.constant 5 : i32
    %swap3A_322 = arith.index_cast %swap3A_321 : i32 to index
    %swap3A_323 = arith.constant 0 : index
    %swap3A_324 = tpu.vector_load %arg9[%swap3A_322, %swap3A_323] {strides = array<i32>} : memref<8x128xf32, #tpu.memory_space<vmem>>, vector<1x16xf32>,
    %swap3A_325 = vector.shape_cast %swap3A_324 : vector<1x16xf32> to vector<16xf32>
    %swap3A_326 = vector.shape_cast %broadcast_in_dim3A_320 : vector<16xf32> to vector<1x16xf32>
    tpu.vector_store %arg9[%swap3A_322, %swap3A_323], %swap3A_326 {strides = array<i32>} : memref<8x128xf32, #tpu.memory_space<vmem>>, vector<1x16xf32>,
    %broadcast_in_dim3A_327 = arith.constant 0.000000e+00 : f32
    %broadcast_in_dim3A_328 = vector.broadcast %broadcast_in_dim3A_327 : f32 to vector<16xf32>
    %swap3A_329 = arith.constant 5 : i32
    %swap3A_330 = arith.index_cast %swap3A_329 : i32 to index
    %swap3A_331 = arith.constant 16 : index
    %swap3A_332 = tpu.vector_load %arg9[%swap3A_330, %swap3A_331] {strides = array<i32>} : memref<8x128xf32, #tpu.memory_space<vmem>>, vector<1x16xf32>,
    %swap3A_333 = vector.shape_cast %swap3A_332 : vector<1x16xf32> to vector<16xf32>
    %swap3A_334 = vector.shape_cast %broadcast_in_dim3A_328 : vector<16xf32> to vector<1x16xf32>
    tpu.vector_store %arg9[%swap3A_330, %swap3A_331], %swap3A_334 {strides = array<i32>} : memref<8x128xf32, #tpu.memory_space<vmem>>, vector<1x16xf32>,
    %broadcast_in_dim3A_335 = arith.constant 0.000000e+00 : f32
    %broadcast_in_dim3A_336 = vector.broadcast %broadcast_in_dim3A_335 : f32 to vector<16xf32>
    %swap3A_337 = arith.constant 5 : i32
    %swap3A_338 = arith.index_cast %swap3A_337 : i32 to index
    %swap3A_339 = arith.constant 32 : index
    %swap3A_340 = tpu.vector_load %arg9[%swap3A_338, %swap3A_339] {strides = array<i32>} : memref<8x128xf32, #tpu.memory_space<vmem>>, vector<1x16xf32>,
    %swap3A_341 = vector.shape_cast %swap3A_340 : vector<1x16xf32> to vector<16xf32>
    %swap3A_342 = vector.shape_cast %broadcast_in_dim3A_336 : vector<16xf32> to vector<1x16xf32>
    tpu.vector_store %arg9[%swap3A_338, %swap3A_339], %swap3A_342 {strides = array<i32>} : memref<8x128xf32, #tpu.memory_space<vmem>>, vector<1x16xf32>,
    %broadcast_in_dim3A_343 = arith.constant 0.000000e+00 : f32
    %broadcast_in_dim3A_344 = vector.broadcast %broadcast_in_dim3A_343 : f32 to vector<16xf32>
    %swap3A_345 = arith.constant 5 : i32
    %swap3A_346 = arith.index_cast %swap3A_345 : i32 to index
    %swap3A_347 = arith.constant 48 : index
    %swap3A_348 = tpu.vector_load %arg9[%swap3A_346, %swap3A_347] {strides = array<i32>} : memref<8x128xf32, #tpu.memory_space<vmem>>, vector<1x16xf32>,
    %swap3A_349 = vector.shape_cast %swap3A_348 : vector<1x16xf32> to vector<16xf32>
    %swap3A_350 = vector.shape_cast %broadcast_in_dim3A_344 : vector<16xf32> to vector<1x16xf32>
    tpu.vector_store %arg9[%swap3A_346, %swap3A_347], %swap3A_350 {strides = array<i32>} : memref<8x128xf32, #tpu.memory_space<vmem>>, vector<1x16xf32>,
    %broadcast_in_dim3A_351 = arith.constant 0.000000e+00 : f32
    %broadcast_in_dim3A_352 = vector.broadcast %broadcast_in_dim3A_351 : f32 to vector<16xf32>
    %swap3A_353 = arith.constant 5 : i32
    %swap3A_354 = arith.index_cast %swap3A_353 : i32 to index
    %swap3A_355 = arith.constant 64 : index
    %swap3A_356 = tpu.vector_load %arg9[%swap3A_354, %swap3A_355] {strides = array<i32>} : memref<8x128xf32, #tpu.memory_space<vmem>>, vector<1x16xf32>,
    %swap3A_357 = vector.shape_cast %swap3A_356 : vector<1x16xf32> to vector<16xf32>
    %swap3A_358 = vector.shape_cast %broadcast_in_dim3A_352 : vector<16xf32> to vector<1x16xf32>
    tpu.vector_store %arg9[%swap3A_354, %swap3A_355], %swap3A_358 {strides = array<i32>} : memref<8x128xf32, #tpu.memory_space<vmem>>, vector<1x16xf32>,
    %broadcast_in_dim3A_359 = arith.constant 0.000000e+00 : f32
    %broadcast_in_dim3A_360 = vector.broadcast %broadcast_in_dim3A_359 : f32 to vector<16xf32>
    %swap3A_361 = arith.constant 5 : i32
    %swap3A_362 = arith.index_cast %swap3A_361 : i32 to index
    %swap3A_363 = arith.constant 80 : index
    %swap3A_364 = tpu.vector_load %arg9[%swap3A_362, %swap3A_363] {strides = array<i32>} : memref<8x128xf32, #tpu.memory_space<vmem>>, vector<1x16xf32>,
    %swap3A_365 = vector.shape_cast %swap3A_364 : vector<1x16xf32> to vector<16xf32>
    %swap3A_366 = vector.shape_cast %broadcast_in_dim3A_360 : vector<16xf32> to vector<1x16xf32>
    tpu.vector_store %arg9[%swap3A_362, %swap3A_363], %swap3A_366 {strides = array<i32>} : memref<8x128xf32, #tpu.memory_space<vmem>>, vector<1x16xf32>,
    %broadcast_in_dim3A_367 = arith.constant 0.000000e+00 : f32
    %broadcast_in_dim3A_368 = vector.broadcast %broadcast_in_dim3A_367 : f32 to vector<16xf32>
    %swap3A_369 = arith.constant 5 : i32
    %swap3A_370 = arith.index_cast %swap3A_369 : i32 to index
    %swap3A_371 = arith.constant 96 : index
    %swap3A_372 = tpu.vector_load %arg9[%swap3A_370, %swap3A_371] {strides = array<i32>} : memref<8x128xf32, #tpu.memory_space<vmem>>, vector<1x16xf32>,
    %swap3A_373 = vector.shape_cast %swap3A_372 : vector<1x16xf32> to vector<16xf32>
    %swap3A_374 = vector.shape_cast %broadcast_in_dim3A_368 : vector<16xf32> to vector<1x16xf32>
    tpu.vector_store %arg9[%swap3A_370, %swap3A_371], %swap3A_374 {strides = array<i32>} : memref<8x128xf32, #tpu.memory_space<vmem>>, vector<1x16xf32>,
    %broadcast_in_dim3A_375 = arith.constant 0.000000e+00 : f32
    %broadcast_in_dim3A_376 = vector.broadcast %broadcast_in_dim3A_375 : f32 to vector<16xf32>
    %swap3A_377 = arith.constant 5 : i32
    %swap3A_378 = arith.index_cast %swap3A_377 : i32 to index
    %swap3A_379 = arith.constant 112 : index
    %swap3A_380 = tpu.vector_load %arg9[%swap3A_378, %swap3A_379] {strides = array<i32>} : memref<8x128xf32, #tpu.memory_space<vmem>>, vector<1x16xf32>,
    %swap3A_381 = vector.shape_cast %swap3A_380 : vector<1x16xf32> to vector<16xf32>
    %swap3A_382 = vector.shape_cast %broadcast_in_dim3A_376 : vector<16xf32> to vector<1x16xf32>
    tpu.vector_store %arg9[%swap3A_378, %swap3A_379], %swap3A_382 {strides = array<i32>} : memref<8x128xf32, #tpu.memory_space<vmem>>, vector<1x16xf32>,
    %broadcast_in_dim3A_383 = arith.constant 0.000000e+00 : f32
    %broadcast_in_dim3A_384 = vector.broadcast %broadcast_in_dim3A_383 : f32 to vector<16xf32>
    %swap3A_385 = arith.constant 6 : i32
    %swap3A_386 = arith.index_cast %swap3A_385 : i32 to index
    %swap3A_387 = arith.constant 0 : index
    %swap3A_388 = tpu.vector_load %arg9[%swap3A_386, %swap3A_387] {strides = array<i32>} : memref<8x128xf32, #tpu.memory_space<vmem>>, vector<1x16xf32>,
    %swap3A_389 = vector.shape_cast %swap3A_388 : vector<1x16xf32> to vector<16xf32>
    %swap3A_390 = vector.shape_cast %broadcast_in_dim3A_384 : vector<16xf32> to vector<1x16xf32>
    tpu.vector_store %arg9[%swap3A_386, %swap3A_387], %swap3A_390 {strides = array<i32>} : memref<8x128xf32, #tpu.memory_space<vmem>>, vector<1x16xf32>,
    %broadcast_in_dim3A_391 = arith.constant 0.000000e+00 : f32
    %broadcast_in_dim3A_392 = vector.broadcast %broadcast_in_dim3A_391 : f32 to vector<16xf32>
    %swap3A_393 = arith.constant 6 : i32
    %swap3A_394 = arith.index_cast %swap3A_393 : i32 to index
    %swap3A_395 = arith.constant 16 : index
    %swap3A_396 = tpu.vector_load %arg9[%swap3A_394, %swap3A_395] {strides = array<i32>} : memref<8x128xf32, #tpu.memory_space<vmem>>, vector<1x16xf32>,
    %swap3A_397 = vector.shape_cast %swap3A_396 : vector<1x16xf32> to vector<16xf32>
    %swap3A_398 = vector.shape_cast %broadcast_in_dim3A_392 : vector<16xf32> to vector<1x16xf32>
    tpu.vector_store %arg9[%swap3A_394, %swap3A_395], %swap3A_398 {strides = array<i32>} : memref<8x128xf32, #tpu.memory_space<vmem>>, vector<1x16xf32>,
    %broadcast_in_dim3A_399 = arith.constant 0.000000e+00 : f32
    %broadcast_in_dim3A_400 = vector.broadcast %broadcast_in_dim3A_399 : f32 to vector<16xf32>
    %swap3A_401 = arith.constant 6 : i32
    %swap3A_402 = arith.index_cast %swap3A_401 : i32 to index
    %swap3A_403 = arith.constant 32 : index
    %swap3A_404 = tpu.vector_load %arg9[%swap3A_402, %swap3A_403] {strides = array<i32>} : memref<8x128xf32, #tpu.memory_space<vmem>>, vector<1x16xf32>,
    %swap3A_405 = vector.shape_cast %swap3A_404 : vector<1x16xf32> to vector<16xf32>
    %swap3A_406 = vector.shape_cast %broadcast_in_dim3A_400 : vector<16xf32> to vector<1x16xf32>
    tpu.vector_store %arg9[%swap3A_402, %swap3A_403], %swap3A_406 {strides = array<i32>} : memref<8x128xf32, #tpu.memory_space<vmem>>, vector<1x16xf32>,
    %broadcast_in_dim3A_407 = arith.constant 0.000000e+00 : f32
    %broadcast_in_dim3A_408 = vector.broadcast %broadcast_in_dim3A_407 : f32 to vector<16xf32>
    %swap3A_409 = arith.constant 6 : i32
    %swap3A_410 = arith.index_cast %swap3A_409 : i32 to index
    %swap3A_411 = arith.constant 48 : index
    %swap3A_412 = tpu.vector_load %arg9[%swap3A_410, %swap3A_411] {strides = array<i32>} : memref<8x128xf32, #tpu.memory_space<vmem>>, vector<1x16xf32>,
    %swap3A_413 = vector.shape_cast %swap3A_412 : vector<1x16xf32> to vector<16xf32>
    %swap3A_414 = vector.shape_cast %broadcast_in_dim3A_408 : vector<16xf32> to vector<1x16xf32>
    tpu.vector_store %arg9[%swap3A_410, %swap3A_411], %swap3A_414 {strides = array<i32>} : memref<8x128xf32, #tpu.memory_space<vmem>>, vector<1x16xf32>,
    %broadcast_in_dim3A_415 = arith.constant 0.000000e+00 : f32
    %broadcast_in_dim3A_416 = vector.broadcast %broadcast_in_dim3A_415 : f32 to vector<16xf32>
    %swap3A_417 = arith.constant 6 : i32
    %swap3A_418 = arith.index_cast %swap3A_417 : i32 to index
    %swap3A_419 = arith.constant 64 : index
    %swap3A_420 = tpu.vector_load %arg9[%swap3A_418, %swap3A_419] {strides = array<i32>} : memref<8x128xf32, #tpu.memory_space<vmem>>, vector<1x16xf32>,
    %swap3A_421 = vector.shape_cast %swap3A_420 : vector<1x16xf32> to vector<16xf32>
    %swap3A_422 = vector.shape_cast %broadcast_in_dim3A_416 : vector<16xf32> to vector<1x16xf32>
    tpu.vector_store %arg9[%swap3A_418, %swap3A_419], %swap3A_422 {strides = array<i32>} : memref<8x128xf32, #tpu.memory_space<vmem>>, vector<1x16xf32>,
    %broadcast_in_dim3A_423 = arith.constant 0.000000e+00 : f32
    %broadcast_in_dim3A_424 = vector.broadcast %broadcast_in_dim3A_423 : f32 to vector<16xf32>
    %swap3A_425 = arith.constant 6 : i32
    %swap3A_426 = arith.index_cast %swap3A_425 : i32 to index
    %swap3A_427 = arith.constant 80 : index
    %swap3A_428 = tpu.vector_load %arg9[%swap3A_426, %swap3A_427] {strides = array<i32>} : memref<8x128xf32, #tpu.memory_space<vmem>>, vector<1x16xf32>,
    %swap3A_429 = vector.shape_cast %swap3A_428 : vector<1x16xf32> to vector<16xf32>
    %swap3A_430 = vector.shape_cast %broadcast_in_dim3A_424 : vector<16xf32> to vector<1x16xf32>
    tpu.vector_store %arg9[%swap3A_426, %swap3A_427], %swap3A_430 {strides = array<i32>} : memref<8x128xf32, #tpu.memory_space<vmem>>, vector<1x16xf32>,
    %broadcast_in_dim3A_431 = arith.constant 0.000000e+00 : f32
    %broadcast_in_dim3A_432 = vector.broadcast %broadcast_in_dim3A_431 : f32 to vector<16xf32>
    %swap3A_433 = arith.constant 6 : i32
    %swap3A_434 = arith.index_cast %swap3A_433 : i32 to index
    %swap3A_435 = arith.constant 96 : index
    %swap3A_436 = tpu.vector_load %arg9[%swap3A_434, %swap3A_435] {strides = array<i32>} : memref<8x128xf32, #tpu.memory_space<vmem>>, vector<1x16xf32>,
    %swap3A_437 = vector.shape_cast %swap3A_436 : vector<1x16xf32> to vector<16xf32>
    %swap3A_438 = vector.shape_cast %broadcast_in_dim3A_432 : vector<16xf32> to vector<1x16xf32>
    tpu.vector_store %arg9[%swap3A_434, %swap3A_435], %swap3A_438 {strides = array<i32>} : memref<8x128xf32, #tpu.memory_space<vmem>>, vector<1x16xf32>,
    %broadcast_in_dim3A_439 = arith.constant 0.000000e+00 : f32
    %broadcast_in_dim3A_440 = vector.broadcast %broadcast_in_dim3A_439 : f32 to vector<16xf32>
    %swap3A_441 = arith.constant 6 : i32
    %swap3A_442 = arith.index_cast %swap3A_441 : i32 to index
    %swap3A_443 = arith.constant 112 : index
    %swap3A_444 = tpu.vector_load %arg9[%swap3A_442, %swap3A_443] {strides = array<i32>} : memref<8x128xf32, #tpu.memory_space<vmem>>, vector<1x16xf32>,
    %swap3A_445 = vector.shape_cast %swap3A_444 : vector<1x16xf32> to vector<16xf32>
    %swap3A_446 = vector.shape_cast %broadcast_in_dim3A_440 : vector<16xf32> to vector<1x16xf32>
    tpu.vector_store %arg9[%swap3A_442, %swap3A_443], %swap3A_446 {strides = array<i32>} : memref<8x128xf32, #tpu.memory_space<vmem>>, vector<1x16xf32>,
    %broadcast_in_dim3A_447 = arith.constant 0.000000e+00 : f32
    %broadcast_in_dim3A_448 = vector.broadcast %broadcast_in_dim3A_447 : f32 to vector<16xf32>
    %swap3A_449 = arith.constant 7 : i32
    %swap3A_450 = arith.index_cast %swap3A_449 : i32 to index
    %swap3A_451 = arith.constant 0 : index
    %swap3A_452 = tpu.vector_load %arg9[%swap3A_450, %swap3A_451] {strides = array<i32>} : memref<8x128xf32, #tpu.memory_space<vmem>>, vector<1x16xf32>,
    %swap3A_453 = vector.shape_cast %swap3A_452 : vector<1x16xf32> to vector<16xf32>
    %swap3A_454 = vector.shape_cast %broadcast_in_dim3A_448 : vector<16xf32> to vector<1x16xf32>
    tpu.vector_store %arg9[%swap3A_450, %swap3A_451], %swap3A_454 {strides = array<i32>} : memref<8x128xf32, #tpu.memory_space<vmem>>, vector<1x16xf32>,
    %broadcast_in_dim3A_455 = arith.constant 0.000000e+00 : f32
    %broadcast_in_dim3A_456 = vector.broadcast %broadcast_in_dim3A_455 : f32 to vector<16xf32>
    %swap3A_457 = arith.constant 7 : i32
    %swap3A_458 = arith.index_cast %swap3A_457 : i32 to index
    %swap3A_459 = arith.constant 16 : index
    %swap3A_460 = tpu.vector_load %arg9[%swap3A_458, %swap3A_459] {strides = array<i32>} : memref<8x128xf32, #tpu.memory_space<vmem>>, vector<1x16xf32>,
    %swap3A_461 = vector.shape_cast %swap3A_460 : vector<1x16xf32> to vector<16xf32>
    %swap3A_462 = vector.shape_cast %broadcast_in_dim3A_456 : vector<16xf32> to vector<1x16xf32>
    tpu.vector_store %arg9[%swap3A_458, %swap3A_459], %swap3A_462 {strides = array<i32>} : memref<8x128xf32, #tpu.memory_space<vmem>>, vector<1x16xf32>,
    %broadcast_in_dim3A_463 = arith.constant 0.000000e+00 : f32
    %broadcast_in_dim3A_464 = vector.broadcast %broadcast_in_dim3A_463 : f32 to vector<16xf32>
    %swap3A_465 = arith.constant 7 : i32
    %swap3A_466 = arith.index_cast %swap3A_465 : i32 to index
    %swap3A_467 = arith.constant 32 : index
    %swap3A_468 = tpu.vector_load %arg9[%swap3A_466, %swap3A_467] {strides = array<i32>} : memref<8x128xf32, #tpu.memory_space<vmem>>, vector<1x16xf32>,
    %swap3A_469 = vector.shape_cast %swap3A_468 : vector<1x16xf32> to vector<16xf32>
    %swap3A_470 = vector.shape_cast %broadcast_in_dim3A_464 : vector<16xf32> to vector<1x16xf32>
    tpu.vector_store %arg9[%swap3A_466, %swap3A_467], %swap3A_470 {strides = array<i32>} : memref<8x128xf32, #tpu.memory_space<vmem>>, vector<1x16xf32>,
    %broadcast_in_dim3A_471 = arith.constant 0.000000e+00 : f32
    %broadcast_in_dim3A_472 = vector.broadcast %broadcast_in_dim3A_471 : f32 to vector<16xf32>
    %swap3A_473 = arith.constant 7 : i32
    %swap3A_474 = arith.index_cast %swap3A_473 : i32 to index
    %swap3A_475 = arith.constant 48 : index
    %swap3A_476 = tpu.vector_load %arg9[%swap3A_474, %swap3A_475] {strides = array<i32>} : memref<8x128xf32, #tpu.memory_space<vmem>>, vector<1x16xf32>,
    %swap3A_477 = vector.shape_cast %swap3A_476 : vector<1x16xf32> to vector<16xf32>
    %swap3A_478 = vector.shape_cast %broadcast_in_dim3A_472 : vector<16xf32> to vector<1x16xf32>
    tpu.vector_store %arg9[%swap3A_474, %swap3A_475], %swap3A_478 {strides = array<i32>} : memref<8x128xf32, #tpu.memory_space<vmem>>, vector<1x16xf32>,
    %broadcast_in_dim3A_479 = arith.constant 0.000000e+00 : f32
    %broadcast_in_dim3A_480 = vector.broadcast %broadcast_in_dim3A_479 : f32 to vector<16xf32>
    %swap3A_481 = arith.constant 7 : i32
    %swap3A_482 = arith.index_cast %swap3A_481 : i32 to index
    %swap3A_483 = arith.constant 64 : index
    %swap3A_484 = tpu.vector_load %arg9[%swap3A_482, %swap3A_483] {strides = array<i32>} : memref<8x128xf32, #tpu.memory_space<vmem>>, vector<1x16xf32>,
    %swap3A_485 = vector.shape_cast %swap3A_484 : vector<1x16xf32> to vector<16xf32>
    %swap3A_486 = vector.shape_cast %broadcast_in_dim3A_480 : vector<16xf32> to vector<1x16xf32>
    tpu.vector_store %arg9[%swap3A_482, %swap3A_483], %swap3A_486 {strides = array<i32>} : memref<8x128xf32, #tpu.memory_space<vmem>>, vector<1x16xf32>,
    %broadcast_in_dim3A_487 = arith.constant 0.000000e+00 : f32
    %broadcast_in_dim3A_488 = vector.broadcast %broadcast_in_dim3A_487 : f32 to vector<16xf32>
    %swap3A_489 = arith.constant 7 : i32
    %swap3A_490 = arith.index_cast %swap3A_489 : i32 to index
    %swap3A_491 = arith.constant 80 : index
    %swap3A_492 = tpu.vector_load %arg9[%swap3A_490, %swap3A_491] {strides = array<i32>} : memref<8x128xf32, #tpu.memory_space<vmem>>, vector<1x16xf32>,
    %swap3A_493 = vector.shape_cast %swap3A_492 : vector<1x16xf32> to vector<16xf32>
    %swap3A_494 = vector.shape_cast %broadcast_in_dim3A_488 : vector<16xf32> to vector<1x16xf32>
    tpu.vector_store %arg9[%swap3A_490, %swap3A_491], %swap3A_494 {strides = array<i32>} : memref<8x128xf32, #tpu.memory_space<vmem>>, vector<1x16xf32>,
    %broadcast_in_dim3A_495 = arith.constant 0.000000e+00 : f32
    %broadcast_in_dim3A_496 = vector.broadcast %broadcast_in_dim3A_495 : f32 to vector<16xf32>
    %swap3A_497 = arith.constant 7 : i32
    %swap3A_498 = arith.index_cast %swap3A_497 : i32 to index
    %swap3A_499 = arith.constant 96 : index
    %swap3A_500 = tpu.vector_load %arg9[%swap3A_498, %swap3A_499] {strides = array<i32>} : memref<8x128xf32, #tpu.memory_space<vmem>>, vector<1x16xf32>,
    %swap3A_501 = vector.shape_cast %swap3A_500 : vector<1x16xf32> to vector<16xf32>
    %swap3A_502 = vector.shape_cast %broadcast_in_dim3A_496 : vector<16xf32> to vector<1x16xf32>
    tpu.vector_store %arg9[%swap3A_498, %swap3A_499], %swap3A_502 {strides = array<i32>} : memref<8x128xf32, #tpu.memory_space<vmem>>, vector<1x16xf32>,
    %broadcast_in_dim3A_503 = arith.constant 0.000000e+00 : f32
    %broadcast_in_dim3A_504 = vector.broadcast %broadcast_in_dim3A_503 : f32 to vector<16xf32>
    %swap3A_505 = arith.constant 7 : i32
    %swap3A_506 = arith.index_cast %swap3A_505 : i32 to index
    %swap3A_507 = arith.constant 112 : index
    %swap3A_508 = tpu.vector_load %arg9[%swap3A_506, %swap3A_507] {strides = array<i32>} : memref<8x128xf32, #tpu.memory_space<vmem>>, vector<1x16xf32>,
    %swap3A_509 = vector.shape_cast %swap3A_508 : vector<1x16xf32> to vector<16xf32>
    %swap3A_510 = vector.shape_cast %broadcast_in_dim3A_504 : vector<16xf32> to vector<1x16xf32>
    tpu.vector_store %arg9[%swap3A_506, %swap3A_507], %swap3A_510 {strides = array<i32>} : memref<8x128xf32, #tpu.memory_space<vmem>>, vector<1x16xf32>,
    %scan3A = arith.constant 0 : i32
    %scan3A_511 = arith.constant 0 : i32
    %scan3A_512 = arith.constant 79 : i32
    %scan3A_513 = arith.addi %scan3A_511, %scan3A_512 : i32
    %scan3A_514 = arith.constant 1 : i32
    scf.for %scan3A_565 = %scan3A_511 to %scan3A_513 step %scan3A_514  : i32 {
      %mul3A_566 = arith.constant 632 : i32
      %mul3A_567 = arith.muli %arg1, %mul3A_566 : i32
      %mul3A_568 = arith.constant 8 : i32
      %mul3A_569 = arith.muli %scan3A_565, %mul3A_568 : i32
      %add3A_570 = arith.addi %mul3A_567, %mul3A_569 : i32
      %dma_start3A_571 = arith.constant 0 : i32
      %dma_start3A_572 = tpu.memref_slice %arg10[%add3A_570, %dma_start3A_571] : memref<10112x128xf32, #tpu.memory_space<vmem_shared>> -> memref<8x128xf32, #tpu.memory_space<vmem_shared>>
      %dma_start3A_573 = arith.constant 0 : i32
      %dma_start3A_574 = tpu.memref_slice %arg10[%add3A_570, %dma_start3A_573] : memref<10112x128xf32, #tpu.memory_space<vmem_shared>> -> memref<8x128xf32, #tpu.memory_space<vmem_shared>>
      tpu.enqueue_dma source(%arg9 : memref<8x128xf32, #tpu.memory_space<vmem>>) target(%dma_start3A_574 : memref<8x128xf32, #tpu.memory_space<vmem_shared>>) target_semaphore(%arg12 : memref<!tpu.dma_semaphore, #tpu.memory_space<semaphore_mem>>)
    }
    %scan3A_515 = arith.constant 79 : i32
    "tpu.region"() ({
      %run_scoped3A = tpu.sem_alloc : memref<!tpu.dma_semaphore, #tpu.memory_space<semaphore_mem>>
      %dma_start3A_565 = arith.constant 0 : i32
      %dma_start3A_566 = arith.constant 0 : i32
      %dma_start3A_567 = tpu.memref_slice %arg3[%add3A, %dma_start3A_565, %dma_start3A_566] : memref<32x80x128xi32, #tpu.memory_space<hbm>> -> memref<1x40x128xi32, #tpu.memory_space<hbm>>
      %dma_start3A_568 = tpu.memref_squeeze %dma_start3A_567 : memref<1x40x128xi32, #tpu.memory_space<hbm>> -> memref<40x128xi32, #tpu.memory_space<hbm>>
      %dma_start3A_569 = arith.constant 0 : i32
      %dma_start3A_570 = arith.constant 0 : i32
      %dma_start3A_571 = tpu.memref_slice %arg3[%add3A, %dma_start3A_569, %dma_start3A_570] : memref<32x80x128xi32, #tpu.memory_space<hbm>> -> memref<1x40x128xi32, #tpu.memory_space<hbm>>
      %dma_start3A_572 = tpu.memref_squeeze %dma_start3A_571 : memref<1x40x128xi32, #tpu.memory_space<hbm>> -> memref<40x128xi32, #tpu.memory_space<hbm>>
      tpu.enqueue_dma source(%dma_start3A_572 : memref<40x128xi32, #tpu.memory_space<hbm>>) target(%arg6 : memref<40x128xi32, #tpu.memory_space<vmem>>) target_semaphore(%run_scoped3A : memref<!tpu.dma_semaphore, #tpu.memory_space<semaphore_mem>>)
      %dma_wait3A_573 = arith.constant 0 : i32
      %dma_wait3A_574 = arith.constant 0 : i32
      %dma_wait3A_575 = tpu.memref_slice %arg3[%add3A, %dma_wait3A_573, %dma_wait3A_574] : memref<32x80x128xi32, #tpu.memory_space<hbm>> -> memref<1x40x128xi32, #tpu.memory_space<hbm>>
      %dma_wait3A_576 = tpu.memref_squeeze %dma_wait3A_575 : memref<1x40x128xi32, #tpu.memory_space<hbm>> -> memref<40x128xi32, #tpu.memory_space<hbm>>
      %dma_wait3A_577 = arith.constant 0 : i32
      %dma_wait3A_578 = arith.constant 0 : i32
      %dma_wait3A_579 = tpu.memref_slice %arg3[%add3A, %dma_wait3A_577, %dma_wait3A_578] : memref<32x80x128xi32, #tpu.memory_space<hbm>> -> memref<1x40x128xi32, #tpu.memory_space<hbm>>
      %dma_wait3A_580 = tpu.memref_squeeze %dma_wait3A_579 : memref<1x40x128xi32, #tpu.memory_space<hbm>> -> memref<40x128xi32, #tpu.memory_space<hbm>>
      tpu.wait_dma2 semaphore(%run_scoped3A : memref<!tpu.dma_semaphore, #tpu.memory_space<semaphore_mem>>) src(%dma_wait3A_580 : memref<40x128xi32, #tpu.memory_space<hbm>>) dst(%arg6 : memref<40x128xi32, #tpu.memory_space<vmem>>)
      tpu.yield
    }) : () -> ()
    "tpu.region"() ({
      %run_scoped3A = tpu.sem_alloc : memref<!tpu.dma_semaphore, #tpu.memory_space<semaphore_mem>>
      %dma_start3A_565 = arith.constant 0 : i32
      %dma_start3A_566 = arith.constant 0 : i32
      %dma_start3A_567 = tpu.memref_slice %arg4[%add3A, %dma_start3A_565, %dma_start3A_566] : memref<32x80x128xi32, #tpu.memory_space<hbm>> -> memref<1x80x128xi32, #tpu.memory_space<hbm>>
      %dma_start3A_568 = tpu.memref_squeeze %dma_start3A_567 : memref<1x80x128xi32, #tpu.memory_space<hbm>> -> memref<80x128xi32, #tpu.memory_space<hbm>>
      %dma_start3A_569 = arith.constant 0 : i32
      %dma_start3A_570 = arith.constant 0 : i32
      %dma_start3A_571 = tpu.memref_slice %arg4[%add3A, %dma_start3A_569, %dma_start3A_570] : memref<32x80x128xi32, #tpu.memory_space<hbm>> -> memref<1x80x128xi32, #tpu.memory_space<hbm>>
      %dma_start3A_572 = tpu.memref_squeeze %dma_start3A_571 : memref<1x80x128xi32, #tpu.memory_space<hbm>> -> memref<80x128xi32, #tpu.memory_space<hbm>>
      tpu.enqueue_dma source(%dma_start3A_572 : memref<80x128xi32, #tpu.memory_space<hbm>>) target(%arg7 : memref<80x128xi32, #tpu.memory_space<vmem>>) target_semaphore(%run_scoped3A : memref<!tpu.dma_semaphore, #tpu.memory_space<semaphore_mem>>)
      %dma_wait3A_573 = arith.constant 0 : i32
      %dma_wait3A_574 = arith.constant 0 : i32
      %dma_wait3A_575 = tpu.memref_slice %arg4[%add3A, %dma_wait3A_573, %dma_wait3A_574] : memref<32x80x128xi32, #tpu.memory_space<hbm>> -> memref<1x80x128xi32, #tpu.memory_space<hbm>>
      %dma_wait3A_576 = tpu.memref_squeeze %dma_wait3A_575 : memref<1x80x128xi32, #tpu.memory_space<hbm>> -> memref<80x128xi32, #tpu.memory_space<hbm>>
      %dma_wait3A_577 = arith.constant 0 : i32
      %dma_wait3A_578 = arith.constant 0 : i32
      %dma_wait3A_579 = tpu.memref_slice %arg4[%add3A, %dma_wait3A_577, %dma_wait3A_578] : memref<32x80x128xi32, #tpu.memory_space<hbm>> -> memref<1x80x128xi32, #tpu.memory_space<hbm>>
      %dma_wait3A_580 = tpu.memref_squeeze %dma_wait3A_579 : memref<1x80x128xi32, #tpu.memory_space<hbm>> -> memref<80x128xi32, #tpu.memory_space<hbm>>
      tpu.wait_dma2 semaphore(%run_scoped3A : memref<!tpu.dma_semaphore, #tpu.memory_space<semaphore_mem>>) src(%dma_wait3A_580 : memref<80x128xi32, #tpu.memory_space<hbm>>) dst(%arg7 : memref<80x128xi32, #tpu.memory_space<vmem>>)
      tpu.yield
    }) : () -> ()
    %dma_start3A = arith.constant 0 : i32
    %dma_start3A_516 = arith.constant 0 : i32
    %dma_start3A_517 = arith.constant 0 : i32
    %dma_start3A_518 = arith.constant 0 : i32
    %dma_start3A_519 = tpu.memref_slice %arg8[%dma_start3A_516, %dma_start3A_517, %dma_start3A_518] : memref<2x128x128xf32, #tpu.memory_space<vmem>> -> memref<1x128x128xf32, #tpu.memory_space<vmem>>
    %dma_start3A_520 = tpu.memref_squeeze %dma_start3A_519 : memref<1x128x128xf32, #tpu.memory_space<vmem>> -> memref<128x128xf32, #tpu.memory_space<vmem>>
    %dma_start3A_521 = arith.constant 0 : i32
    %dma_start3A_522 = tpu.memref_slice %arg6[%dma_start3A, %dma_start3A_521] : memref<40x128xi32, #tpu.memory_space<vmem>> -> memref<1x128xi32, #tpu.memory_space<vmem>>
    %dma_start3A_523 = tpu.memref_squeeze %dma_start3A_522 : memref<1x128xi32, #tpu.memory_space<vmem>> -> memref<128xi32, #tpu.memory_space<vmem>>
    %dma_start3A_524 = arith.constant 0 : i32
    %dma_start3A_525 = arith.constant 0 : i32
    %dma_start3A_526 = tpu.memref_slice %arg2[%dma_start3A_524, %dma_start3A_525] : memref<10000x128xf32, #tpu.memory_space<hbm>> -> memref<10000x128xf32, #tpu.memory_space<hbm>>
    tpu.enqueue_indirect_dma source(%dma_start3A_526 : memref<10000x128xf32, #tpu.memory_space<hbm>>) target(%dma_start3A_520 : memref<128x128xf32, #tpu.memory_space<vmem>>) offsets(%dma_start3A_523 : memref<128xi32, #tpu.memory_space<vmem>>) semaphore(%arg11 : memref<!tpu.dma_semaphore, #tpu.memory_space<semaphore_mem>>)
    %scan3A_527 = arith.constant 0 : i32
    %scan3A_528 = arith.constant 0 : i32
    %scan3A_529 = arith.constant 79 : i32
    %scan3A_530 = arith.addi %scan3A_528, %scan3A_529 : i32
    %scan3A_531 = arith.constant 1 : i32
    scf.for %scan3A_565 = %scan3A_528 to %scan3A_530 step %scan3A_531  : i32 {
      %mul3A_566 = arith.constant 632 : i32
      %mul3A_567 = arith.muli %arg1, %mul3A_566 : i32
      %mul3A_568 = arith.constant 8 : i32
      %mul3A_569 = arith.muli %scan3A_565, %mul3A_568 : i32
      %add3A_570 = arith.addi %mul3A_567, %mul3A_569 : i32
      %dma_wait3A_571 = arith.constant 0 : i32
      %dma_wait3A_572 = tpu.memref_slice %arg10[%add3A_570, %dma_wait3A_571] : memref<10112x128xf32, #tpu.memory_space<vmem_shared>> -> memref<8x128xf32, #tpu.memory_space<vmem_shared>>
      %dma_wait3A_573 = arith.constant 0 : i32
      %dma_wait3A_574 = tpu.memref_slice %arg10[%add3A_570, %dma_wait3A_573] : memref<10112x128xf32, #tpu.memory_space<vmem_shared>> -> memref<8x128xf32, #tpu.memory_space<vmem_shared>>
      tpu.wait_dma2 semaphore(%arg12 : memref<!tpu.dma_semaphore, #tpu.memory_space<semaphore_mem>>) src(%arg9 : memref<8x128xf32, #tpu.memory_space<vmem>>) dst(%dma_wait3A_574 : memref<8x128xf32, #tpu.memory_space<vmem_shared>>)
    }
    %scan3A_532 = arith.constant 79 : i32
    %barrier3A = arith.constant 0 : index
    tpu.barrier barrier_id(%barrier3A)
    %scan3A_533 = arith.constant 0 : i32
    %scan3A_534 = arith.constant 0 : i32
    %scan3A_535 = arith.constant 80 : i32
    %scan3A_536 = arith.addi %scan3A_534, %scan3A_535 : i32
    %scan3A_537 = arith.constant 1 : i32
    scf.for %scan3A_565 = %scan3A_534 to %scan3A_536 step %scan3A_537  : i32 {
      %jit3A = arith.constant 40 : i32
      %eq3A = arith.constant 0 : i32
      %eq3A_566 = arith.cmpi eq, %jit3A, %eq3A : i32
      %jit3A_567 = arith.constant 1 : i32
      %select_n3A = arith.select %eq3A_566, %jit3A_567, %jit3A : i32
      %rem3A = arith.remsi %scan3A_565, %select_n3A : i32
      %ne3A = arith.constant 0 : i32
      %ne3A_568 = arith.cmpi ne, %rem3A, %ne3A : i32
      %lt3A = arith.constant 0 : i32
      %lt3A_569 = arith.cmpi slt, %rem3A, %lt3A : i32
      %lt3A_570 = arith.constant 0 : i32
      %lt3A_571 = arith.cmpi slt, %select_n3A, %lt3A_570 : i32
      %ne3A_572 = arith.xori %lt3A_569, %lt3A_571 : i1
      %and3A = arith.andi %ne3A_572, %ne3A_568 : i1
      %add3A_573 = arith.addi %rem3A, %select_n3A : i32
      %select_n3A_574 = arith.select %and3A, %add3A_573, %rem3A : i32
      %jit3A_575 = arith.constant 2 : i32
      %eq3A_576 = arith.constant 0 : i32
      %eq3A_577 = arith.cmpi eq, %jit3A_575, %eq3A_576 : i32
      %jit3A_578 = arith.constant 1 : i32
      %select_n3A_579 = arith.select %eq3A_577, %jit3A_578, %jit3A_575 : i32
      %rem3A_580 = arith.remsi %scan3A_565, %select_n3A_579 : i32
      %ne3A_581 = arith.constant 0 : i32
      %ne3A_582 = arith.cmpi ne, %rem3A_580, %ne3A_581 : i32
      %lt3A_583 = arith.constant 0 : i32
      %lt3A_584 = arith.cmpi slt, %rem3A_580, %lt3A_583 : i32
      %lt3A_585 = arith.constant 0 : i32
      %lt3A_586 = arith.cmpi slt, %select_n3A_579, %lt3A_585 : i32
      %ne3A_587 = arith.xori %lt3A_584, %lt3A_586 : i1
      %and3A_588 = arith.andi %ne3A_587, %ne3A_582 : i1
      %add3A_589 = arith.addi %rem3A_580, %select_n3A_579 : i32
      %select_n3A_590 = arith.select %and3A_588, %add3A_589, %rem3A_580 : i32
      %dma_wait3A_591 = arith.constant 0 : i32
      %dma_wait3A_592 = arith.constant 0 : i32
      %dma_wait3A_593 = tpu.memref_slice %arg8[%select_n3A_590, %dma_wait3A_591, %dma_wait3A_592] : memref<2x128x128xf32, #tpu.memory_space<vmem>> -> memref<1x128x128xf32, #tpu.memory_space<vmem>>
      %dma_wait3A_594 = tpu.memref_squeeze %dma_wait3A_593 : memref<1x128x128xf32, #tpu.memory_space<vmem>> -> memref<128x128xf32, #tpu.memory_space<vmem>>
      %dma_wait3A_595 = arith.constant 0 : i32
      %dma_wait3A_596 = tpu.memref_slice %arg6[%select_n3A_574, %dma_wait3A_595] : memref<40x128xi32, #tpu.memory_space<vmem>> -> memref<1x128xi32, #tpu.memory_space<vmem>>
      %dma_wait3A_597 = tpu.memref_squeeze %dma_wait3A_596 : memref<1x128xi32, #tpu.memory_space<vmem>> -> memref<128xi32, #tpu.memory_space<vmem>>
      %dma_wait3A_598 = arith.constant 0 : i32
      %dma_wait3A_599 = arith.constant 0 : i32
      %dma_wait3A_600 = tpu.memref_slice %arg2[%dma_wait3A_598, %dma_wait3A_599] : memref<10000x128xf32, #tpu.memory_space<hbm>> -> memref<10000x128xf32, #tpu.memory_space<hbm>>
      tpu.wait_indirect_dma semaphore(%arg11 : memref<!tpu.dma_semaphore, #tpu.memory_space<semaphore_mem>>) src(%dma_wait3A_600 : memref<10000x128xf32, #tpu.memory_space<hbm>>) dst(%dma_wait3A_594 : memref<128x128xf32, #tpu.memory_space<vmem>>)
      %lt3A_601 = arith.constant 79 : i32
      %lt3A_602 = arith.cmpi slt, %scan3A_565, %lt3A_601 : i32
      %convert_element_type3A = arith.extui %lt3A_602 : i1 to i32
      %cond3A = arith.constant 0 : i32
      %cond3A_603 = arith.cmpi ne, %convert_element_type3A, %cond3A : i32
      scf.if %cond3A_603 {
        %ge3A = arith.constant 1 : i32
        %ge3A_630 = arith.cmpi sge, %scan3A_565, %ge3A : i32
        %convert_element_type3A_631 = arith.extui %ge3A_630 : i1 to i32
        %cond3A_632 = arith.constant 0 : i32
        %cond3A_633 = arith.cmpi ne, %convert_element_type3A_631, %cond3A_632 : i32
        scf.if %cond3A_633 {
          %sub3A = arith.constant 1 : i32
          %sub3A_699 = arith.subi %scan3A_565, %sub3A : i32
          %jit3A_700 = arith.constant 2 : i32
          %eq3A_701 = arith.constant 0 : i32
          %eq3A_702 = arith.cmpi eq, %jit3A_700, %eq3A_701 : i32
          %jit3A_703 = arith.constant 1 : i32
          %select_n3A_704 = arith.select %eq3A_702, %jit3A_703, %jit3A_700 : i32
          %rem3A_705 = arith.remsi %sub3A_699, %select_n3A_704 : i32
          %ne3A_706 = arith.constant 0 : i32
          %ne3A_707 = arith.cmpi ne, %rem3A_705, %ne3A_706 : i32
          %lt3A_708 = arith.constant 0 : i32
          %lt3A_709 = arith.cmpi slt, %rem3A_705, %lt3A_708 : i32
          %lt3A_710 = arith.constant 0 : i32
          %lt3A_711 = arith.cmpi slt, %select_n3A_704, %lt3A_710 : i32
          %ne3A_712 = arith.xori %lt3A_709, %lt3A_711 : i1
          %and3A_713 = arith.andi %ne3A_712, %ne3A_707 : i1
          %add3A_714 = arith.addi %rem3A_705, %select_n3A_704 : i32
          %select_n3A_715 = arith.select %and3A_713, %add3A_714, %rem3A_705 : i32
          %dma_wait3A_716 = arith.constant 0 : i32
          %dma_wait3A_717 = arith.constant 0 : i32
          %dma_wait3A_718 = tpu.memref_slice %arg8[%select_n3A_715, %dma_wait3A_716, %dma_wait3A_717] : memref<2x128x128xf32, #tpu.memory_space<vmem>> -> memref<1x128x128xf32, #tpu.memory_space<vmem>>
          %dma_wait3A_719 = tpu.memref_squeeze %dma_wait3A_718 : memref<1x128x128xf32, #tpu.memory_space<vmem>> -> memref<128x128xf32, #tpu.memory_space<vmem>>
          %dma_wait3A_720 = arith.constant 0 : i32
          %dma_wait3A_721 = tpu.memref_slice %arg7[%sub3A_699, %dma_wait3A_720] : memref<80x128xi32, #tpu.memory_space<vmem>> -> memref<1x128xi32, #tpu.memory_space<vmem>>
          %dma_wait3A_722 = tpu.memref_squeeze %dma_wait3A_721 : memref<1x128xi32, #tpu.memory_space<vmem>> -> memref<128xi32, #tpu.memory_space<vmem>>
          %dma_wait3A_723 = arith.constant 0 : i32
          %dma_wait3A_724 = arith.constant 0 : i32
          %dma_wait3A_725 = tpu.memref_slice %arg10[%dma_wait3A_723, %dma_wait3A_724] : memref<10112x128xf32, #tpu.memory_space<vmem_shared>> -> memref<10112x128xf32, #tpu.memory_space<vmem_shared>>
          tpu.wait_indirect_dma semaphore(%arg12 : memref<!tpu.dma_semaphore, #tpu.memory_space<semaphore_mem>>) src(%dma_wait3A_719 : memref<128x128xf32, #tpu.memory_space<vmem>>) dst(%dma_wait3A_725 : memref<10112x128xf32, #tpu.memory_space<vmem_shared>>)
        } else {
        }
        %jit3A_634 = arith.constant 40 : i32
        %eq3A_635 = arith.constant 0 : i32
        %eq3A_636 = arith.cmpi eq, %jit3A_634, %eq3A_635 : i32
        %jit3A_637 = arith.constant 1 : i32
        %select_n3A_638 = arith.select %eq3A_636, %jit3A_637, %jit3A_634 : i32
        %rem3A_639 = arith.remsi %scan3A_565, %select_n3A_638 : i32
        %ne3A_640 = arith.constant 0 : i32
        %ne3A_641 = arith.cmpi ne, %rem3A_639, %ne3A_640 : i32
        %lt3A_642 = arith.constant 0 : i32
        %lt3A_643 = arith.cmpi slt, %rem3A_639, %lt3A_642 : i32
        %lt3A_644 = arith.constant 0 : i32
        %lt3A_645 = arith.cmpi slt, %select_n3A_638, %lt3A_644 : i32
        %ne3A_646 = arith.xori %lt3A_643, %lt3A_645 : i1
        %and3A_647 = arith.andi %ne3A_646, %ne3A_641 : i1
        %add3A_648 = arith.addi %rem3A_639, %select_n3A_638 : i32
        %select_n3A_649 = arith.select %and3A_647, %add3A_648, %rem3A_639 : i32
        %eq3A_650 = arith.constant 39 : i32
        %eq3A_651 = arith.cmpi eq, %select_n3A_649, %eq3A_650 : i32
        %convert_element_type3A_652 = arith.extui %eq3A_651 : i1 to i32
        %cond3A_653 = arith.constant 0 : i32
        %cond3A_654 = arith.cmpi ne, %convert_element_type3A_652, %cond3A_653 : i32
        scf.if %cond3A_654 {
          %jit3A_699 = arith.constant 40 : i32
          %div3A = arith.divsi %scan3A_565, %jit3A_699 : i32
          %sign3A = arith.constant 0 : i32
          %sign3A_700 = arith.cmpi sgt, %scan3A_565, %sign3A : i32
          %sign3A_701 = arith.extui %sign3A_700 : i1 to i32
          %sign3A_702 = arith.constant 0 : i32
          %sign3A_703 = arith.cmpi slt, %scan3A_565, %sign3A_702 : i32
          %sign3A_704 = arith.extui %sign3A_703 : i1 to i32
          %sign3A_705 = arith.subi %sign3A_701, %sign3A_704 : i32
          %sign3A_706 = arith.constant 0 : i32
          %sign3A_707 = arith.cmpi sgt, %jit3A_699, %sign3A_706 : i32
          %sign3A_708 = arith.extui %sign3A_707 : i1 to i32
          %sign3A_709 = arith.constant 0 : i32
          %sign3A_710 = arith.cmpi slt, %jit3A_699, %sign3A_709 : i32
          %sign3A_711 = arith.extui %sign3A_710 : i1 to i32
          %sign3A_712 = arith.subi %sign3A_708, %sign3A_711 : i32
          %ne3A_713 = arith.cmpi ne, %sign3A_705, %sign3A_712 : i32
          %rem3A_714 = arith.remsi %scan3A_565, %jit3A_699 : i32
          %ne3A_715 = arith.constant 0 : i32
          %ne3A_716 = arith.cmpi ne, %rem3A_714, %ne3A_715 : i32
          %and3A_717 = arith.andi %ne3A_713, %ne3A_716 : i1
          %sub3A = arith.constant 1 : i32
          %sub3A_718 = arith.subi %div3A, %sub3A : i32
          %select_n3A_719 = arith.select %and3A_717, %sub3A_718, %div3A : i32
          %add3A_720 = arith.constant 1 : i32
          %add3A_721 = arith.addi %select_n3A_719, %add3A_720 : i32
          %mul3A_722 = arith.constant 40 : i32
          %mul3A_723 = arith.muli %add3A_721, %mul3A_722 : i32
          "tpu.region"() ({
            %run_scoped3A = tpu.sem_alloc : memref<!tpu.dma_semaphore, #tpu.memory_space<semaphore_mem>>
            %dma_start3A_724 = arith.constant 0 : i32
            %dma_start3A_725 = tpu.memref_slice %arg3[%add3A, %mul3A_723, %dma_start3A_724] : memref<32x80x128xi32, #tpu.memory_space<hbm>> -> memref<1x40x128xi32, #tpu.memory_space<hbm>>
            %dma_start3A_726 = tpu.memref_squeeze %dma_start3A_725 : memref<1x40x128xi32, #tpu.memory_space<hbm>> -> memref<40x128xi32, #tpu.memory_space<hbm>>
            %dma_start3A_727 = arith.constant 0 : i32
            %dma_start3A_728 = tpu.memref_slice %arg3[%add3A, %mul3A_723, %dma_start3A_727] : memref<32x80x128xi32, #tpu.memory_space<hbm>> -> memref<1x40x128xi32, #tpu.memory_space<hbm>>
            %dma_start3A_729 = tpu.memref_squeeze %dma_start3A_728 : memref<1x40x128xi32, #tpu.memory_space<hbm>> -> memref<40x128xi32, #tpu.memory_space<hbm>>
            tpu.enqueue_dma source(%dma_start3A_729 : memref<40x128xi32, #tpu.memory_space<hbm>>) target(%arg6 : memref<40x128xi32, #tpu.memory_space<vmem>>) target_semaphore(%run_scoped3A : memref<!tpu.dma_semaphore, #tpu.memory_space<semaphore_mem>>)
            %dma_wait3A_730 = arith.constant 0 : i32
            %dma_wait3A_731 = tpu.memref_slice %arg3[%add3A, %mul3A_723, %dma_wait3A_730] : memref<32x80x128xi32, #tpu.memory_space<hbm>> -> memref<1x40x128xi32, #tpu.memory_space<hbm>>
            %dma_wait3A_732 = tpu.memref_squeeze %dma_wait3A_731 : memref<1x40x128xi32, #tpu.memory_space<hbm>> -> memref<40x128xi32, #tpu.memory_space<hbm>>
            %dma_wait3A_733 = arith.constant 0 : i32
            %dma_wait3A_734 = tpu.memref_slice %arg3[%add3A, %mul3A_723, %dma_wait3A_733] : memref<32x80x128xi32, #tpu.memory_space<hbm>> -> memref<1x40x128xi32, #tpu.memory_space<hbm>>
            %dma_wait3A_735 = tpu.memref_squeeze %dma_wait3A_734 : memref<1x40x128xi32, #tpu.memory_space<hbm>> -> memref<40x128xi32, #tpu.memory_space<hbm>>
            tpu.wait_dma2 semaphore(%run_scoped3A : memref<!tpu.dma_semaphore, #tpu.memory_space<semaphore_mem>>) src(%dma_wait3A_735 : memref<40x128xi32, #tpu.memory_space<hbm>>) dst(%arg6 : memref<40x128xi32, #tpu.memory_space<vmem>>)
            tpu.yield
          }) : () -> ()
        } else {
        }
        %add3A_655 = arith.constant 1 : i32
        %add3A_656 = arith.addi %scan3A_565, %add3A_655 : i32
        %jit3A_657 = arith.constant 40 : i32
        %eq3A_658 = arith.constant 0 : i32
        %eq3A_659 = arith.cmpi eq, %jit3A_657, %eq3A_658 : i32
        %jit3A_660 = arith.constant 1 : i32
        %select_n3A_661 = arith.select %eq3A_659, %jit3A_660, %jit3A_657 : i32
        %rem3A_662 = arith.remsi %add3A_656, %select_n3A_661 : i32
        %ne3A_663 = arith.constant 0 : i32
        %ne3A_664 = arith.cmpi ne, %rem3A_662, %ne3A_663 : i32
        %lt3A_665 = arith.constant 0 : i32
        %lt3A_666 = arith.cmpi slt, %rem3A_662, %lt3A_665 : i32
        %lt3A_667 = arith.constant 0 : i32
        %lt3A_668 = arith.cmpi slt, %select_n3A_661, %lt3A_667 : i32
        %ne3A_669 = arith.xori %lt3A_666, %lt3A_668 : i1
        %and3A_670 = arith.andi %ne3A_669, %ne3A_664 : i1
        %add3A_671 = arith.addi %rem3A_662, %select_n3A_661 : i32
        %select_n3A_672 = arith.select %and3A_670, %add3A_671, %rem3A_662 : i32
        %jit3A_673 = arith.constant 2 : i32
        %eq3A_674 = arith.constant 0 : i32
        %eq3A_675 = arith.cmpi eq, %jit3A_673, %eq3A_674 : i32
        %jit3A_676 = arith.constant 1 : i32
        %select_n3A_677 = arith.select %eq3A_675, %jit3A_676, %jit3A_673 : i32
        %rem3A_678 = arith.remsi %add3A_656, %select_n3A_677 : i32
        %ne3A_679 = arith.constant 0 : i32
        %ne3A_680 = arith.cmpi ne, %rem3A_678, %ne3A_679 : i32
        %lt3A_681 = arith.constant 0 : i32
        %lt3A_682 = arith.cmpi slt, %rem3A_678, %lt3A_681 : i32
        %lt3A_683 = arith.constant 0 : i32
        %lt3A_684 = arith.cmpi slt, %select_n3A_677, %lt3A_683 : i32
        %ne3A_685 = arith.xori %lt3A_682, %lt3A_684 : i1
        %and3A_686 = arith.andi %ne3A_685, %ne3A_680 : i1
        %add3A_687 = arith.addi %rem3A_678, %select_n3A_677 : i32
        %select_n3A_688 = arith.select %and3A_686, %add3A_687, %rem3A_678 : i32
        %dma_start3A_689 = arith.constant 0 : i32
        %dma_start3A_690 = arith.constant 0 : i32
        %dma_start3A_691 = tpu.memref_slice %arg8[%select_n3A_688, %dma_start3A_689, %dma_start3A_690] : memref<2x128x128xf32, #tpu.memory_space<vmem>> -> memref<1x128x128xf32, #tpu.memory_space<vmem>>
        %dma_start3A_692 = tpu.memref_squeeze %dma_start3A_691 : memref<1x128x128xf32, #tpu.memory_space<vmem>> -> memref<128x128xf32, #tpu.memory_space<vmem>>
        %dma_start3A_693 = arith.constant 0 : i32
        %dma_start3A_694 = tpu.memref_slice %arg6[%select_n3A_672, %dma_start3A_693] : memref<40x128xi32, #tpu.memory_space<vmem>> -> memref<1x128xi32, #tpu.memory_space<vmem>>
        %dma_start3A_695 = tpu.memref_squeeze %dma_start3A_694 : memref<1x128xi32, #tpu.memory_space<vmem>> -> memref<128xi32, #tpu.memory_space<vmem>>
        %dma_start3A_696 = arith.constant 0 : i32
        %dma_start3A_697 = arith.constant 0 : i32
        %dma_start3A_698 = tpu.memref_slice %arg2[%dma_start3A_696, %dma_start3A_697] : memref<10000x128xf32, #tpu.memory_space<hbm>> -> memref<10000x128xf32, #tpu.memory_space<hbm>>
        tpu.enqueue_indirect_dma source(%dma_start3A_698 : memref<10000x128xf32, #tpu.memory_space<hbm>>) target(%dma_start3A_692 : memref<128x128xf32, #tpu.memory_space<vmem>>) offsets(%dma_start3A_695 : memref<128xi32, #tpu.memory_space<vmem>>) semaphore(%arg11 : memref<!tpu.dma_semaphore, #tpu.memory_space<semaphore_mem>>)
      } else {
      }
      %jit3A_604 = arith.constant 2 : i32
      %eq3A_605 = arith.constant 0 : i32
      %eq3A_606 = arith.cmpi eq, %jit3A_604, %eq3A_605 : i32
      %jit3A_607 = arith.constant 1 : i32
      %select_n3A_608 = arith.select %eq3A_606, %jit3A_607, %jit3A_604 : i32
      %rem3A_609 = arith.remsi %scan3A_565, %select_n3A_608 : i32
      %ne3A_610 = arith.constant 0 : i32
      %ne3A_611 = arith.cmpi ne, %rem3A_609, %ne3A_610 : i32
      %lt3A_612 = arith.constant 0 : i32
      %lt3A_613 = arith.cmpi slt, %rem3A_609, %lt3A_612 : i32
      %lt3A_614 = arith.constant 0 : i32
      %lt3A_615 = arith.cmpi slt, %select_n3A_608, %lt3A_614 : i32
      %ne3A_616 = arith.xori %lt3A_613, %lt3A_615 : i1
      %and3A_617 = arith.andi %ne3A_616, %ne3A_611 : i1
      %add3A_618 = arith.addi %rem3A_609, %select_n3A_608 : i32
      %select_n3A_619 = arith.select %and3A_617, %add3A_618, %rem3A_609 : i32
      %dma_start3A_620 = arith.constant 0 : i32
      %dma_start3A_621 = arith.constant 0 : i32
      %dma_start3A_622 = tpu.memref_slice %arg8[%select_n3A_619, %dma_start3A_620, %dma_start3A_621] : memref<2x128x128xf32, #tpu.memory_space<vmem>> -> memref<1x128x128xf32, #tpu.memory_space<vmem>>
      %dma_start3A_623 = tpu.memref_squeeze %dma_start3A_622 : memref<1x128x128xf32, #tpu.memory_space<vmem>> -> memref<128x128xf32, #tpu.memory_space<vmem>>
      %dma_start3A_624 = arith.constant 0 : i32
      %dma_start3A_625 = tpu.memref_slice %arg7[%scan3A_565, %dma_start3A_624] : memref<80x128xi32, #tpu.memory_space<vmem>> -> memref<1x128xi32, #tpu.memory_space<vmem>>
      %dma_start3A_626 = tpu.memref_squeeze %dma_start3A_625 : memref<1x128xi32, #tpu.memory_space<vmem>> -> memref<128xi32, #tpu.memory_space<vmem>>
      %dma_start3A_627 = arith.constant 0 : i32
      %dma_start3A_628 = arith.constant 0 : i32
      %dma_start3A_629 = tpu.memref_slice %arg10[%dma_start3A_627, %dma_start3A_628] : memref<10112x128xf32, #tpu.memory_space<vmem_shared>> -> memref<10112x128xf32, #tpu.memory_space<vmem_shared>>
      tpu.enqueue_indirect_dma source(%dma_start3A_623 : memref<128x128xf32, #tpu.memory_space<vmem>>) target(%dma_start3A_629 : memref<10112x128xf32, #tpu.memory_space<vmem_shared>>) offsets(%dma_start3A_626 : memref<128xi32, #tpu.memory_space<vmem>>) semaphore(%arg12 : memref<!tpu.dma_semaphore, #tpu.memory_space<semaphore_mem>>) {add = true}
    }
    %scan3A_538 = arith.constant 80 : i32
    %dma_wait3A = arith.constant 0 : i32
    %dma_wait3A_539 = arith.constant 78 : i32
    %dma_wait3A_540 = arith.constant 0 : i32
    %dma_wait3A_541 = arith.constant 0 : i32
    %dma_wait3A_542 = tpu.memref_slice %arg8[%dma_wait3A, %dma_wait3A_540, %dma_wait3A_541] : memref<2x128x128xf32, #tpu.memory_space<vmem>> -> memref<1x128x128xf32, #tpu.memory_space<vmem>>
    %dma_wait3A_543 = tpu.memref_squeeze %dma_wait3A_542 : memref<1x128x128xf32, #tpu.memory_space<vmem>> -> memref<128x128xf32, #tpu.memory_space<vmem>>
    %dma_wait3A_544 = arith.constant 0 : i32
    %dma_wait3A_545 = tpu.memref_slice %arg7[%dma_wait3A_539, %dma_wait3A_544] : memref<80x128xi32, #tpu.memory_space<vmem>> -> memref<1x128xi32, #tpu.memory_space<vmem>>
    %dma_wait3A_546 = tpu.memref_squeeze %dma_wait3A_545 : memref<1x128xi32, #tpu.memory_space<vmem>> -> memref<128xi32, #tpu.memory_space<vmem>>
    %dma_wait3A_547 = arith.constant 0 : i32
    %dma_wait3A_548 = arith.constant 0 : i32
    %dma_wait3A_549 = tpu.memref_slice %arg10[%dma_wait3A_547, %dma_wait3A_548] : memref<10112x128xf32, #tpu.memory_space<vmem_shared>> -> memref<10112x128xf32, #tpu.memory_space<vmem_shared>>
    tpu.wait_indirect_dma semaphore(%arg12 : memref<!tpu.dma_semaphore, #tpu.memory_space<semaphore_mem>>) src(%dma_wait3A_543 : memref<128x128xf32, #tpu.memory_space<vmem>>) dst(%dma_wait3A_549 : memref<10112x128xf32, #tpu.memory_space<vmem_shared>>)
    %dma_wait3A_550 = arith.constant 1 : i32
    %dma_wait3A_551 = arith.constant 79 : i32
    %dma_wait3A_552 = arith.constant 0 : i32
    %dma_wait3A_553 = arith.constant 0 : i32
    %dma_wait3A_554 = tpu.memref_slice %arg8[%dma_wait3A_550, %dma_wait3A_552, %dma_wait3A_553] : memref<2x128x128xf32, #tpu.memory_space<vmem>> -> memref<1x128x128xf32, #tpu.memory_space<vmem>>
    %dma_wait3A_555 = tpu.memref_squeeze %dma_wait3A_554 : memref<1x128x128xf32, #tpu.memory_space<vmem>> -> memref<128x128xf32, #tpu.memory_space<vmem>>
    %dma_wait3A_556 = arith.constant 0 : i32
    %dma_wait3A_557 = tpu.memref_slice %arg7[%dma_wait3A_551, %dma_wait3A_556] : memref<80x128xi32, #tpu.memory_space<vmem>> -> memref<1x128xi32, #tpu.memory_space<vmem>>
    %dma_wait3A_558 = tpu.memref_squeeze %dma_wait3A_557 : memref<1x128xi32, #tpu.memory_space<vmem>> -> memref<128xi32, #tpu.memory_space<vmem>>
    %dma_wait3A_559 = arith.constant 0 : i32
    %dma_wait3A_560 = arith.constant 0 : i32
    %dma_wait3A_561 = tpu.memref_slice %arg10[%dma_wait3A_559, %dma_wait3A_560] : memref<10112x128xf32, #tpu.memory_space<vmem_shared>> -> memref<10112x128xf32, #tpu.memory_space<vmem_shared>>
    tpu.wait_indirect_dma semaphore(%arg12 : memref<!tpu.dma_semaphore, #tpu.memory_space<semaphore_mem>>) src(%dma_wait3A_555 : memref<128x128xf32, #tpu.memory_space<vmem>>) dst(%dma_wait3A_561 : memref<10112x128xf32, #tpu.memory_space<vmem_shared>>)
    %barrier3A_562 = arith.constant 0 : index
    tpu.barrier barrier_id(%barrier3A_562)
    %mul3A_563 = arith.constant 632 : i32
    %mul3A_564 = arith.muli %arg1, %mul3A_563 : i32
    "tpu.region"() ({
      %run_scoped3A = tpu.sem_alloc : memref<!tpu.dma_semaphore, #tpu.memory_space<semaphore_mem>>
      %dma_start3A_565 = arith.constant 0 : i32
      %dma_start3A_566 = tpu.memref_slice %arg5[%arg0, %mul3A_564, %dma_start3A_565] : memref<2x10112x128xf32, #tpu.memory_space<hbm>> -> memref<1x632x128xf32, #tpu.memory_space<hbm>>
      %dma_start3A_567 = tpu.memref_squeeze %dma_start3A_566 : memref<1x632x128xf32, #tpu.memory_space<hbm>> -> memref<632x128xf32, #tpu.memory_space<hbm>>
      %dma_start3A_568 = arith.constant 0 : i32
      %dma_start3A_569 = tpu.memref_slice %arg10[%mul3A_564, %dma_start3A_568] : memref<10112x128xf32, #tpu.memory_space<vmem_shared>> -> memref<632x128xf32, #tpu.memory_space<vmem_shared>>
      tpu.enqueue_dma source(%dma_start3A_569 : memref<632x128xf32, #tpu.memory_space<vmem_shared>>) target(%dma_start3A_567 : memref<632x128xf32, #tpu.memory_space<hbm>>) target_semaphore(%run_scoped3A : memref<!tpu.dma_semaphore, #tpu.memory_space<semaphore_mem>>)
      %dma_wait3A_570 = arith.constant 0 : i32
      %dma_wait3A_571 = tpu.memref_slice %arg5[%arg0, %mul3A_564, %dma_wait3A_570] : memref<2x10112x128xf32, #tpu.memory_space<hbm>> -> memref<1x632x128xf32, #tpu.memory_space<hbm>>
      %dma_wait3A_572 = tpu.memref_squeeze %dma_wait3A_571 : memref<1x632x128xf32, #tpu.memory_space<hbm>> -> memref<632x128xf32, #tpu.memory_space<hbm>>
      %dma_wait3A_573 = arith.constant 0 : i32
      %dma_wait3A_574 = tpu.memref_slice %arg10[%mul3A_564, %dma_wait3A_573] : memref<10112x128xf32, #tpu.memory_space<vmem_shared>> -> memref<632x128xf32, #tpu.memory_space<vmem_shared>>
      tpu.wait_dma2 semaphore(%run_scoped3A : memref<!tpu.dma_semaphore, #tpu.memory_space<semaphore_mem>>) src(%dma_wait3A_574 : memref<632x128xf32, #tpu.memory_space<vmem_shared>>) dst(%dma_wait3A_572 : memref<632x128xf32, #tpu.memory_space<hbm>>)
      tpu.yield
    }) : () -> ()
    return
  }
}

module attributes {stable_mosaic.version = 14 : i64} {
  func.func @body(%arg0: i32, %arg1: memref<1xf32, #tpu.memory_space<smem>>, %arg2: memref<5000x128xf32, #tpu.memory_space<vmem>>, %arg3: memref<2x5000x128xf32, #tpu.memory_space<vmem>>, %arg4: memref<128x128xf32, #tpu.memory_space<vmem>>, %arg5: memref<1x128xf32, #tpu.memory_space<vmem>>, %arg6: memref<128x128xf32, #tpu.memory_space<vmem>>, %arg7: memref<1x128xf32, #tpu.memory_space<vmem>>, %arg8: memref<5000x128xf32, #tpu.memory_space<vmem>>) attributes {dimension_semantics = [#tpu.dimension_semantics<arbitrary>], iteration_bounds = array<i64: 2>, scalar_prefetch = 0 : i64, scratch_operands = 0 : i64, tpu.core_type = #tpu.core_type<tc>, window_params = [{transform_indices = @transform_0, window_bounds = array<i64: 1>}, {transform_indices = @transform_1, window_bounds = array<i64: 5000, 128>}, {transform_indices = @transform_2, window_bounds = array<i64: 2, 5000, 128>}, {pipeline_mode = #tpu.pipeline_mode<synchronous>, transform_indices = @transform_3, window_bounds = array<i64: 128, 128>}, {pipeline_mode = #tpu.pipeline_mode<synchronous>, transform_indices = @transform_4, window_bounds = array<i64: 1, 128>}, {pipeline_mode = #tpu.pipeline_mode<synchronous>, transform_indices = @transform_5, window_bounds = array<i64: 128, 128>}, {pipeline_mode = #tpu.pipeline_mode<synchronous>, transform_indices = @transform_6, window_bounds = array<i64: 1, 128>}, {transform_indices = @transform_7, window_bounds = array<i64: 5000, 128>}]} {
    %get3A = arith.constant 0 : index
    %get3A_0 = memref.load %arg1[%get3A] : memref<1xf32, #tpu.memory_space<smem>>
    %add3A = arith.constant 1.000000e+00 : f32
    %add3A_1 = arith.addf %add3A, %get3A_0 : f32
    %get3A_2 = arith.constant 0 : index
    %get3A_3 = arith.constant 0 : index
    %get3A_4 = vector.load %arg2[%get3A_2, %get3A_3] : memref<5000x128xf32, #tpu.memory_space<vmem>>, vector<5000x128xf32>
    %mul3A = vector.broadcast %add3A_1 : f32 to vector<5000x128xf32>
    %mul3A_5 = arith.mulf %get3A_4, %mul3A : vector<5000x128xf32>
    %get3A_6 = arith.constant 0 : index
    %get3A_7 = arith.constant 0 : index
    %get3A_8 = arith.constant 0 : index
    %get3A_9 = vector.load %arg3[%get3A_6, %get3A_7, %get3A_8] : memref<2x5000x128xf32, #tpu.memory_space<vmem>>, vector<1x5000x128xf32>
    %get3A_10 = vector.shape_cast %get3A_9 : vector<1x5000x128xf32> to vector<5000x128xf32>
    %add3A_11 = arith.addf %mul3A_5, %get3A_10 : vector<5000x128xf32>
    %get3A_12 = arith.constant 1 : index
    %get3A_13 = arith.constant 0 : index
    %get3A_14 = arith.constant 0 : index
    %get3A_15 = vector.load %arg3[%get3A_12, %get3A_13, %get3A_14] : memref<2x5000x128xf32, #tpu.memory_space<vmem>>, vector<1x5000x128xf32>
    %get3A_16 = vector.shape_cast %get3A_15 : vector<1x5000x128xf32> to vector<5000x128xf32>
    %add3A_17 = arith.addf %add3A_11, %get3A_16 : vector<5000x128xf32>
    %get3A_18 = arith.constant 0 : index
    %get3A_19 = arith.constant 0 : index
    %get3A_20 = vector.load %arg4[%get3A_18, %get3A_19] : memref<128x128xf32, #tpu.memory_space<vmem>>, vector<128x128xf32>
    %dot_general3A = arith.constant dense<0.000000e+00> : vector<5000x128xf32>
    %dot_general3A_21 = tpu.matmul %add3A_17, %get3A_20, %dot_general3A {dimension_numbers = #tpu.dot_dimension_numbers<[1], [1], [0], [0], [0, 0, 1, 0], [], []>, transpose_lhs_hint = false} : vector<5000x128xf32>, vector<128x128xf32>, vector<5000x128xf32> -> vector<5000x128xf32>
    %get3A_22 = arith.constant 0 : index
    %get3A_23 = arith.constant 0 : index
    %get3A_24 = vector.load %arg5[%get3A_22, %get3A_23] : memref<1x128xf32, #tpu.memory_space<vmem>>, vector<1x128xf32>
    %add3A_25 = vector.broadcast %get3A_24 : vector<1x128xf32> to vector<5000x128xf32>
    %add3A_26 = arith.addf %dot_general3A_21, %add3A_25 : vector<5000x128xf32>
    %max3A = arith.constant 0.000000e+00 : f32
    %max3A_27 = vector.broadcast %max3A : f32 to vector<5000x128xf32>
    %max3A_28 = arith.maximumf %add3A_26, %max3A_27 : vector<5000x128xf32>
    %get3A_29 = arith.constant 0 : index
    %get3A_30 = arith.constant 0 : index
    %get3A_31 = vector.load %arg6[%get3A_29, %get3A_30] : memref<128x128xf32, #tpu.memory_space<vmem>>, vector<128x128xf32>
    %dot_general3A_32 = arith.constant dense<0.000000e+00> : vector<5000x128xf32>
    %dot_general3A_33 = tpu.matmul %max3A_28, %get3A_31, %dot_general3A_32 {dimension_numbers = #tpu.dot_dimension_numbers<[1], [1], [0], [0], [0, 0, 1, 0], [], []>, transpose_lhs_hint = false} : vector<5000x128xf32>, vector<128x128xf32>, vector<5000x128xf32> -> vector<5000x128xf32>
    %get3A_34 = arith.constant 0 : index
    %get3A_35 = arith.constant 0 : index
    %get3A_36 = vector.load %arg7[%get3A_34, %get3A_35] : memref<1x128xf32, #tpu.memory_space<vmem>>, vector<1x128xf32>
    %add3A_37 = vector.broadcast %get3A_36 : vector<1x128xf32> to vector<5000x128xf32>
    %add3A_38 = arith.addf %dot_general3A_33, %add3A_37 : vector<5000x128xf32>
    %swap3A = arith.constant 0 : index
    %swap3A_39 = arith.constant 0 : index
    %swap3A_40 = vector.load %arg8[%swap3A, %swap3A_39] : memref<5000x128xf32, #tpu.memory_space<vmem>>, vector<5000x128xf32>
    tpu.vector_store %arg8[%swap3A, %swap3A_39], %add3A_38 {strides = array<i32>} : memref<5000x128xf32, #tpu.memory_space<vmem>>, vector<5000x128xf32>,
    return
  }
  func.func @transform_0(%arg0: i32) -> i32 {
    %c0_i32 = arith.constant 0 : i32
    %c0_i32_0 = arith.constant 0 : i32
    return %c0_i32 : i32
  }
  func.func @transform_1(%arg0: i32) -> (i32, i32) {
    %c0_i32 = arith.constant 0 : i32
    %c0_i32_0 = arith.constant 0 : i32
    return %arg0, %c0_i32 : i32, i32
  }
  func.func @transform_2(%arg0: i32) -> (i32, i32, i32) {
    %c0_i32 = arith.constant 0 : i32
    %c0_i32_0 = arith.constant 0 : i32
    %c0_i32_1 = arith.constant 0 : i32
    return %c0_i32, %arg0, %c0_i32_0 : i32, i32, i32
  }
  func.func @transform_3(%arg0: i32) -> (i32, i32) {
    %c0_i32 = arith.constant 0 : i32
    %c0_i32_0 = arith.constant 0 : i32
    %c0_i32_1 = arith.constant 0 : i32
    return %c0_i32, %c0_i32_0 : i32, i32
  }
  func.func @transform_4(%arg0: i32) -> (i32, i32) {
    %c0_i32 = arith.constant 0 : i32
    %c0_i32_0 = arith.constant 0 : i32
    %c0_i32_1 = arith.constant 0 : i32
    return %c0_i32, %c0_i32_0 : i32, i32
  }
  func.func @transform_5(%arg0: i32) -> (i32, i32) {
    %c0_i32 = arith.constant 0 : i32
    %c0_i32_0 = arith.constant 0 : i32
    %c0_i32_1 = arith.constant 0 : i32
    return %c0_i32, %c0_i32_0 : i32, i32
  }
  func.func @transform_6(%arg0: i32) -> (i32, i32) {
    %c0_i32 = arith.constant 0 : i32
    %c0_i32_0 = arith.constant 0 : i32
    %c0_i32_1 = arith.constant 0 : i32
    return %c0_i32, %c0_i32_0 : i32, i32
  }
  func.func @transform_7(%arg0: i32) -> (i32, i32) {
    %c0_i32 = arith.constant 0 : i32
    %c0_i32_0 = arith.constant 0 : i32
    return %arg0, %c0_i32 : i32, i32
  }
}

module attributes {stable_mosaic.version = 14 : i64} {
  func.func @body(%arg0: i32, %arg1: memref<1xf32, #tpu.memory_space<smem>>, %arg2: memref<5000x128xf32, #tpu.memory_space<vmem>>, %arg3: memref<2x5000x128xf32, #tpu.memory_space<vmem>>, %arg4: memref<128x128xf32, #tpu.memory_space<vmem>>, %arg5: memref<1x128xf32, #tpu.memory_space<vmem>>, %arg6: memref<128x128xf32, #tpu.memory_space<vmem>>, %arg7: memref<1x128xf32, #tpu.memory_space<vmem>>, %arg8: memref<5000x128xf32, #tpu.memory_space<vmem>>) attributes {dimension_semantics = [#tpu.dimension_semantics<arbitrary>], iteration_bounds = array<i64: 2>, scalar_prefetch = 0 : i64, scratch_operands = 0 : i64, tpu.core_type = #tpu.core_type<tc>, window_params = [{transform_indices = @transform_0, window_bounds = array<i64: 1>}, {transform_indices = @transform_1, window_bounds = array<i64: 5000, 128>}, {transform_indices = @transform_2, window_bounds = array<i64: 2, 5000, 128>}, {pipeline_mode = #tpu.pipeline_mode<synchronous>, transform_indices = @transform_3, window_bounds = array<i64: 128, 128>}, {pipeline_mode = #tpu.pipeline_mode<synchronous>, transform_indices = @transform_4, window_bounds = array<i64: 1, 128>}, {pipeline_mode = #tpu.pipeline_mode<synchronous>, transform_indices = @transform_5, window_bounds = array<i64: 128, 128>}, {pipeline_mode = #tpu.pipeline_mode<synchronous>, transform_indices = @transform_6, window_bounds = array<i64: 1, 128>}, {transform_indices = @transform_7, window_bounds = array<i64: 5000, 128>}]} {
    %get3A = arith.constant 0 : index
    %get3A_0 = memref.load %arg1[%get3A] : memref<1xf32, #tpu.memory_space<smem>>
    %add3A = arith.constant 1.000000e+00 : f32
    %add3A_1 = arith.addf %add3A, %get3A_0 : f32
    %get3A_2 = arith.constant 0 : index
    %get3A_3 = arith.constant 0 : index
    %get3A_4 = vector.load %arg2[%get3A_2, %get3A_3] : memref<5000x128xf32, #tpu.memory_space<vmem>>, vector<5000x128xf32>
    %mul3A = vector.broadcast %add3A_1 : f32 to vector<5000x128xf32>
    %mul3A_5 = arith.mulf %get3A_4, %mul3A : vector<5000x128xf32>
    %get3A_6 = arith.constant 0 : index
    %get3A_7 = arith.constant 0 : index
    %get3A_8 = arith.constant 0 : index
    %get3A_9 = vector.load %arg3[%get3A_6, %get3A_7, %get3A_8] : memref<2x5000x128xf32, #tpu.memory_space<vmem>>, vector<1x5000x128xf32>
    %get3A_10 = vector.shape_cast %get3A_9 : vector<1x5000x128xf32> to vector<5000x128xf32>
    %add3A_11 = arith.addf %mul3A_5, %get3A_10 : vector<5000x128xf32>
    %get3A_12 = arith.constant 1 : index
    %get3A_13 = arith.constant 0 : index
    %get3A_14 = arith.constant 0 : index
    %get3A_15 = vector.load %arg3[%get3A_12, %get3A_13, %get3A_14] : memref<2x5000x128xf32, #tpu.memory_space<vmem>>, vector<1x5000x128xf32>
    %get3A_16 = vector.shape_cast %get3A_15 : vector<1x5000x128xf32> to vector<5000x128xf32>
    %add3A_17 = arith.addf %add3A_11, %get3A_16 : vector<5000x128xf32>
    %get3A_18 = arith.constant 0 : index
    %get3A_19 = arith.constant 0 : index
    %get3A_20 = vector.load %arg4[%get3A_18, %get3A_19] : memref<128x128xf32, #tpu.memory_space<vmem>>, vector<128x128xf32>
    %dot_general3A = arith.constant dense<0.000000e+00> : vector<5000x128xf32>
    %dot_general3A_21 = tpu.matmul %add3A_17, %get3A_20, %dot_general3A {dimension_numbers = #tpu.dot_dimension_numbers<[1], [1], [0], [0], [0, 0, 1, 0], [], []>, transpose_lhs_hint = false} : vector<5000x128xf32>, vector<128x128xf32>, vector<5000x128xf32> -> vector<5000x128xf32>
    %get3A_22 = arith.constant 0 : index
    %get3A_23 = arith.constant 0 : index
    %get3A_24 = vector.load %arg5[%get3A_22, %get3A_23] : memref<1x128xf32, #tpu.memory_space<vmem>>, vector<1x128xf32>
    %add3A_25 = vector.broadcast %get3A_24 : vector<1x128xf32> to vector<5000x128xf32>
    %add3A_26 = arith.addf %dot_general3A_21, %add3A_25 : vector<5000x128xf32>
    %max3A = arith.constant 0.000000e+00 : f32
    %max3A_27 = vector.broadcast %max3A : f32 to vector<5000x128xf32>
    %max3A_28 = arith.maximumf %add3A_26, %max3A_27 : vector<5000x128xf32>
    %get3A_29 = arith.constant 0 : index
    %get3A_30 = arith.constant 0 : index
    %get3A_31 = vector.load %arg6[%get3A_29, %get3A_30] : memref<128x128xf32, #tpu.memory_space<vmem>>, vector<128x128xf32>
    %dot_general3A_32 = arith.constant dense<0.000000e+00> : vector<5000x128xf32>
    %dot_general3A_33 = tpu.matmul %max3A_28, %get3A_31, %dot_general3A_32 {dimension_numbers = #tpu.dot_dimension_numbers<[1], [1], [0], [0], [0, 0, 1, 0], [], []>, transpose_lhs_hint = false} : vector<5000x128xf32>, vector<128x128xf32>, vector<5000x128xf32> -> vector<5000x128xf32>
    %get3A_34 = arith.constant 0 : index
    %get3A_35 = arith.constant 0 : index
    %get3A_36 = vector.load %arg7[%get3A_34, %get3A_35] : memref<1x128xf32, #tpu.memory_space<vmem>>, vector<1x128xf32>
    %add3A_37 = vector.broadcast %get3A_36 : vector<1x128xf32> to vector<5000x128xf32>
    %add3A_38 = arith.addf %dot_general3A_33, %add3A_37 : vector<5000x128xf32>
    %swap3A = arith.constant 0 : index
    %swap3A_39 = arith.constant 0 : index
    %swap3A_40 = vector.load %arg8[%swap3A, %swap3A_39] : memref<5000x128xf32, #tpu.memory_space<vmem>>, vector<5000x128xf32>
    tpu.vector_store %arg8[%swap3A, %swap3A_39], %add3A_38 {strides = array<i32>} : memref<5000x128xf32, #tpu.memory_space<vmem>>, vector<5000x128xf32>,
    return
  }
  func.func @transform_0(%arg0: i32) -> i32 {
    %c0_i32 = arith.constant 0 : i32
    %c0_i32_0 = arith.constant 0 : i32
    return %c0_i32 : i32
  }
  func.func @transform_1(%arg0: i32) -> (i32, i32) {
    %c0_i32 = arith.constant 0 : i32
    %c0_i32_0 = arith.constant 0 : i32
    return %arg0, %c0_i32 : i32, i32
  }
  func.func @transform_2(%arg0: i32) -> (i32, i32, i32) {
    %c0_i32 = arith.constant 0 : i32
    %c0_i32_0 = arith.constant 0 : i32
    %c0_i32_1 = arith.constant 0 : i32
    return %c0_i32, %arg0, %c0_i32_0 : i32, i32, i32
  }
  func.func @transform_3(%arg0: i32) -> (i32, i32) {
    %c0_i32 = arith.constant 0 : i32
    %c0_i32_0 = arith.constant 0 : i32
    %c0_i32_1 = arith.constant 0 : i32
    return %c0_i32, %c0_i32_0 : i32, i32
  }
  func.func @transform_4(%arg0: i32) -> (i32, i32) {
    %c0_i32 = arith.constant 0 : i32
    %c0_i32_0 = arith.constant 0 : i32
    %c0_i32_1 = arith.constant 0 : i32
    return %c0_i32, %c0_i32_0 : i32, i32
  }
  func.func @transform_5(%arg0: i32) -> (i32, i32) {
    %c0_i32 = arith.constant 0 : i32
    %c0_i32_0 = arith.constant 0 : i32
    %c0_i32_1 = arith.constant 0 : i32
    return %c0_i32, %c0_i32_0 : i32, i32
  }
  func.func @transform_6(%arg0: i32) -> (i32, i32) {
    %c0_i32 = arith.constant 0 : i32
    %c0_i32_0 = arith.constant 0 : i32
    %c0_i32_1 = arith.constant 0 : i32
    return %c0_i32, %c0_i32_0 : i32, i32
  }
  func.func @transform_7(%arg0: i32) -> (i32, i32) {
    %c0_i32 = arith.constant 0 : i32
    %c0_i32_0 = arith.constant 0 : i32
    return %arg0, %c0_i32 : i32, i32
  }
}

</mosaic_0001>

<sc_bundles>
// kernel: kernel.6.cloned.1.call-start
scs
__scs_entry_jumppad:
0x0: {  	(pc) =	sbr.rel $0x88, $3  }
0x1: {  	(tag) =	ssettag $0x0;
	lr =	simm.s32 $0x1  }
0x2: {  	[smem:$0x3F96] =	sst lr;
	_ =	strace $0xD0000000  }
0x3: {  	_ = 	snop  }
0x4: {  	_ = 	snop  }
0x5: {  	_ = 	snop  }
0x6: {  	_ = 	snop  }
0x7: {  	_ = 	snop  }
__scs_overlays_trampoline_lowered:
0x8: {  	[smem:$0x3FA5] =	sst s0  }
0x9: {  	[smem:$0x3FA6] =	sst s1  }
0xa: {  	[smem:$0x3FA7] =	sst s2  }
0xb: {  	[smem:$0x3FA8] =	sst s3  }
0xc: {  	[smem:$0x3FA9] =	sst s4  }
0xd: {  	[smem:$0x3FAA] =	sst s5  }
0xe: {  	[smem:$0x3FAB] =	sst s6  }
0xf: {  	[smem:$0x3FAC] =	sst s7  }
0x10: {  	[smem:$0x3FAD] =	sst s8  }
0x11: {  	[smem:$0x3FAE] =	sst s9;
	s0 =	simm.s32 @!p0 $0x0  }
0x12: {  	s1 =	sld [smem:$0x3F94];
	s0 =	simm.s32 @p0 $0x1  }
0x13: {  	[smem:$0x3FAF] =	sst s0;
	s0 =	simm.s32 @!p1 $0x0  }
0x14: {  	s2 =	sld [smem:$0x3F93];
	s0 =	simm.s32 @p1 $0x1  }
0x15: {  	[smem:$0x3FB0] =	sst s0;
	s0 =	simm.s32 @!p2 $0x0  }
0x16: {  	s3 =	sld [smem:$0x3FDB];
	s0 =	simm.s32 @p2 $0x1  }
0x17: {  	s4 =	simm.s32 $0x1BF5;
	[smem:$0x3FB2] =	sst s0  }
0x18: {  	s0 =	sld [smem:$0x3F95];
	_ =	swait.ge [sflag:s4], $0x0  }
0x19: {  	s7 =	sld [smem:$0x3F96]  }
0x1a: {  	s8 =	sadd.s32 $0xFFFFE003, lr  }
0x1b: {  	s9 =	sadd.s32 $0xFFFFFEF7, lr;
	s5 =	simm.s32 $0xFFFFFFFF;
	p2 =	slt.u32 s8, $0xFFFFF086  }
0x1c: {  	p1 =	slt.u32 s9, $0xF7A;
	s5 =	simm.s32 @!p2 $0x0  }
0x1d: {  	s5 =	simm.s32 @p1 $0x1;
	p0 =	seq.s32 s7, s2  }
0x1e: {  	s7 =	smul.u32 @!p0 $0xF7A, s2;
	p2 =	seq.s32 @!p0 s5, $0x0  }
0x1f: {  	s9 =	smul.u32 $0xF7A, s1;
	s8 =	simm.s32 @!p0 $0x1BF5;
	p2 =	por !p2, p0  }
0x20: {  	[sflag:s8] =	ssyncset.s32 @!p0 $0xFFFFF086;
	s6 =	sadd.s32 @!p0 s3, s7;
	s7 =	simm.s32 @!p0 $0x108  }
0x21: {  	s3 =	sadd.s32 s3, s9;
	s6 =	sadd.s32 @!p0 $0x88, s6;
	s7 =	simm.s32 @p2 $0x1082  }
0x22: {  	[simem:s7], [sflag:s8] =	dma.local @!p0 [hbm:s6], $0xF7A  }
0x23: {  	s9 =	sor.u32 $0xD0000000, s2;
	s6 =	simm.s32 $0x108;
	_ =	swait.ge @!p0 [sflag:s8], $0x0  }
0x24: {  	s3 =	sadd.s32 $0x88, s3;
	s6 =	simm.s32 @!p1 $0x1082;
	[sflag:s4] =	ssyncset.s32 $0xFFFFF086  }
0x25: {  	[simem:s6], [sflag:s4] =	dma.local [hbm:s3], $0xF7A  }
0x26: {  	[smem:$0x3F96] =	sst s1;
	(tag) =	ssettag s2;
	_ =	strace s9  }
0x27: {  	s1 =	sld [smem:$0x3FA6]  }
0x28: {  	s2 =	sld [smem:$0x3FA7]  }
0x29: {  	s4 =	sld [smem:$0x3FA9]  }
0x2a: {  	p0 =	seq.s32 s5, $0x0;
	s5 =	sld [smem:$0x3FAA]  }
0x2b: {  	s6 =	sld [smem:$0x3FAB]  }
0x2c: {  	s7 =	sld [smem:$0x3FAC]  }
0x2d: {  	s3 =	simm.s32 $0x108;
	s8 =	sld [smem:$0x3FAD]  }
0x2e: {  	s3 =	simm.s32 @!p0 $0x1082;
	s9 =	sld [smem:$0x3FAE]  }
0x2f: {  	lr =	sadd.s32 s0, s3;
	s0 =	sld [smem:$0x3FA5]  }
0x30: {  	s3 =	sld [smem:$0x3FA8]  }
0x31: {  	[smem:$0x3FB1] =	sst s10  }
0x32: {  	s10 =	sld [smem:$0x3FAF];
	_ =	sdelay $0x3  }
0x33: {  	p0 =	seq.s32 s10, $0x1;
	s10 =	sld [smem:$0x3FB1];
	_ =	sdelay $0x3  }
0x34: {  	[smem:$0x3FB1] =	sst s10  }
0x35: {  	s10 =	sld [smem:$0x3FB0];
	_ =	sdelay $0x3  }
0x36: {  	p1 =	seq.s32 s10, $0x1;
	s10 =	sld [smem:$0x3FB1];
	_ =	sdelay $0x3  }
0x37: {  	[smem:$0x3FB1] =	sst s10  }
0x38: {  	s10 =	sld [smem:$0x3FB2]  }
0x39: {  	_ = 	snop;
	(pc) =	sbr.ind lr, $3  }
0x3a: {  	_ = 	snop  }
0x3b: {  	_ = 	snop  }
0x3c: {  	p2 =	seq.s32 s10, $0x1;
	s10 =	sld [smem:$0x3FB1]  }
0x3d: {  	_ =	shalt  }
0x3e: {  	_ =	shalt  }
0x3f: {  	_ =	shalt  }
0x40: {  	_ =	shalt  }
0x41: {  	_ =	shalt  }
0x42: {  	_ =	shalt  }
0x43: {  	_ =	shalt  }
0x44: {  	_ =	shalt  }
0x45: {  	_ =	shalt  }
0x46: {  	_ =	shalt  }
0x47: {  	_ =	shalt  }
0x48: {  	_ =	shalt  }
0x49: {  	_ =	shalt  }
0x4a: {  	_ =	shalt  }
0x4b: {  	_ =	shalt  }
0x4c: {  	_ =	shalt  }
0x4d: {  	_ =	shalt  }
0x4e: {  	_ =	shalt  }
0x4f: {  	_ =	shalt  }
0x50: {  	_ =	shalt  }
0x51: {  	_ =	shalt  }
0x52: {  	_ =	shalt  }
0x53: {  	_ =	shalt  }
0x54: {  	_ =	shalt  }
0x55: {  	_ =	shalt  }
0x56: {  	_ =	shalt  }
0x57: {  	_ =	shalt  }
0x58: {  	_ =	shalt  }
0x59: {  	_ =	shalt  }
0x5a: {  	_ =	shalt  }
0x5b: {  	_ =	shalt  }
0x5c: {  	_ =	shalt  }
0x5d: {  	_ =	shalt  }
0x5e: {  	_ =	shalt  }
0x5f: {  	_ =	shalt  }
0x60: {  	_ =	shalt  }
0x61: {  	_ =	shalt  }
0x62: {  	_ =	shalt  }
0x63: {  	_ =	shalt  }
0x64: {  	_ =	shalt  }
0x65: {  	_ =	shalt  }
0x66: {  	_ =	shalt  }
0x67: {  	_ =	shalt  }
0x68: {  	_ =	shalt  }
0x69: {  	_ =	shalt  }
0x6a: {  	_ =	shalt  }
0x6b: {  	_ =	shalt  }
0x6c: {  	_ =	shalt  }
0x6d: {  	_ =	shalt  }
0x6e: {  	_ =	shalt  }
0x6f: {  	_ =	shalt  }
0x70: {  	_ =	shalt  }
0x71: {  	_ =	shalt  }
0x72: {  	_ =	shalt  }
0x73: {  	_ =	shalt  }
0x74: {  	_ =	shalt  }
0x75: {  	_ =	shalt  }
0x76: {  	_ =	shalt  }
0x77: {  	_ =	shalt  }
0x78: {  	_ =	shalt  }
0x79: {  	_ =	shalt  }
0x7a: {  	_ =	shalt  }
0x7b: {  	_ =	shalt  }
0x7c: {  	_ =	shalt  }
0x7d: {  	_ =	shalt  }
0x7e: {  	_ =	shalt  }
0x7f: {  	_ =	shalt  }
0x80: {  	_ =	shalt  }
0x81: {  	_ =	shalt  }
0x82: {  	_ =	shalt  }
0x83: {  	_ =	shalt  }
0x84: {  	_ =	shalt  }
0x85: {  	_ =	shalt  }
0x86: {  	_ =	shalt  }
0x87: {  	_ =	shalt  }
.Lfunc_end0:
.L_simem_size_0:
called_computation_lowered:
.L_overlay_start_0:
0x88: {  	s2 =	sld [smem:$0x3FD9]  }
0x89: {  	s3 =	sld [smem:$0x3FFE];
	_ =	sdelay $0x1  }
0x8a: {  	s1 =	srdreg.scid  }
0x8b: {  	s0 =	sand.u32 $0x1, s1  }
0x8c: {  	s17 =	sshll.u32 s0, $0xA;
	s2 =	sadd.s32 s3, s2  }
0x8d: {  	s2 =	sadd.s32 s2, s17  }
0x8e: {  	[smem:$0x3FBD] =	sst s2  }
0x8f: {  	_ = 	snop  }
0x90: {  	s2 =	sld [smem:$0x3FC9];
	(tm) =	ssettm $0x1  }
0x91: {  	s18 =	sld [smem:$0x3FFB];
	_ =	sdelay $0x3  }
0x92: {  	_ =	strace s18  }
0x93: {  	s3 =	sld [smem:$0x3FFC];
	_ =	sdelay $0x3  }
0x94: {  	_ =	strace s3  }
0x95: {  	s3 =	sld [smem:$0x3FFD];
	_ =	sdelay $0x3  }
0x96: {  	_ =	strace s3  }
0x97: {  	_ =	strace $0x8FFFFFFF  }
0x98: {  	s19 =	sld [smem:$0x3FDB];
	_ =	sdelay $0x1  }
0x99: {  	s4 =	simm.s32 $_scs_section_size  }
0x9a: {  	s5 =	simm.s32 $_size__tile_overlayer_lowered;
	s6 =	simm.s32 $_tile_overlayer_lowered  }
0x9b: {  	s22 =	simm.s32 $0x1BFF;
	s21 =	sshll.u32 s6, $0x1;
	s3 =	sadd.s32 s4, s19  }
0x9c: {  	s7 =	simm.s32 $0x0;
	s20 =	sshll.u32 s5, $0x1;
	s5 =	sadd.s32 s21, s3  }
0x9d: {  	[timem:s7], [sflag:s22] =	dma.local [hbm:s5], s20  }
0x9e: {  	_ =	swait.ge [sflag:s22], s20  }
0x9f: {  	s4 =	ssub.s32 $0x0, s20;
	[sflag:s22] =	ssyncset.done $0x0  }
0xa0: {  	[sflag:s22] =	ssyncadd.s32 s4;
	_ =	sdelay $0x1  }
0xa1: {  	s23 =	simm.s32 $0x1B8B  }
0xa2: {  	_ =	swait.ge [sflag:s23], $0x1  }
0xa3: {  	[sflag:s23] =	ssyncset.done $0x0  }
0xa4: {  	s25 =	simm.s32 $0x1B8E;
	s24 =	sld [smem:$0x3FFE];
	[sflag:s23] =	ssyncadd.s32 $0xFFFFFFFF  }
0xa5: {  	s26 =	simm.s32 $execute0_lowered;
	[smem:$0x3FD2] =	sst s25  }
0xa6: {  	s5 =	sshll.u32 s26, $0x1;
	_ =	strace $0x80000046;
	[dreg:$0x1] =	wrdreg $0xFFFFFFFF  }
0xa7: {  	s28 =	simm.s32 $_size_execute0_lowered;
	s3 =	sadd.s32 s3, s5;
	[dreg:$0x0] =	wrdreg $0x0  }
0xa8: {  	s5 =	sshll.u32 s28, $0x1;
	[dreg:$0x2] =	wrdreg s3  }
0xa9: {  	[dreg:$0x3] =	wrdreg s5  }
0xaa: {  	[dreg:$0x4] =	wrdreg $0xC0  }
0xab: {  	_ =	task [dreg:s7], $0x5FFFF  }
0xac: {  	[dreg:$0x1] =	wrdreg $0xFFFFFFFF  }
0xad: {  	[dreg:$0x0] =	wrdreg $0x60  }
0xae: {  	[dreg:$0x2] =	wrdreg s2  }
0xaf: {  	[dreg:$0x3] =	wrdreg s24  }
0xb0: {  	[dreg:$0x4] =	wrdreg $0xC0000  }
0xb1: {  	[dreg:$0x5] =	wrdreg $0x9  }
0xb2: {  	_ =	task.clear_ibuf [dreg:s7], $0x6FFFF;
	_ =	strace $0x90000046  }
0xb3: {  	s29 =	simm.s32 $0x9;
	_ =	strace $0x80000048  }
0xb4: {  	_ =	swait.ge [sflag:s29], $0x1  }
0xb5: {  	[sflag:s29] =	ssyncadd.s32 $0xFFFFFFFF  }
0xb6: {  	_ =	strace $0x90000048  }
0xb7: {  	_ =	sfence  }
0xb8: {  	s30 =	sld [smem:$0x0];
	_ =	sdelay $0x2  }
0xb9: {  	s31 =	sshll.u32 s1, $0xD;
	s1 =	sshrl.u32 s1, $0x2  }
0xba: {  	s3 =	sand.u32 $0x4000, s31;
	s1 =	sadd.s32 s1, s30  }
0xbb: {  	s0 =	sor.u32 s3, s0;
	s1 =	sshll.u32 s1, $0x11  }
0xbc: {  	s0 =	sor.u32 s1, s0  }
0xbd: {  	s0 =	sadd.s32 $0x8F2B, s0  }
0xbe: {  	[sflag:s0] =	ssyncadd.remote.s32 $0x1  }
0xbf: {  	_ =	sfence.sel $0xFFFF  }
0xc0: {  	[dreg:$0x0] =	wrdreg $0xFFFFFFFF;
	(pc) =	sbr.abs _section_cstart, $3  }
0xc1: {  	[dreg:$0x1] =	wrdreg $0xFFFFFFFF  }
0xc2: {  	_ =	task.clear_ibuf [dreg:s7], $0x2FFFF;
	_ =	strace $0x9FFFFFFF  }
0xc3: {  	(tm) =	ssettm $0x7FFFFFFF  }
tec
execute0_lowered:
.L_overlay_start_1:
0x0: {  	(tag) =	ssettag $0x1  }
0x1: {  	s1 =	rddreg [dreg:$0x0];
	s2 =	srdreg.scid  }
0x2: {  	s0 =	stileid.u32;
	s7 =	rddreg [dreg:$0x1]  }
0x3: {  	s3 =	rddreg [dreg:$0x2];
	s4 =	simm.s32 $0x0;
	s16 =	simm.s32 $0x3C00  }
0x4: {  	s17 =	simm.s32 $0x2;
	s18 =	simm.s32 $0x1;
	s19 =	simm.s32 $0x0  }
0x5: {  	s8 =	sand.u32 $0x1, s2;
	s2 =	rddreg [dreg:$0x3];
	s10 =	smul.u32 $0x13C00, s0  }
0x6: {  	s30 =	sshll.u32 s0, $0x1;
	[smem:$0x7FF] =	sst s4;
	s12 =	smul.u32 $0x4F000, s0  }
0x7: {  	s6 =	sadd.s32 $0xC000, s7;
	s5 =	sor.u32 s8, s30;
	s9 =	smul.u32 $0x13C000, s8  }
0x8: {  	_ =	strace $0x80000047;
	s8 =	ssub.s32 $0x2, s8;
	s5 =	smul.u32 $0x2800, s5  }
0x9: {  	s31 =	sshrl.u32 s8, $0x1;
	s12 =	sshrl.u32 s12, $0x2;
	s9 =	sadd.s32 s10, s9  }
.Ltmp0:
0xa: {  	s11 =	sshrl.u32 s5, $0x3;
	s9 =	sshrl.u32 s9, $0x3;
	(pc) =	sbr.rel .LBB2_1-.Ltmp0, $4  }
0xb: {  	s15 =	ssub.s32 s8, s31;
	s13 =	sadd.s32 s11, s7;
	s14 =	sadd.s32 s9, s7  }
0xc: {  	s7 =	sadd.s32 s12, s3;
	s8 =	sadd.s32 s6, s11;
	s11 =	smax.u32 s15, $0x1  }
0xd: {  	s12 =	simm.s32 $0xBC00;
	s15 =	simm.s32 $0x80;
	s9 =	sadd.s32 $0x2000, s13  }
0xe: {  	v0 =	vimm.f32 $0.0e+00;
	s10 =	sadd.s32 $0x16000, s14;
	s13 =	simm.s32 $0x3;
	s14 =	simm.s32 $0x1400  }
.LBB2_8:
0xf: {  	[spmem:s3] =	stream.indirect.scatter.add.f32 [tilespmem:s23], [sflag:$0x2], $0x80, s20, s15, $0xb8;
	[tilespmem:$0x1FC00] =	vst v63  }
.LBB2_11:
0x10: {  	_ =	swait.ge [sflag:s17], $0x4000  }
0x11: {  	[sflag:s17] =	ssyncset.done $0x0  }
0x12: {  	[sflag:s17] =	ssyncadd.s32 $0xFFFFC000  }
0x13: {  	_ =	swait.ge [sflag:s17], $0x4000  }
0x14: {  	s20 =	sshll.u32 s0, $0x6;
	s19 =	sadd.s32 $0x1, s19;
	[sflag:s17] =	ssyncset.done $0x0  }
0x15: {  	s21 =	sshrl.u32 s7, $0x3;
	p0 =	sne.s32 s19, s11;
	[sflag:s17] =	ssyncadd.s32 $0xFFFFC000  }
.Ltmp1:
0x16: {  	s20 =	sor.u32 $0x1C03, s20;
	[bflag:$0x0] =	sbarrier.arrive $0xFFFF;
	(pc) =	sbr.rel @!p0 .LBB2_12-.Ltmp1, $4  }
0x17: {  	[hbm:s10], [sflag:s20] =	dma.local [spmem:s21], $0x2780  }
0x18: {  	_ =	swait.ge [sflag:s13], $0x2780  }
0x19: {  	[sflag:s13] =	ssyncset.done $0x0  }
0x1a: {  	[sflag:s13] =	ssyncadd.s32 $0xFFFFD880  }
.LBB2_1:
0x1b: {  	[tilespmem:$0xBC00] =	vst v0  }
0x1c: {  	[tilespmem:$0xBC10] =	vst v0  }
0x1d: {  	[tilespmem:$0xBC20] =	vst v0  }
0x1e: {  	[tilespmem:$0xBC30] =	vst v0  }
0x1f: {  	[tilespmem:$0xBC40] =	vst v0  }
0x20: {  	[tilespmem:$0xBC50] =	vst v0  }
0x21: {  	[tilespmem:$0xBC60] =	vst v0  }
0x22: {  	[tilespmem:$0xBC70] =	vst v0  }
0x23: {  	[tilespmem:$0xBC80] =	vst v0  }
0x24: {  	[tilespmem:$0xBC90] =	vst v0  }
0x25: {  	[tilespmem:$0xBCA0] =	vst v0  }
0x26: {  	[tilespmem:$0xBCB0] =	vst v0  }
0x27: {  	[tilespmem:$0xBCC0] =	vst v0  }
0x28: {  	[tilespmem:$0xBCD0] =	vst v0  }
0x29: {  	[tilespmem:$0xBCE0] =	vst v0  }
0x2a: {  	[tilespmem:$0xBCF0] =	vst v0  }
0x2b: {  	[tilespmem:$0xBD00] =	vst v0  }
0x2c: {  	[tilespmem:$0xBD10] =	vst v0  }
0x2d: {  	[tilespmem:$0xBD20] =	vst v0  }
0x2e: {  	[tilespmem:$0xBD30] =	vst v0  }
0x2f: {  	[tilespmem:$0xBD40] =	vst v0  }
0x30: {  	[tilespmem:$0xBD50] =	vst v0  }
0x31: {  	[tilespmem:$0xBD60] =	vst v0  }
0x32: {  	[tilespmem:$0xBD70] =	vst v0  }
0x33: {  	[tilespmem:$0xBD80] =	vst v0  }
0x34: {  	[tilespmem:$0xBD90] =	vst v0  }
0x35: {  	[tilespmem:$0xBDA0] =	vst v0  }
0x36: {  	[tilespmem:$0xBDB0] =	vst v0  }
0x37: {  	[tilespmem:$0xBDC0] =	vst v0  }
0x38: {  	[tilespmem:$0xBDD0] =	vst v0  }
0x39: {  	[tilespmem:$0xBDE0] =	vst v0  }
0x3a: {  	[tilespmem:$0xBDF0] =	vst v0  }
0x3b: {  	[tilespmem:$0xBE00] =	vst v0  }
0x3c: {  	[tilespmem:$0xBE10] =	vst v0  }
0x3d: {  	[tilespmem:$0xBE20] =	vst v0  }
0x3e: {  	[tilespmem:$0xBE30] =	vst v0  }
0x3f: {  	[tilespmem:$0xBE40] =	vst v0  }
0x40: {  	[tilespmem:$0xBE50] =	vst v0  }
0x41: {  	[tilespmem:$0xBE60] =	vst v0  }
0x42: {  	[tilespmem:$0xBE70] =	vst v0  }
0x43: {  	[tilespmem:$0xBE80] =	vst v0  }
0x44: {  	[tilespmem:$0xBE90] =	vst v0  }
0x45: {  	[tilespmem:$0xBEA0] =	vst v0  }
0x46: {  	[tilespmem:$0xBEB0] =	vst v0  }
0x47: {  	[tilespmem:$0xBEC0] =	vst v0  }
0x48: {  	[tilespmem:$0xBED0] =	vst v0  }
0x49: {  	[tilespmem:$0xBEE0] =	vst v0  }
0x4a: {  	[tilespmem:$0xBEF0] =	vst v0  }
0x4b: {  	[tilespmem:$0xBF00] =	vst v0  }
0x4c: {  	[tilespmem:$0xBF10] =	vst v0  }
0x4d: {  	[tilespmem:$0xBF20] =	vst v0  }
0x4e: {  	[tilespmem:$0xBF30] =	vst v0  }
0x4f: {  	[tilespmem:$0xBF40] =	vst v0  }
0x50: {  	[tilespmem:$0xBF50] =	vst v0  }
0x51: {  	[tilespmem:$0xBF60] =	vst v0  }
0x52: {  	[tilespmem:$0xBF70] =	vst v0  }
0x53: {  	[tilespmem:$0xBF80] =	vst v0  }
0x54: {  	[tilespmem:$0xBF90] =	vst v0  }
0x55: {  	[tilespmem:$0xBFA0] =	vst v0  }
0x56: {  	[tilespmem:$0xBFB0] =	vst v0  }
0x57: {  	[tilespmem:$0xBFC0] =	vst v0  }
0x58: {  	[tilespmem:$0xBFD0] =	vst v0  }
0x59: {  	[tilespmem:$0xBFE0] =	vst v0  }
0x5a: {  	[tilespmem:$0xBFF0] =	vst v0;
	s20 =	simm.s32 $0x1000;
	s21 =	sadd.s32 $0x0, s7  }
.LBB2_2:
0x5b: {  	[spmem:s21] =	stream.linear.scatter [tilespmem:s12], [sflag:$0x2], $0x400, $0x38;
	[tilespmem:$0x1FC00] =	vst v63  }
0x5c: {  	s21 =	smov.u32 s20;
	p0 =	sne.s32 s20, $0x4E000  }
.Ltmp2:
0x5d: {  	s20 =	sadd.s32 $0x1000, s20;
	(pc) =	sbr.rel @p0 .LBB2_2-.Ltmp2, $3  }
0x5e: {  	_ =	sdelay $0x1  }
0x5f: {  	s21 =	sshra.s32 s21, $0x2  }
0x60: {  	s21 =	sadd.s32 s21, s7  }
0x61: {  	[spmem:s21] =	stream.linear.scatter [tilespmem:s12], [sflag:$0x2], $0x400, $0x38;
	[tilespmem:$0x1FC00] =	vst v63  }
0x62: {  	_ = 	snop  }
0x63: {  	[tilespmem:s4], [sflag:$0x3] =	stream.linear.gather [hbm4b:s8+s4], $0x1400, $0x38;
	[tilespmem:$0x1FC00] =	vst v63  }
0x64: {  	_ =	swait.ge [sflag:s13], $0x1400  }
0x65: {  	[sflag:s13] =	ssyncset.done $0x0  }
0x66: {  	[sflag:s13] =	ssyncadd.s32 $0xFFFFEC00  }
0x67: {  	[tilespmem:s14], [sflag:$0x3] =	stream.linear.gather [hbm4b:s9+s4], $0x2800, $0x38;
	[tilespmem:$0x1FC00] =	vst v63  }
0x68: {  	_ =	swait.ge [sflag:s13], $0x2800  }
0x69: {  	[sflag:s13] =	ssyncset.done $0x0  }
0x6a: {  	[sflag:s13] =	ssyncadd.s32 $0xFFFFD800  }
0x6b: {  	[tilespmem:s16], [sflag:$0x1] =	stream.indirect.gather [hbm4b:s1+s15], $0x80, s4, s15, $0xb8;
	[tilespmem:$0x1FC00] =	vst v63  }
0x6c: {  	_ =	swait.ge [sflag:s17], $0x400  }
0x6d: {  	s20 =	simm.s32 $0x4E;
	[sflag:s17] =	ssyncset.done $0x0  }
.LBB2_4:
0x6e: {  	p0 =	sne.s32 s20, $0x1;
	s20 =	sadd.s32 $0xFFFFFFFF, s20;
	[sflag:s17] =	ssyncadd.s32 $0xFFFFFC00  }
.Ltmp3:
0x6f: {  	(pc) =	sbr.rel @p0 .LBB2_4-.Ltmp3, $3  }
0x70: {  	_ =	sdelay $0x1  }
0x71: {  	_ =	swait.ge [sflag:s17], $0x400  }
0x72: {  	[sflag:s17] =	ssyncset.done $0x0  }
.Ltmp4:
0x73: {  	(pc) =	sbr.rel .LBB2_6-.Ltmp4, $4  }
0x74: {  	_ = 	snop  }
0x75: {  	[sflag:s17] =	ssyncadd.s32 $0xFFFFFC00  }
0x76: {  	[bflag:$0x0] =	sbarrier.arrive $0xFFFF  }
0x77: {  	s20 =	simm.s32 $0x1400;
	s21 =	simm.s32 $0x0;
	s22 =	simm.s32 $0x1  }
.LBB2_10:
0x78: {  	s24 =	smul.u32 $0xCD, s22;
	_ =	sdelay $0x1  }
0x79: {  	s24 =	sshrl.u32 s24, $0xD  }
0x7a: {  	s24 =	sand.u32 $0x7, s24  }
0x7b: {  	s24 =	smul.u32 $0x28, s24;
	_ =	sdelay $0x1  }
0x7c: {  	s21 =	sadd.s32 $0x4000, s21;
	s24 =	ssub.s32 s22, s24  }
0x7d: {  	s25 =	sand.u32 $0x4000, s21;
	p0 =	sne.s32 s21, $0x140000;
	s24 =	sand.u32 $0xFF, s24  }
.Ltmp5:
0x7e: {  	s25 =	sor.u32 $0x3C00, s25;
	s24 =	sshll.u32 s24, $0x7;
	(pc) =	sbr.rel @!p0 .LBB2_11-.Ltmp5, $4  }
0x7f: {  	[tilespmem:s25], [sflag:$0x1] =	stream.indirect.gather [hbm4b:s1+s15], $0x80, s24, s15, $0xb8;
	[tilespmem:$0x1FC00] =	vst v63  }
0x80: {  	_ = 	snop  }
0x81: {  	[spmem:s3] =	stream.indirect.scatter.add.f32 [tilespmem:s23], [sflag:$0x2], $0x80, s20, s15, $0xb8;
	[tilespmem:$0x1FC00] =	vst v63  }
0x82: {  	s22 =	sadd.s32 $0x1, s22;
	s20 =	sadd.s32 $0x80, s20  }
.LBB2_6:
0x83: {  	s24 =	sadd.s32 $0xFFFFFFFF, s22  }
0x84: {  	p0 =	seq.s32 s24, $0x0  }
.Ltmp6:
0x85: {  	_ = 	snop;
	(pc) =	sbr.rel @p0 .LBB2_10-.Ltmp6, $4  }
0x86: {  	_ = 	snop  }
0x87: {  	_ =	swait.ge [sflag:s18], $0x4000  }
0x88: {  	s23 =	sand.u32 $0x4000, s21;
	[sflag:s18] =	ssyncset.done $0x0  }
0x89: {  	s23 =	sor.u32 $0x3C00, s23;
	[sflag:s18] =	ssyncadd.s32 $0xFFFFC000  }
0x8a: {  	p0 =	sne.s32 s24, $0x4F  }
.Ltmp7:
0x8b: {  	_ = 	snop;
	(pc) =	sbr.rel @!p0 .LBB2_8-.Ltmp7, $1  }
0x8c: {  	_ =	sdelay $0x3  }
0x8d: {  	s25 =	sadd.s32 $0xFFFFFFD7, s22;
	p0 =	slt.u32 s24, $0x28  }
0x8e: {  	s25 =	smov.u32 @p0 s24  }
0x8f: {  	p0 =	sne.s32 s25, $0x27  }
0x90: {  	p1 =	sgt.u32 @!p0 s24, $0x27  }
0x91: {  	s24 =	simm.s32 @!p0 $0x2800;
	p1 =	por !p1, p0  }
0x92: {  	s24 =	simm.s32 @p1 $0x1400  }
0x93: {  	_ =	swait.ge [sflag:s17], $0x4000;
	s24 =	sadd.s32 @!p0 s5, s24  }
0x94: {  	[sflag:s17] =	ssyncset.done $0x0;
	s24 =	sshrl.u32 @!p0 s24, $0x3  }
0x95: {  	[sflag:s17] =	ssyncadd.s32 $0xFFFFC000;
	s25 =	simm.s32 @!p0 $0x0;
	s24 =	sadd.s32 @!p0 s6, s24  }
0x96: {  	[tilespmem:s25], [sflag:$0x3] =	stream.linear.gather @!p0 [hbm4b:s24+s25], $0x1400, $0x38;
	[tilespmem:$0x1FC00] =	vst v63  }
.Ltmp8:
0x97: {  	_ = 	snop;
	(pc) =	sbr.rel .LBB2_10-.Ltmp8, $4  }
0x98: {  	s24 =	simm.s32 @!p0 $0x3  }
0x99: {  	_ =	swait.ge @!p0 [sflag:s24], $0x1400  }
0x9a: {  	[sflag:s24] =	ssyncset.done @!p0 $0x0  }
0x9b: {  	[sflag:s24] =	ssyncadd.s32 @!p0 $0xFFFFEC00  }
.LBB2_12:
0x9c: {  	_ =	sfence.sel $0x180000  }
0x9d: {  	[bflag:$0x0] =	sbarrier.arrive $0xFFFF  }
0x9e: {  	p0 =	sne.s32 s0, $0x0;
	_ =	strace $0x90000047  }
0x9f: {  	s0 =	sadd.s32 @!p0 $0x100000, s2;
	[bflag:$0x2] =	sbarrier.arrive $0xFFFF  }
0xa0: {  	[sflag:s0] =	ssyncadd.tile.s32 @!p0 $0x1;
	_ =	shalt  }
.Lfunc_end2:
_tile_overlayer_lowered:
.L_overlay_start_2:
0xa1: {  	(tag) =	ssettag $0x2  }
0xa2: {  	s0 =	rddreg [dreg:$0x0];
	s2 =	stileid.u32  }
0xa3: {  	s1 =	rddreg [dreg:$0x1];
	p0 =	sne.s32 s2, $0x0  }
0xa4: {  	s3 =	rddreg [dreg:$0x2];
	[bflag:$0x3] =	sbarrier.arrive $0xFFFF;
	s2 =	simm.s32 @!p0 $0x1C03  }
0xa5: {  	[timem:s3], [sflag:s2] =	dma.local @!p0 [hbm:s0], s1  }
0xa6: {  	s0 =	simm.s32 @!p0 $0x3  }
0xa7: {  	_ =	swait.ge @!p0 [sflag:s0], s1  }
0xa8: {  	s1 =	ssub.s32 @!p0 $0x0, s1;
	[sflag:s0] =	ssyncset.done @!p0 $0x0  }
0xa9: {  	[sflag:s0] =	ssyncadd.s32 @!p0 s1  }
0xaa: {  	[bflag:$0x3] =	sbarrier.arrive $0xFFFF  }
0xab: {  	_ =	shalt  }

// kernel: kernel.9.cloned.1.call-start
scs
__scs_entry_jumppad:
0x0: {  	(pc) =	sbr.rel $0x88, $3  }
0x1: {  	(tag) =	ssettag $0x0;
	lr =	simm.s32 $0x1  }
0x2: {  	[smem:$0x3F96] =	sst lr;
	_ =	strace $0xD0000000  }
0x3: {  	_ = 	snop  }
0x4: {  	_ = 	snop  }
0x5: {  	_ = 	snop  }
0x6: {  	_ = 	snop  }
0x7: {  	_ = 	snop  }
__scs_overlays_trampoline_lowered:
0x8: {  	[smem:$0x3FA5] =	sst s0  }
0x9: {  	[smem:$0x3FA6] =	sst s1  }
0xa: {  	[smem:$0x3FA7] =	sst s2  }
0xb: {  	[smem:$0x3FA8] =	sst s3  }
0xc: {  	[smem:$0x3FA9] =	sst s4  }
0xd: {  	[smem:$0x3FAA] =	sst s5  }
0xe: {  	[smem:$0x3FAB] =	sst s6  }
0xf: {  	[smem:$0x3FAC] =	sst s7  }
0x10: {  	[smem:$0x3FAD] =	sst s8  }
0x11: {  	[smem:$0x3FAE] =	sst s9;
	s0 =	simm.s32 @!p0 $0x0  }
0x12: {  	s1 =	sld [smem:$0x3F94];
	s0 =	simm.s32 @p0 $0x1  }
0x13: {  	[smem:$0x3FAF] =	sst s0;
	s0 =	simm.s32 @!p1 $0x0  }
0x14: {  	s2 =	sld [smem:$0x3F93];
	s0 =	simm.s32 @p1 $0x1  }
0x15: {  	[smem:$0x3FB0] =	sst s0;
	s0 =	simm.s32 @!p2 $0x0  }
0x16: {  	s3 =	sld [smem:$0x3FDB];
	s0 =	simm.s32 @p2 $0x1  }
0x17: {  	s4 =	simm.s32 $0x1BF5;
	[smem:$0x3FB2] =	sst s0  }
0x18: {  	s0 =	sld [smem:$0x3F95];
	_ =	swait.ge [sflag:s4], $0x0  }
0x19: {  	s7 =	sld [smem:$0x3F96]  }
0x1a: {  	s8 =	sadd.s32 $0xFFFFE003, lr  }
0x1b: {  	s9 =	sadd.s32 $0xFFFFFEF7, lr;
	s5 =	simm.s32 $0xFFFFFFFF;
	p2 =	slt.u32 s8, $0xFFFFF086  }
0x1c: {  	p1 =	slt.u32 s9, $0xF7A;
	s5 =	simm.s32 @!p2 $0x0  }
0x1d: {  	s5 =	simm.s32 @p1 $0x1;
	p0 =	seq.s32 s7, s2  }
0x1e: {  	s7 =	smul.u32 @!p0 $0xF7A, s2;
	p2 =	seq.s32 @!p0 s5, $0x0  }
0x1f: {  	s9 =	smul.u32 $0xF7A, s1;
	s8 =	simm.s32 @!p0 $0x1BF5;
	p2 =	por !p2, p0  }
0x20: {  	[sflag:s8] =	ssyncset.s32 @!p0 $0xFFFFF086;
	s6 =	sadd.s32 @!p0 s3, s7;
	s7 =	simm.s32 @!p0 $0x108  }
0x21: {  	s3 =	sadd.s32 s3, s9;
	s6 =	sadd.s32 @!p0 $0x88, s6;
	s7 =	simm.s32 @p2 $0x1082  }
0x22: {  	[simem:s7], [sflag:s8] =	dma.local @!p0 [hbm:s6], $0xF7A  }
0x23: {  	s9 =	sor.u32 $0xD0000000, s2;
	s6 =	simm.s32 $0x108;
	_ =	swait.ge @!p0 [sflag:s8], $0x0  }
0x24: {  	s3 =	sadd.s32 $0x88, s3;
	s6 =	simm.s32 @!p1 $0x1082;
	[sflag:s4] =	ssyncset.s32 $0xFFFFF086  }
0x25: {  	[simem:s6], [sflag:s4] =	dma.local [hbm:s3], $0xF7A  }
0x26: {  	[smem:$0x3F96] =	sst s1;
	(tag) =	ssettag s2;
	_ =	strace s9  }
0x27: {  	s1 =	sld [smem:$0x3FA6]  }
0x28: {  	s2 =	sld [smem:$0x3FA7]  }
0x29: {  	s4 =	sld [smem:$0x3FA9]  }
0x2a: {  	p0 =	seq.s32 s5, $0x0;
	s5 =	sld [smem:$0x3FAA]  }
0x2b: {  	s6 =	sld [smem:$0x3FAB]  }
0x2c: {  	s7 =	sld [smem:$0x3FAC]  }
0x2d: {  	s3 =	simm.s32 $0x108;
	s8 =	sld [smem:$0x3FAD]  }
0x2e: {  	s3 =	simm.s32 @!p0 $0x1082;
	s9 =	sld [smem:$0x3FAE]  }
0x2f: {  	lr =	sadd.s32 s0, s3;
	s0 =	sld [smem:$0x3FA5]  }
0x30: {  	s3 =	sld [smem:$0x3FA8]  }
0x31: {  	[smem:$0x3FB1] =	sst s10  }
0x32: {  	s10 =	sld [smem:$0x3FAF];
	_ =	sdelay $0x3  }
0x33: {  	p0 =	seq.s32 s10, $0x1;
	s10 =	sld [smem:$0x3FB1];
	_ =	sdelay $0x3  }
0x34: {  	[smem:$0x3FB1] =	sst s10  }
0x35: {  	s10 =	sld [smem:$0x3FB0];
	_ =	sdelay $0x3  }
0x36: {  	p1 =	seq.s32 s10, $0x1;
	s10 =	sld [smem:$0x3FB1];
	_ =	sdelay $0x3  }
0x37: {  	[smem:$0x3FB1] =	sst s10  }
0x38: {  	s10 =	sld [smem:$0x3FB2]  }
0x39: {  	_ = 	snop;
	(pc) =	sbr.ind lr, $3  }
0x3a: {  	_ = 	snop  }
0x3b: {  	_ = 	snop  }
0x3c: {  	p2 =	seq.s32 s10, $0x1;
	s10 =	sld [smem:$0x3FB1]  }
0x3d: {  	_ =	shalt  }
0x3e: {  	_ =	shalt  }
0x3f: {  	_ =	shalt  }
0x40: {  	_ =	shalt  }
0x41: {  	_ =	shalt  }
0x42: {  	_ =	shalt  }
0x43: {  	_ =	shalt  }
0x44: {  	_ =	shalt  }
0x45: {  	_ =	shalt  }
0x46: {  	_ =	shalt  }
0x47: {  	_ =	shalt  }
0x48: {  	_ =	shalt  }
0x49: {  	_ =	shalt  }
0x4a: {  	_ =	shalt  }
0x4b: {  	_ =	shalt  }
0x4c: {  	_ =	shalt  }
0x4d: {  	_ =	shalt  }
0x4e: {  	_ =	shalt  }
0x4f: {  	_ =	shalt  }
0x50: {  	_ =	shalt  }
0x51: {  	_ =	shalt  }
0x52: {  	_ =	shalt  }
0x53: {  	_ =	shalt  }
0x54: {  	_ =	shalt  }
0x55: {  	_ =	shalt  }
0x56: {  	_ =	shalt  }
0x57: {  	_ =	shalt  }
0x58: {  	_ =	shalt  }
0x59: {  	_ =	shalt  }
0x5a: {  	_ =	shalt  }
0x5b: {  	_ =	shalt  }
0x5c: {  	_ =	shalt  }
0x5d: {  	_ =	shalt  }
0x5e: {  	_ =	shalt  }
0x5f: {  	_ =	shalt  }
0x60: {  	_ =	shalt  }
0x61: {  	_ =	shalt  }
0x62: {  	_ =	shalt  }
0x63: {  	_ =	shalt  }
0x64: {  	_ =	shalt  }
0x65: {  	_ =	shalt  }
0x66: {  	_ =	shalt  }
0x67: {  	_ =	shalt  }
0x68: {  	_ =	shalt  }
0x69: {  	_ =	shalt  }
0x6a: {  	_ =	shalt  }
0x6b: {  	_ =	shalt  }
0x6c: {  	_ =	shalt  }
0x6d: {  	_ =	shalt  }
0x6e: {  	_ =	shalt  }
0x6f: {  	_ =	shalt  }
0x70: {  	_ =	shalt  }
0x71: {  	_ =	shalt  }
0x72: {  	_ =	shalt  }
0x73: {  	_ =	shalt  }
0x74: {  	_ =	shalt  }
0x75: {  	_ =	shalt  }
0x76: {  	_ =	shalt  }
0x77: {  	_ =	shalt  }
0x78: {  	_ =	shalt  }
0x79: {  	_ =	shalt  }
0x7a: {  	_ =	shalt  }
0x7b: {  	_ =	shalt  }
0x7c: {  	_ =	shalt  }
0x7d: {  	_ =	shalt  }
0x7e: {  	_ =	shalt  }
0x7f: {  	_ =	shalt  }
0x80: {  	_ =	shalt  }
0x81: {  	_ =	shalt  }
0x82: {  	_ =	shalt  }
0x83: {  	_ =	shalt  }
0x84: {  	_ =	shalt  }
0x85: {  	_ =	shalt  }
0x86: {  	_ =	shalt  }
0x87: {  	_ =	shalt  }
.Lfunc_end0:
.L_simem_size_0:
called_computation.1_lowered:
.L_overlay_start_0:
0x88: {  	s2 =	sld [smem:$0x3FD9]  }
0x89: {  	s3 =	sld [smem:$0x3FFE];
	_ =	sdelay $0x1  }
0x8a: {  	s1 =	srdreg.scid  }
0x8b: {  	s0 =	sand.u32 $0x1, s1  }
0x8c: {  	s17 =	sshll.u32 s0, $0xA;
	s2 =	sadd.s32 s3, s2  }
0x8d: {  	s2 =	sadd.s32 s2, s17  }
0x8e: {  	[smem:$0x3FBD] =	sst s2  }
0x8f: {  	_ = 	snop  }
0x90: {  	s2 =	sld [smem:$0x3FD0];
	(tm) =	ssettm $0x1  }
0x91: {  	s18 =	sld [smem:$0x3FFB];
	_ =	sdelay $0x3  }
0x92: {  	_ =	strace s18  }
0x93: {  	s3 =	sld [smem:$0x3FFC];
	_ =	sdelay $0x3  }
0x94: {  	_ =	strace s3  }
0x95: {  	s3 =	sld [smem:$0x3FFD];
	_ =	sdelay $0x3  }
0x96: {  	_ =	strace s3  }
0x97: {  	_ =	strace $0x8FFFFFFF  }
0x98: {  	s19 =	sld [smem:$0x3FDB];
	_ =	sdelay $0x1  }
0x99: {  	s4 =	simm.s32 $_scs_section_size  }
0x9a: {  	s5 =	simm.s32 $_size__tile_overlayer_lowered;
	s6 =	simm.s32 $_tile_overlayer_lowered  }
0x9b: {  	s22 =	simm.s32 $0x1BFF;
	s21 =	sshll.u32 s6, $0x1;
	s3 =	sadd.s32 s4, s19  }
0x9c: {  	s7 =	simm.s32 $0x0;
	s20 =	sshll.u32 s5, $0x1;
	s5 =	sadd.s32 s21, s3  }
0x9d: {  	[timem:s7], [sflag:s22] =	dma.local [hbm:s5], s20  }
0x9e: {  	_ =	swait.ge [sflag:s22], s20  }
0x9f: {  	s4 =	ssub.s32 $0x0, s20;
	[sflag:s22] =	ssyncset.done $0x0  }
0xa0: {  	[sflag:s22] =	ssyncadd.s32 s4;
	_ =	sdelay $0x1  }
0xa1: {  	s23 =	simm.s32 $0x1B8B  }
0xa2: {  	_ =	swait.ge [sflag:s23], $0x1  }
0xa3: {  	[sflag:s23] =	ssyncset.done $0x0  }
0xa4: {  	s25 =	simm.s32 $0x1B8E;
	s24 =	sld [smem:$0x3FFE];
	[sflag:s23] =	ssyncadd.s32 $0xFFFFFFFF  }
0xa5: {  	s26 =	simm.s32 $execute0_lowered;
	[smem:$0x3FD2] =	sst s25  }
0xa6: {  	s5 =	sshll.u32 s26, $0x1;
	_ =	strace $0x80000049;
	[dreg:$0x1] =	wrdreg $0xFFFFFFFF  }
0xa7: {  	s28 =	simm.s32 $_size_execute0_lowered;
	s3 =	sadd.s32 s3, s5;
	[dreg:$0x0] =	wrdreg $0x0  }
0xa8: {  	s5 =	sshll.u32 s28, $0x1;
	[dreg:$0x2] =	wrdreg s3  }
0xa9: {  	[dreg:$0x3] =	wrdreg s5  }
0xaa: {  	[dreg:$0x4] =	wrdreg $0xC0  }
0xab: {  	_ =	task [dreg:s7], $0x5FFFF  }
0xac: {  	[dreg:$0x1] =	wrdreg $0xFFFFFFFF  }
0xad: {  	[dreg:$0x0] =	wrdreg $0x60  }
0xae: {  	[dreg:$0x2] =	wrdreg s2  }
0xaf: {  	[dreg:$0x3] =	wrdreg s24  }
0xb0: {  	[dreg:$0x4] =	wrdreg $0xC0000  }
0xb1: {  	[dreg:$0x5] =	wrdreg $0x9  }
0xb2: {  	_ =	task.clear_ibuf [dreg:s7], $0x6FFFF;
	_ =	strace $0x90000049  }
0xb3: {  	s29 =	simm.s32 $0x9;
	_ =	strace $0x8000004B  }
0xb4: {  	_ =	swait.ge [sflag:s29], $0x1  }
0xb5: {  	[sflag:s29] =	ssyncadd.s32 $0xFFFFFFFF  }
0xb6: {  	_ =	strace $0x9000004B  }
0xb7: {  	_ =	sfence  }
0xb8: {  	s30 =	sld [smem:$0x0];
	_ =	sdelay $0x2  }
0xb9: {  	s31 =	sshll.u32 s1, $0xD;
	s1 =	sshrl.u32 s1, $0x2  }
0xba: {  	s3 =	sand.u32 $0x4000, s31;
	s1 =	sadd.s32 s1, s30  }
0xbb: {  	s0 =	sor.u32 s3, s0;
	s1 =	sshll.u32 s1, $0x11  }
0xbc: {  	s0 =	sor.u32 s1, s0  }
0xbd: {  	s0 =	sadd.s32 $0x8F2B, s0  }
0xbe: {  	[sflag:s0] =	ssyncadd.remote.s32 $0x1  }
0xbf: {  	_ =	sfence.sel $0xFFFF  }
0xc0: {  	[dreg:$0x0] =	wrdreg $0xFFFFFFFF;
	(pc) =	sbr.abs _section_cstart, $3  }
0xc1: {  	[dreg:$0x1] =	wrdreg $0xFFFFFFFF  }
0xc2: {  	_ =	task.clear_ibuf [dreg:s7], $0x2FFFF;
	_ =	strace $0x9FFFFFFF  }
0xc3: {  	(tm) =	ssettm $0x7FFFFFFF  }
tec
execute0_lowered:
.L_overlay_start_1:
0x0: {  	(tag) =	ssettag $0x1  }
0x1: {  	s1 =	rddreg [dreg:$0x0];
	s2 =	srdreg.scid  }
0x2: {  	s0 =	stileid.u32;
	s7 =	rddreg [dreg:$0x1]  }
0x3: {  	s3 =	rddreg [dreg:$0x2];
	s4 =	simm.s32 $0x0;
	s16 =	simm.s32 $0x3C00  }
0x4: {  	s17 =	simm.s32 $0x2;
	s18 =	simm.s32 $0x1;
	s19 =	simm.s32 $0x0  }
0x5: {  	s8 =	sand.u32 $0x1, s2;
	s2 =	rddreg [dreg:$0x3];
	s10 =	smul.u32 $0x13C00, s0  }
0x6: {  	s30 =	sshll.u32 s0, $0x1;
	[smem:$0x7FF] =	sst s4;
	s12 =	smul.u32 $0x4F000, s0  }
0x7: {  	s6 =	sadd.s32 $0xC000, s7;
	s5 =	sor.u32 s8, s30;
	s9 =	smul.u32 $0x13C000, s8  }
0x8: {  	_ =	strace $0x8000004A;
	s8 =	ssub.s32 $0x2, s8;
	s5 =	smul.u32 $0x2800, s5  }
0x9: {  	s31 =	sshrl.u32 s8, $0x1;
	s12 =	sshrl.u32 s12, $0x2;
	s9 =	sadd.s32 s10, s9  }
.Ltmp0:
0xa: {  	s11 =	sshrl.u32 s5, $0x3;
	s9 =	sshrl.u32 s9, $0x3;
	(pc) =	sbr.rel .LBB2_1-.Ltmp0, $4  }
0xb: {  	s15 =	ssub.s32 s8, s31;
	s13 =	sadd.s32 s11, s7;
	s14 =	sadd.s32 s9, s7  }
0xc: {  	s7 =	sadd.s32 s12, s3;
	s8 =	sadd.s32 s6, s11;
	s11 =	smax.u32 s15, $0x1  }
0xd: {  	s12 =	simm.s32 $0xBC00;
	s15 =	simm.s32 $0x80;
	s9 =	sadd.s32 $0x2000, s13  }
0xe: {  	v0 =	vimm.f32 $0.0e+00;
	s10 =	sadd.s32 $0x16000, s14;
	s13 =	simm.s32 $0x3;
	s14 =	simm.s32 $0x1400  }
.LBB2_8:
0xf: {  	[spmem:s3] =	stream.indirect.scatter.add.f32 [tilespmem:s23], [sflag:$0x2], $0x80, s20, s15, $0xb8;
	[tilespmem:$0x1FC00] =	vst v63  }
.LBB2_11:
0x10: {  	_ =	swait.ge [sflag:s17], $0x4000  }
0x11: {  	[sflag:s17] =	ssyncset.done $0x0  }
0x12: {  	[sflag:s17] =	ssyncadd.s32 $0xFFFFC000  }
0x13: {  	_ =	swait.ge [sflag:s17], $0x4000  }
0x14: {  	s20 =	sshll.u32 s0, $0x6;
	s19 =	sadd.s32 $0x1, s19;
	[sflag:s17] =	ssyncset.done $0x0  }
0x15: {  	s21 =	sshrl.u32 s7, $0x3;
	p0 =	sne.s32 s19, s11;
	[sflag:s17] =	ssyncadd.s32 $0xFFFFC000  }
.Ltmp1:
0x16: {  	s20 =	sor.u32 $0x1C03, s20;
	[bflag:$0x0] =	sbarrier.arrive $0xFFFF;
	(pc) =	sbr.rel @!p0 .LBB2_12-.Ltmp1, $4  }
0x17: {  	[hbm:s10], [sflag:s20] =	dma.local [spmem:s21], $0x2780  }
0x18: {  	_ =	swait.ge [sflag:s13], $0x2780  }
0x19: {  	[sflag:s13] =	ssyncset.done $0x0  }
0x1a: {  	[sflag:s13] =	ssyncadd.s32 $0xFFFFD880  }
.LBB2_1:
0x1b: {  	[tilespmem:$0xBC00] =	vst v0  }
0x1c: {  	[tilespmem:$0xBC10] =	vst v0  }
0x1d: {  	[tilespmem:$0xBC20] =	vst v0  }
0x1e: {  	[tilespmem:$0xBC30] =	vst v0  }
0x1f: {  	[tilespmem:$0xBC40] =	vst v0  }
0x20: {  	[tilespmem:$0xBC50] =	vst v0  }
0x21: {  	[tilespmem:$0xBC60] =	vst v0  }
0x22: {  	[tilespmem:$0xBC70] =	vst v0  }
0x23: {  	[tilespmem:$0xBC80] =	vst v0  }
0x24: {  	[tilespmem:$0xBC90] =	vst v0  }
0x25: {  	[tilespmem:$0xBCA0] =	vst v0  }
0x26: {  	[tilespmem:$0xBCB0] =	vst v0  }
0x27: {  	[tilespmem:$0xBCC0] =	vst v0  }
0x28: {  	[tilespmem:$0xBCD0] =	vst v0  }
0x29: {  	[tilespmem:$0xBCE0] =	vst v0  }
0x2a: {  	[tilespmem:$0xBCF0] =	vst v0  }
0x2b: {  	[tilespmem:$0xBD00] =	vst v0  }
0x2c: {  	[tilespmem:$0xBD10] =	vst v0  }
0x2d: {  	[tilespmem:$0xBD20] =	vst v0  }
0x2e: {  	[tilespmem:$0xBD30] =	vst v0  }
0x2f: {  	[tilespmem:$0xBD40] =	vst v0  }
0x30: {  	[tilespmem:$0xBD50] =	vst v0  }
0x31: {  	[tilespmem:$0xBD60] =	vst v0  }
0x32: {  	[tilespmem:$0xBD70] =	vst v0  }
0x33: {  	[tilespmem:$0xBD80] =	vst v0  }
0x34: {  	[tilespmem:$0xBD90] =	vst v0  }
0x35: {  	[tilespmem:$0xBDA0] =	vst v0  }
0x36: {  	[tilespmem:$0xBDB0] =	vst v0  }
0x37: {  	[tilespmem:$0xBDC0] =	vst v0  }
0x38: {  	[tilespmem:$0xBDD0] =	vst v0  }
0x39: {  	[tilespmem:$0xBDE0] =	vst v0  }
0x3a: {  	[tilespmem:$0xBDF0] =	vst v0  }
0x3b: {  	[tilespmem:$0xBE00] =	vst v0  }
0x3c: {  	[tilespmem:$0xBE10] =	vst v0  }
0x3d: {  	[tilespmem:$0xBE20] =	vst v0  }
0x3e: {  	[tilespmem:$0xBE30] =	vst v0  }
0x3f: {  	[tilespmem:$0xBE40] =	vst v0  }
0x40: {  	[tilespmem:$0xBE50] =	vst v0  }
0x41: {  	[tilespmem:$0xBE60] =	vst v0  }
0x42: {  	[tilespmem:$0xBE70] =	vst v0  }
0x43: {  	[tilespmem:$0xBE80] =	vst v0  }
0x44: {  	[tilespmem:$0xBE90] =	vst v0  }
0x45: {  	[tilespmem:$0xBEA0] =	vst v0  }
0x46: {  	[tilespmem:$0xBEB0] =	vst v0  }
0x47: {  	[tilespmem:$0xBEC0] =	vst v0  }
0x48: {  	[tilespmem:$0xBED0] =	vst v0  }
0x49: {  	[tilespmem:$0xBEE0] =	vst v0  }
0x4a: {  	[tilespmem:$0xBEF0] =	vst v0  }
0x4b: {  	[tilespmem:$0xBF00] =	vst v0  }
0x4c: {  	[tilespmem:$0xBF10] =	vst v0  }
0x4d: {  	[tilespmem:$0xBF20] =	vst v0  }
0x4e: {  	[tilespmem:$0xBF30] =	vst v0  }
0x4f: {  	[tilespmem:$0xBF40] =	vst v0  }
0x50: {  	[tilespmem:$0xBF50] =	vst v0  }
0x51: {  	[tilespmem:$0xBF60] =	vst v0  }
0x52: {  	[tilespmem:$0xBF70] =	vst v0  }
0x53: {  	[tilespmem:$0xBF80] =	vst v0  }
0x54: {  	[tilespmem:$0xBF90] =	vst v0  }
0x55: {  	[tilespmem:$0xBFA0] =	vst v0  }
0x56: {  	[tilespmem:$0xBFB0] =	vst v0  }
0x57: {  	[tilespmem:$0xBFC0] =	vst v0  }
0x58: {  	[tilespmem:$0xBFD0] =	vst v0  }
0x59: {  	[tilespmem:$0xBFE0] =	vst v0  }
0x5a: {  	[tilespmem:$0xBFF0] =	vst v0;
	s20 =	simm.s32 $0x1000;
	s21 =	sadd.s32 $0x0, s7  }
.LBB2_2:
0x5b: {  	[spmem:s21] =	stream.linear.scatter [tilespmem:s12], [sflag:$0x2], $0x400, $0x38;
	[tilespmem:$0x1FC00] =	vst v63  }
0x5c: {  	s21 =	smov.u32 s20;
	p0 =	sne.s32 s20, $0x4E000  }
.Ltmp2:
0x5d: {  	s20 =	sadd.s32 $0x1000, s20;
	(pc) =	sbr.rel @p0 .LBB2_2-.Ltmp2, $3  }
0x5e: {  	_ =	sdelay $0x1  }
0x5f: {  	s21 =	sshra.s32 s21, $0x2  }
0x60: {  	s21 =	sadd.s32 s21, s7  }
0x61: {  	[spmem:s21] =	stream.linear.scatter [tilespmem:s12], [sflag:$0x2], $0x400, $0x38;
	[tilespmem:$0x1FC00] =	vst v63  }
0x62: {  	_ = 	snop  }
0x63: {  	[tilespmem:s4], [sflag:$0x3] =	stream.linear.gather [hbm4b:s8+s4], $0x1400, $0x38;
	[tilespmem:$0x1FC00] =	vst v63  }
0x64: {  	_ =	swait.ge [sflag:s13], $0x1400  }
0x65: {  	[sflag:s13] =	ssyncset.done $0x0  }
0x66: {  	[sflag:s13] =	ssyncadd.s32 $0xFFFFEC00  }
0x67: {  	[tilespmem:s14], [sflag:$0x3] =	stream.linear.gather [hbm4b:s9+s4], $0x2800, $0x38;
	[tilespmem:$0x1FC00] =	vst v63  }
0x68: {  	_ =	swait.ge [sflag:s13], $0x2800  }
0x69: {  	[sflag:s13] =	ssyncset.done $0x0  }
0x6a: {  	[sflag:s13] =	ssyncadd.s32 $0xFFFFD800  }
0x6b: {  	[tilespmem:s16], [sflag:$0x1] =	stream.indirect.gather [hbm4b:s1+s15], $0x80, s4, s15, $0xb8;
	[tilespmem:$0x1FC00] =	vst v63  }
0x6c: {  	_ =	swait.ge [sflag:s17], $0x400  }
0x6d: {  	s20 =	simm.s32 $0x4E;
	[sflag:s17] =	ssyncset.done $0x0  }
.LBB2_4:
0x6e: {  	p0 =	sne.s32 s20, $0x1;
	s20 =	sadd.s32 $0xFFFFFFFF, s20;
	[sflag:s17] =	ssyncadd.s32 $0xFFFFFC00  }
.Ltmp3:
0x6f: {  	(pc) =	sbr.rel @p0 .LBB2_4-.Ltmp3, $3  }
0x70: {  	_ =	sdelay $0x1  }
0x71: {  	_ =	swait.ge [sflag:s17], $0x400  }
0x72: {  	[sflag:s17] =	ssyncset.done $0x0  }
.Ltmp4:
0x73: {  	(pc) =	sbr.rel .LBB2_6-.Ltmp4, $4  }
0x74: {  	_ = 	snop  }
0x75: {  	[sflag:s17] =	ssyncadd.s32 $0xFFFFFC00  }
0x76: {  	[bflag:$0x0] =	sbarrier.arrive $0xFFFF  }
0x77: {  	s20 =	simm.s32 $0x1400;
	s21 =	simm.s32 $0x0;
	s22 =	simm.s32 $0x1  }
.LBB2_10:
0x78: {  	s24 =	smul.u32 $0xCD, s22;
	_ =	sdelay $0x1  }
0x79: {  	s24 =	sshrl.u32 s24, $0xD  }
0x7a: {  	s24 =	sand.u32 $0x7, s24  }
0x7b: {  	s24 =	smul.u32 $0x28, s24;
	_ =	sdelay $0x1  }
0x7c: {  	s21 =	sadd.s32 $0x4000, s21;
	s24 =	ssub.s32 s22, s24  }
0x7d: {  	s25 =	sand.u32 $0x4000, s21;
	p0 =	sne.s32 s21, $0x140000;
	s24 =	sand.u32 $0xFF, s24  }
.Ltmp5:
0x7e: {  	s25 =	sor.u32 $0x3C00, s25;
	s24 =	sshll.u32 s24, $0x7;
	(pc) =	sbr.rel @!p0 .LBB2_11-.Ltmp5, $4  }
0x7f: {  	[tilespmem:s25], [sflag:$0x1] =	stream.indirect.gather [hbm4b:s1+s15], $0x80, s24, s15, $0xb8;
	[tilespmem:$0x1FC00] =	vst v63  }
0x80: {  	_ = 	snop  }
0x81: {  	[spmem:s3] =	stream.indirect.scatter.add.f32 [tilespmem:s23], [sflag:$0x2], $0x80, s20, s15, $0xb8;
	[tilespmem:$0x1FC00] =	vst v63  }
0x82: {  	s22 =	sadd.s32 $0x1, s22;
	s20 =	sadd.s32 $0x80, s20  }
.LBB2_6:
0x83: {  	s24 =	sadd.s32 $0xFFFFFFFF, s22  }
0x84: {  	p0 =	seq.s32 s24, $0x0  }
.Ltmp6:
0x85: {  	_ = 	snop;
	(pc) =	sbr.rel @p0 .LBB2_10-.Ltmp6, $4  }
0x86: {  	_ = 	snop  }
0x87: {  	_ =	swait.ge [sflag:s18], $0x4000  }
0x88: {  	s23 =	sand.u32 $0x4000, s21;
	[sflag:s18] =	ssyncset.done $0x0  }
0x89: {  	s23 =	sor.u32 $0x3C00, s23;
	[sflag:s18] =	ssyncadd.s32 $0xFFFFC000  }
0x8a: {  	p0 =	sne.s32 s24, $0x4F  }
.Ltmp7:
0x8b: {  	_ = 	snop;
	(pc) =	sbr.rel @!p0 .LBB2_8-.Ltmp7, $1  }
0x8c: {  	_ =	sdelay $0x3  }
0x8d: {  	s25 =	sadd.s32 $0xFFFFFFD7, s22;
	p0 =	slt.u32 s24, $0x28  }
0x8e: {  	s25 =	smov.u32 @p0 s24  }
0x8f: {  	p0 =	sne.s32 s25, $0x27  }
0x90: {  	p1 =	sgt.u32 @!p0 s24, $0x27  }
0x91: {  	s24 =	simm.s32 @!p0 $0x2800;
	p1 =	por !p1, p0  }
0x92: {  	s24 =	simm.s32 @p1 $0x1400  }
0x93: {  	_ =	swait.ge [sflag:s17], $0x4000;
	s24 =	sadd.s32 @!p0 s5, s24  }
0x94: {  	[sflag:s17] =	ssyncset.done $0x0;
	s24 =	sshrl.u32 @!p0 s24, $0x3  }
0x95: {  	[sflag:s17] =	ssyncadd.s32 $0xFFFFC000;
	s25 =	simm.s32 @!p0 $0x0;
	s24 =	sadd.s32 @!p0 s6, s24  }
0x96: {  	[tilespmem:s25], [sflag:$0x3] =	stream.linear.gather @!p0 [hbm4b:s24+s25], $0x1400, $0x38;
	[tilespmem:$0x1FC00] =	vst v63  }
.Ltmp8:
0x97: {  	_ = 	snop;
	(pc) =	sbr.rel .LBB2_10-.Ltmp8, $4  }
0x98: {  	s24 =	simm.s32 @!p0 $0x3  }
0x99: {  	_ =	swait.ge @!p0 [sflag:s24], $0x1400  }
0x9a: {  	[sflag:s24] =	ssyncset.done @!p0 $0x0  }
0x9b: {  	[sflag:s24] =	ssyncadd.s32 @!p0 $0xFFFFEC00  }
.LBB2_12:
0x9c: {  	_ =	sfence.sel $0x180000  }
0x9d: {  	[bflag:$0x0] =	sbarrier.arrive $0xFFFF  }
0x9e: {  	p0 =	sne.s32 s0, $0x0;
	_ =	strace $0x9000004A  }
0x9f: {  	s0 =	sadd.s32 @!p0 $0x100000, s2;
	[bflag:$0x2] =	sbarrier.arrive $0xFFFF  }
0xa0: {  	[sflag:s0] =	ssyncadd.tile.s32 @!p0 $0x1;
	_ =	shalt  }
.Lfunc_end2:
_tile_overlayer_lowered:
.L_overlay_start_2:
0xa1: {  	(tag) =	ssettag $0x2  }
0xa2: {  	s0 =	rddreg [dreg:$0x0];
	s2 =	stileid.u32  }
0xa3: {  	s1 =	rddreg [dreg:$0x1];
	p0 =	sne.s32 s2, $0x0  }
0xa4: {  	s3 =	rddreg [dreg:$0x2];
	[bflag:$0x3] =	sbarrier.arrive $0xFFFF;
	s2 =	simm.s32 @!p0 $0x1C03  }
0xa5: {  	[timem:s3], [sflag:s2] =	dma.local @!p0 [hbm:s0], s1  }
0xa6: {  	s0 =	simm.s32 @!p0 $0x3  }
0xa7: {  	_ =	swait.ge @!p0 [sflag:s0], s1  }
0xa8: {  	s1 =	ssub.s32 @!p0 $0x0, s1;
	[sflag:s0] =	ssyncset.done @!p0 $0x0  }
0xa9: {  	[sflag:s0] =	ssyncadd.s32 @!p0 s1  }
0xaa: {  	[bflag:$0x3] =	sbarrier.arrive $0xFFFF  }
0xab: {  	_ =	shalt  }

</sc_bundles>
